<compile_context>
chip_gen: v7x
topology: tpu7x:2x2x1
jax: 0.10.2.dev20260603
libtpu: 0.0.44.dev20260713+nightly
codegen_flags: <defaults>
</compile_context>

<pallas_src>
import functools

import jax
import jax.numpy as jnp
from jax import lax
from jax.experimental import pallas as pl
from jax.experimental.pallas import tpu as pltpu
from jax.experimental.pallas import tpu_sc as plsc

_LANES = 16
_NBUF = 4
_NOB = 2


def _mask_body(x_ref, mask_ref):
    mask_ref[...] = x_ref[...] == 0


def _make_mask(B, L, block_rows):
    return pl.pallas_call(
        _mask_body,
        grid=(B // block_rows,),
        in_specs=[pl.BlockSpec((block_rows, L), lambda i: (i, 0))],
        out_specs=pl.BlockSpec((block_rows, L), lambda i: (i, 0)),
        out_shape=jax.ShapeDtypeStruct((B, L), jnp.bool_),
    )


def _make_sc_combine(B, L, D):
    info = plsc.get_sparse_core_info()
    NC, NS = info.num_cores, info.num_subcores
    NW = NC * NS
    assert B % NW == 0
    rows_w = B // NW
    H0 = (L // 2) & ~7
    H1 = L - H0
    assert 0 < H0 <= 128 and 0 < H1 <= 128 and H1 % 8 == 0
    HMAX = max(H0, H1)
    NCH = 2 * rows_w
    assert NCH % _NBUF == 0
    NSUP = NCH // _NBUF
    NSL = L // _LANES
    TAIL = L % _LANES
    mesh = plsc.VectorSubcoreMesh(core_axis_name="c", subcore_axis_name="s")

    @functools.partial(
        pl.kernel,
        mesh=mesh,
        compiler_params=pltpu.CompilerParams(
            use_tc_tiling_on_sc=False, needs_layout_passes=False),
        out_type=jax.ShapeDtypeStruct((B, L, D), jnp.float32),
        scratch_types=[
            pltpu.VMEM((rows_w, L), jnp.int32),
            pltpu.VMEM((rows_w, L), jnp.int32),
            pltpu.VMEM((_NBUF, HMAX, D), jnp.float32),
            pltpu.VMEM((_NBUF, HMAX, D), jnp.float32),
            pltpu.VMEM((_NOB, HMAX, D), jnp.float32),
            [pltpu.SemaphoreType.DMA] * _NBUF,
            [pltpu.SemaphoreType.DMA] * _NOB,
        ],
    )
    def sc_combine(xi_hbm, tok_hbm, pos_hbm, out_hbm,
                   xi_v, pi_v, tr, pr, ob, sg, so):
        wid = lax.axis_index("s") * NC + lax.axis_index("c")
        row_base = wid * rows_w
        pltpu.sync_copy(xi_hbm.at[pl.ds(row_base, rows_w)], xi_v)

        lanes = lax.iota(jnp.int32, _LANES)

        def pos_row(r, carry):
            c = jnp.int32(0)
            for s in range(NSL):
                xv = xi_v[r, pl.ds(s * _LANES, _LANES)]
                m = xv != 0
                mi = jnp.where(m, 1, 0)
                cs = plsc.cumsum(mi) + c
                pi_v[r, pl.ds(s * _LANES, _LANES)] = jnp.where(m, cs, 0)
                c = c + jnp.sum(mi)
            if TAIL:
                off = L - _LANES
                xv = xi_v[r, pl.ds(off, _LANES)]
                m = xv != 0
                mi = jnp.where(m, 1, 0)
                head = jnp.sum(jnp.where(lanes < NSL * _LANES - off, mi, 0))
                cs = plsc.cumsum(mi) + (c - head)
                pi_v[r, pl.ds(off, _LANES)] = jnp.where(m, cs, 0)
            return carry

        lax.fori_loop(0, rows_w, pos_row, 0)

        def issue(j, b):
            r = j // 2
            off, h = (0, H0) if b % 2 == 0 else (H0, H1)
            pltpu.async_copy(
                tok_hbm.at[xi_v.at[r, pl.ds(off, h)]],
                tr.at[b, pl.ds(0, h)], sg[b])
            pltpu.async_copy(
                pos_hbm.at[pi_v.at[r, pl.ds(off, h)]],
                pr.at[b, pl.ds(0, h)], sg[b])

        for b in range(_NBUF):
            issue(b, b)

        def super_body(jj, carry2):
            for b in range(_NBUF):
                j = jj * _NBUF + b
                b2 = b % _NOB
                off, h = (0, H0) if b % 2 == 0 else (H0, H1)
                pltpu.make_async_copy(
                    tok_hbm.at[xi_v.at[0, pl.ds(0, h)]],
                    tr.at[b, pl.ds(0, h)], sg[b]).wait()
                pltpu.make_async_copy(
                    pos_hbm.at[pi_v.at[0, pl.ds(0, h)]],
                    pr.at[b, pl.ds(0, h)], sg[b]).wait()

                @pl.when(j >= _NOB)
                def _():
                    pltpu.make_async_copy(
                        ob.at[b2, pl.ds(0, h)],
                        out_hbm.at[0, pl.ds(off, h)], so[b2]).wait()

                @plsc.parallel_loop(0, h, unroll=4)
                def _(r):
                    for cc in range(D // _LANES):
                        sl = pl.ds(cc * _LANES, _LANES)
                        ob[b2, r, sl] = tr[b, r, sl] + pr[b, r, sl]

                pltpu.async_copy(
                    ob.at[b2, pl.ds(0, h)],
                    out_hbm.at[row_base + j // 2, pl.ds(off, h)],
                    so[b2])

                @pl.when(j + _NBUF < NCH)
                def _():
                    issue(j + _NBUF, b)
            return carry2

        lax.fori_loop(0, NSUP, super_body, 0)
        for b2 in range(_NOB):
            off, h = (0, H0) if b2 % 2 == 0 else (H0, H1)
            pltpu.make_async_copy(
                ob.at[b2, pl.ds(0, h)],
                out_hbm.at[0, pl.ds(off, h)], so[b2]).wait()

    return sc_combine


def kernel(x, tok_table, pos_table):
    B, L = x.shape
    V, D = tok_table.shape
    x32 = x.astype(jnp.int32)
    mask = _make_mask(B, L, 512)(x32)
    out = _make_sc_combine(B, L, D)(x32, tok_table, pos_table)
    return out, mask

# --- scband reference (transcript-rebuilt; emitter-appended) ---
"""Pipeline reference for scband-combined-embedding-7782480740390 (READ-ONLY COPY).

The authoritative reference and input builder live on the scoring server;
editing this copy changes nothing except your own understanding.
"""

import jax, jax.numpy as jnp
import numpy as np


def setup_inputs(seed: int = 0) -> dict:
    key = jax.random.key(seed)
    k1, k2, k3 = jax.random.split(key, 3)
    x = jax.random.randint(k1, (4096, 200), 0, 1000000)
    tok_table = jax.random.normal(k2, (1000000, 64), dtype=jnp.float32) * 0.02
    tok_table = tok_table.at[0].set(0.0)  # padding_idx=0 row zeroed like nn.Embedding
    pos_table = jax.random.normal(k3, (513, 64), dtype=jnp.float32) * 0.01
    pos_table = pos_table.at[0].set(0.0)  # pos padding_idx=0 row zeroed
    return {"x": x, "tok_table": tok_table, "pos_table": pos_table}


def reference(x, tok_table, pos_table):
    # x: int64[B, L] -> unsqueeze to [B, L, 1] as in torch forward
    x3 = x[:, :, None]
    padding_mask = x3[:, :, 0] == 0  # tok_padding_idx = 0
    positions = jnp.cumsum((~padding_mask).astype(jnp.int32), axis=-1)  # add_length = 0
    positions = jnp.where(padding_mask, 0, positions)  # pos_padding_idx = 0
    # enforce padding rows are zero (matches nn.Embedding padding_idx semantics)
    tok_t = tok_table.at[0].set(0.0)
    pos_t = pos_table.at[0].set(0.0)
    tok = jnp.take(tok_t, x3, axis=0)  # [B, L, 1, D]
    tok = tok.sum(axis=2)              # [B, L, D]
    out = tok + jnp.take(pos_t, positions, axis=0)
    return out, padding_mask

if __name__ == "__main__":
    import jax
    _d = setup_inputs()
    print(jax.jit(kernel)(*tuple(_d.values())))

</pallas_src>

<mosaic_0001>
#map = affine_map<(d0, d1) -> (0, 0)>
#map1 = affine_map<(d0, d1) -> (0, 0, 0)>
module attributes {stable_mosaic.version = 14 : i64} {
  func.func @sc_combine(%arg0: i32, %arg1: i32, %arg2: memref<4096x200xi32, #tpu.memory_space<hbm>>, %arg3: memref<1000000x64xf32, #tpu.memory_space<hbm>>, %arg4: memref<513x64xf32, #tpu.memory_space<hbm>>, %arg5: memref<4096x200x64xf32, #tpu.memory_space<hbm>>, %arg6: memref<128x200xi32, #tpu.memory_space<vmem>>, %arg7: memref<128x200xi32, #tpu.memory_space<vmem>>, %arg8: memref<4x104x64xf32, #tpu.memory_space<vmem>>, %arg9: memref<4x104x64xf32, #tpu.memory_space<vmem>>, %arg10: memref<2x104x64xf32, #tpu.memory_space<vmem>>, %arg11: memref<!tpu.dma_semaphore, #tpu.memory_space<semaphore_mem>>, %arg12: memref<!tpu.dma_semaphore, #tpu.memory_space<semaphore_mem>>, %arg13: memref<!tpu.dma_semaphore, #tpu.memory_space<semaphore_mem>>, %arg14: memref<!tpu.dma_semaphore, #tpu.memory_space<semaphore_mem>>, %arg15: memref<!tpu.dma_semaphore, #tpu.memory_space<semaphore_mem>>, %arg16: memref<!tpu.dma_semaphore, #tpu.memory_space<semaphore_mem>>) attributes {dimension_semantics = [#tpu.dimension_semantics<core_parallel>, #tpu.dimension_semantics<subcore_parallel>], iteration_bounds = array<i64: 2, 16>, scalar_prefetch = 0 : i64, scratch_operands = 11 : i64, tpu.core_type = #tpu.core_type<sc_vector_subcore>, window_params = [{transform_indices = #map}, {transform_indices = #map}, {transform_indices = #map}, {transform_indices = #map1}]} {
    %mul3A = arith.constant 2 : i32
    %mul3A_0 = arith.muli %arg1, %mul3A : i32
    %add3A = arith.addi %mul3A_0, %arg0 : i32
    %mul3A_1 = arith.constant 128 : i32
    %mul3A_2 = arith.muli %add3A, %mul3A_1 : i32
    "tpu.region"() ({
      %run_scoped3A = tpu.sem_alloc : memref<!tpu.dma_semaphore, #tpu.memory_space<semaphore_mem>>
      %dma_start3A_144 = arith.constant 0 : i32
      %dma_start3A_145 = tpu.memref_slice %arg2[%mul3A_2, %dma_start3A_144] : memref<4096x200xi32, #tpu.memory_space<hbm>> -> memref<128x200xi32, #tpu.memory_space<hbm>>
      %dma_start3A_146 = arith.constant 0 : i32
      %dma_start3A_147 = tpu.memref_slice %arg2[%mul3A_2, %dma_start3A_146] : memref<4096x200xi32, #tpu.memory_space<hbm>> -> memref<128x200xi32, #tpu.memory_space<hbm>>
      tpu.enqueue_dma source(%dma_start3A_147 : memref<128x200xi32, #tpu.memory_space<hbm>>) target(%arg6 : memref<128x200xi32, #tpu.memory_space<vmem>>) target_semaphore(%run_scoped3A : memref<!tpu.dma_semaphore, #tpu.memory_space<semaphore_mem>>)
      %dma_wait3A_148 = arith.constant 0 : i32
      %dma_wait3A_149 = tpu.memref_slice %arg2[%mul3A_2, %dma_wait3A_148] : memref<4096x200xi32, #tpu.memory_space<hbm>> -> memref<128x200xi32, #tpu.memory_space<hbm>>
      %dma_wait3A_150 = arith.constant 0 : i32
      %dma_wait3A_151 = tpu.memref_slice %arg2[%mul3A_2, %dma_wait3A_150] : memref<4096x200xi32, #tpu.memory_space<hbm>> -> memref<128x200xi32, #tpu.memory_space<hbm>>
      tpu.wait_dma2 semaphore(%run_scoped3A : memref<!tpu.dma_semaphore, #tpu.memory_space<semaphore_mem>>) src(%dma_wait3A_151 : memref<128x200xi32, #tpu.memory_space<hbm>>) dst(%arg6 : memref<128x200xi32, #tpu.memory_space<vmem>>)
      tpu.yield
    }) : () -> ()
    %iota3A = tpu.iota {dimensions = array<i32: 0>} : vector<16xi32>
    %scan3A = arith.constant 0 : i32
    %scan3A_3 = arith.constant 0 : i32
    %scan3A_4 = arith.constant 128 : i32
    %scan3A_5 = arith.addi %scan3A_3, %scan3A_4 : i32
    %scan3A_6 = arith.constant 1 : i32
    scf.for %scan3A_144 = %scan3A_3 to %scan3A_5 step %scan3A_6  : i32 {
      %get3A = arith.index_cast %scan3A_144 : i32 to index
      %get3A_145 = arith.constant 0 : index
      %get3A_146 = tpu.vector_load %arg6[%get3A, %get3A_145] {strides = array<i32>} : memref<128x200xi32, #tpu.memory_space<vmem>>, vector<16xi32>,
      %ne3A = arith.constant 0 : i32
      %ne3A_147 = vector.broadcast %ne3A : i32 to vector<16xi32>
      %ne3A_148 = arith.cmpi ne, %get3A_146, %ne3A_147 : vector<16xi32>
      %jit3A = arith.constant 1 : i32
      %jit3A_149 = arith.constant 0 : i32
      %broadcast_in_dim3A = vector.broadcast %jit3A : i32 to vector<16xi32>
      %broadcast_in_dim3A_150 = vector.broadcast %jit3A_149 : i32 to vector<16xi32>
      %select_n3A = arith.select %ne3A_148, %broadcast_in_dim3A, %broadcast_in_dim3A_150 : vector<16xi1>, vector<16xi32>
      %broadcast_in_dim3A_151 = arith.constant true
      %broadcast_in_dim3A_152 = vector.broadcast %broadcast_in_dim3A_151 : i1 to vector<16xi1>
      %masked_cumsum3A = tpu.scan <sum>, %select_n3A masked %broadcast_in_dim3A_152 : vector<16xi32>, vector<16xi1> -> vector<16xi32>
      %add3A_153 = arith.constant 0 : i32
      %add3A_154 = vector.broadcast %add3A_153 : i32 to vector<16xi32>
      %add3A_155 = arith.addi %masked_cumsum3A, %add3A_154 : vector<16xi32>
      %jit3A_156 = arith.constant 0 : i32
      %broadcast_in_dim3A_157 = vector.broadcast %jit3A_156 : i32 to vector<16xi32>
      %select_n3A_158 = arith.select %ne3A_148, %add3A_155, %broadcast_in_dim3A_157 : vector<16xi1>, vector<16xi32>
      %swap3A = arith.index_cast %scan3A_144 : i32 to index
      %swap3A_159 = arith.constant 0 : index
      %swap3A_160 = tpu.vector_load %arg7[%swap3A, %swap3A_159] {strides = array<i32>} : memref<128x200xi32, #tpu.memory_space<vmem>>, vector<16xi32>,
      tpu.vector_store %arg7[%swap3A, %swap3A_159], %select_n3A_158 {strides = array<i32>} : memref<128x200xi32, #tpu.memory_space<vmem>>, vector<16xi32>,
      %reduce_sum3A = arith.constant true
      %reduce_sum3A_161 = vector.broadcast %reduce_sum3A : i1 to vector<16xi1>
      %reduce_sum3A_162 = tpu.scan <sum>, %select_n3A masked %reduce_sum3A_161 : vector<16xi32>, vector<16xi1> -> vector<16xi32>
      %reduce_sum3A_163 = vector.extract %reduce_sum3A_162[15] : i32 from vector<16xi32>
      %add3A_164 = arith.constant 0 : i32
      %add3A_165 = arith.addi %add3A_164, %reduce_sum3A_163 : i32
      %get3A_166 = arith.index_cast %scan3A_144 : i32 to index
      %get3A_167 = arith.constant 16 : index
      %get3A_168 = tpu.vector_load %arg6[%get3A_166, %get3A_167] {strides = array<i32>} : memref<128x200xi32, #tpu.memory_space<vmem>>, vector<16xi32>,
      %ne3A_169 = arith.constant 0 : i32
      %ne3A_170 = vector.broadcast %ne3A_169 : i32 to vector<16xi32>
      %ne3A_171 = arith.cmpi ne, %get3A_168, %ne3A_170 : vector<16xi32>
      %jit3A_172 = arith.constant 1 : i32
      %jit3A_173 = arith.constant 0 : i32
      %broadcast_in_dim3A_174 = vector.broadcast %jit3A_172 : i32 to vector<16xi32>
      %broadcast_in_dim3A_175 = vector.broadcast %jit3A_173 : i32 to vector<16xi32>
      %select_n3A_176 = arith.select %ne3A_171, %broadcast_in_dim3A_174, %broadcast_in_dim3A_175 : vector<16xi1>, vector<16xi32>
      %broadcast_in_dim3A_177 = arith.constant true
      %broadcast_in_dim3A_178 = vector.broadcast %broadcast_in_dim3A_177 : i1 to vector<16xi1>
      %masked_cumsum3A_179 = tpu.scan <sum>, %select_n3A_176 masked %broadcast_in_dim3A_178 : vector<16xi32>, vector<16xi1> -> vector<16xi32>
      %add3A_180 = vector.broadcast %add3A_165 : i32 to vector<16xi32>
      %add3A_181 = arith.addi %masked_cumsum3A_179, %add3A_180 : vector<16xi32>
      %jit3A_182 = arith.constant 0 : i32
      %broadcast_in_dim3A_183 = vector.broadcast %jit3A_182 : i32 to vector<16xi32>
      %select_n3A_184 = arith.select %ne3A_171, %add3A_181, %broadcast_in_dim3A_183 : vector<16xi1>, vector<16xi32>
      %swap3A_185 = arith.index_cast %scan3A_144 : i32 to index
      %swap3A_186 = arith.constant 16 : index
      %swap3A_187 = tpu.vector_load %arg7[%swap3A_185, %swap3A_186] {strides = array<i32>} : memref<128x200xi32, #tpu.memory_space<vmem>>, vector<16xi32>,
      tpu.vector_store %arg7[%swap3A_185, %swap3A_186], %select_n3A_184 {strides = array<i32>} : memref<128x200xi32, #tpu.memory_space<vmem>>, vector<16xi32>,
      %reduce_sum3A_188 = arith.constant true
      %reduce_sum3A_189 = vector.broadcast %reduce_sum3A_188 : i1 to vector<16xi1>
      %reduce_sum3A_190 = tpu.scan <sum>, %select_n3A_176 masked %reduce_sum3A_189 : vector<16xi32>, vector<16xi1> -> vector<16xi32>
      %reduce_sum3A_191 = vector.extract %reduce_sum3A_190[15] : i32 from vector<16xi32>
      %add3A_192 = arith.addi %add3A_165, %reduce_sum3A_191 : i32
      %get3A_193 = arith.index_cast %scan3A_144 : i32 to index
      %get3A_194 = arith.constant 32 : index
      %get3A_195 = tpu.vector_load %arg6[%get3A_193, %get3A_194] {strides = array<i32>} : memref<128x200xi32, #tpu.memory_space<vmem>>, vector<16xi32>,
      %ne3A_196 = arith.constant 0 : i32
      %ne3A_197 = vector.broadcast %ne3A_196 : i32 to vector<16xi32>
      %ne3A_198 = arith.cmpi ne, %get3A_195, %ne3A_197 : vector<16xi32>
      %jit3A_199 = arith.constant 1 : i32
      %jit3A_200 = arith.constant 0 : i32
      %broadcast_in_dim3A_201 = vector.broadcast %jit3A_199 : i32 to vector<16xi32>
      %broadcast_in_dim3A_202 = vector.broadcast %jit3A_200 : i32 to vector<16xi32>
      %select_n3A_203 = arith.select %ne3A_198, %broadcast_in_dim3A_201, %broadcast_in_dim3A_202 : vector<16xi1>, vector<16xi32>
      %broadcast_in_dim3A_204 = arith.constant true
      %broadcast_in_dim3A_205 = vector.broadcast %broadcast_in_dim3A_204 : i1 to vector<16xi1>
      %masked_cumsum3A_206 = tpu.scan <sum>, %select_n3A_203 masked %broadcast_in_dim3A_205 : vector<16xi32>, vector<16xi1> -> vector<16xi32>
      %add3A_207 = vector.broadcast %add3A_192 : i32 to vector<16xi32>
      %add3A_208 = arith.addi %masked_cumsum3A_206, %add3A_207 : vector<16xi32>
      %jit3A_209 = arith.constant 0 : i32
      %broadcast_in_dim3A_210 = vector.broadcast %jit3A_209 : i32 to vector<16xi32>
      %select_n3A_211 = arith.select %ne3A_198, %add3A_208, %broadcast_in_dim3A_210 : vector<16xi1>, vector<16xi32>
      %swap3A_212 = arith.index_cast %scan3A_144 : i32 to index
      %swap3A_213 = arith.constant 32 : index
      %swap3A_214 = tpu.vector_load %arg7[%swap3A_212, %swap3A_213] {strides = array<i32>} : memref<128x200xi32, #tpu.memory_space<vmem>>, vector<16xi32>,
      tpu.vector_store %arg7[%swap3A_212, %swap3A_213], %select_n3A_211 {strides = array<i32>} : memref<128x200xi32, #tpu.memory_space<vmem>>, vector<16xi32>,
      %reduce_sum3A_215 = arith.constant true
      %reduce_sum3A_216 = vector.broadcast %reduce_sum3A_215 : i1 to vector<16xi1>
      %reduce_sum3A_217 = tpu.scan <sum>, %select_n3A_203 masked %reduce_sum3A_216 : vector<16xi32>, vector<16xi1> -> vector<16xi32>
      %reduce_sum3A_218 = vector.extract %reduce_sum3A_217[15] : i32 from vector<16xi32>
      %add3A_219 = arith.addi %add3A_192, %reduce_sum3A_218 : i32
      %get3A_220 = arith.index_cast %scan3A_144 : i32 to index
      %get3A_221 = arith.constant 48 : index
      %get3A_222 = tpu.vector_load %arg6[%get3A_220, %get3A_221] {strides = array<i32>} : memref<128x200xi32, #tpu.memory_space<vmem>>, vector<16xi32>,
      %ne3A_223 = arith.constant 0 : i32
      %ne3A_224 = vector.broadcast %ne3A_223 : i32 to vector<16xi32>
      %ne3A_225 = arith.cmpi ne, %get3A_222, %ne3A_224 : vector<16xi32>
      %jit3A_226 = arith.constant 1 : i32
      %jit3A_227 = arith.constant 0 : i32
      %broadcast_in_dim3A_228 = vector.broadcast %jit3A_226 : i32 to vector<16xi32>
      %broadcast_in_dim3A_229 = vector.broadcast %jit3A_227 : i32 to vector<16xi32>
      %select_n3A_230 = arith.select %ne3A_225, %broadcast_in_dim3A_228, %broadcast_in_dim3A_229 : vector<16xi1>, vector<16xi32>
      %broadcast_in_dim3A_231 = arith.constant true
      %broadcast_in_dim3A_232 = vector.broadcast %broadcast_in_dim3A_231 : i1 to vector<16xi1>
      %masked_cumsum3A_233 = tpu.scan <sum>, %select_n3A_230 masked %broadcast_in_dim3A_232 : vector<16xi32>, vector<16xi1> -> vector<16xi32>
      %add3A_234 = vector.broadcast %add3A_219 : i32 to vector<16xi32>
      %add3A_235 = arith.addi %masked_cumsum3A_233, %add3A_234 : vector<16xi32>
      %jit3A_236 = arith.constant 0 : i32
      %broadcast_in_dim3A_237 = vector.broadcast %jit3A_236 : i32 to vector<16xi32>
      %select_n3A_238 = arith.select %ne3A_225, %add3A_235, %broadcast_in_dim3A_237 : vector<16xi1>, vector<16xi32>
      %swap3A_239 = arith.index_cast %scan3A_144 : i32 to index
      %swap3A_240 = arith.constant 48 : index
      %swap3A_241 = tpu.vector_load %arg7[%swap3A_239, %swap3A_240] {strides = array<i32>} : memref<128x200xi32, #tpu.memory_space<vmem>>, vector<16xi32>,
      tpu.vector_store %arg7[%swap3A_239, %swap3A_240], %select_n3A_238 {strides = array<i32>} : memref<128x200xi32, #tpu.memory_space<vmem>>, vector<16xi32>,
      %reduce_sum3A_242 = arith.constant true
      %reduce_sum3A_243 = vector.broadcast %reduce_sum3A_242 : i1 to vector<16xi1>
      %reduce_sum3A_244 = tpu.scan <sum>, %select_n3A_230 masked %reduce_sum3A_243 : vector<16xi32>, vector<16xi1> -> vector<16xi32>
      %reduce_sum3A_245 = vector.extract %reduce_sum3A_244[15] : i32 from vector<16xi32>
      %add3A_246 = arith.addi %add3A_219, %reduce_sum3A_245 : i32
      %get3A_247 = arith.index_cast %scan3A_144 : i32 to index
      %get3A_248 = arith.constant 64 : index
      %get3A_249 = tpu.vector_load %arg6[%get3A_247, %get3A_248] {strides = array<i32>} : memref<128x200xi32, #tpu.memory_space<vmem>>, vector<16xi32>,
      %ne3A_250 = arith.constant 0 : i32
      %ne3A_251 = vector.broadcast %ne3A_250 : i32 to vector<16xi32>
      %ne3A_252 = arith.cmpi ne, %get3A_249, %ne3A_251 : vector<16xi32>
      %jit3A_253 = arith.constant 1 : i32
      %jit3A_254 = arith.constant 0 : i32
      %broadcast_in_dim3A_255 = vector.broadcast %jit3A_253 : i32 to vector<16xi32>
      %broadcast_in_dim3A_256 = vector.broadcast %jit3A_254 : i32 to vector<16xi32>
      %select_n3A_257 = arith.select %ne3A_252, %broadcast_in_dim3A_255, %broadcast_in_dim3A_256 : vector<16xi1>, vector<16xi32>
      %broadcast_in_dim3A_258 = arith.constant true
      %broadcast_in_dim3A_259 = vector.broadcast %broadcast_in_dim3A_258 : i1 to vector<16xi1>
      %masked_cumsum3A_260 = tpu.scan <sum>, %select_n3A_257 masked %broadcast_in_dim3A_259 : vector<16xi32>, vector<16xi1> -> vector<16xi32>
      %add3A_261 = vector.broadcast %add3A_246 : i32 to vector<16xi32>
      %add3A_262 = arith.addi %masked_cumsum3A_260, %add3A_261 : vector<16xi32>
      %jit3A_263 = arith.constant 0 : i32
      %broadcast_in_dim3A_264 = vector.broadcast %jit3A_263 : i32 to vector<16xi32>
      %select_n3A_265 = arith.select %ne3A_252, %add3A_262, %broadcast_in_dim3A_264 : vector<16xi1>, vector<16xi32>
      %swap3A_266 = arith.index_cast %scan3A_144 : i32 to index
      %swap3A_267 = arith.constant 64 : index
      %swap3A_268 = tpu.vector_load %arg7[%swap3A_266, %swap3A_267] {strides = array<i32>} : memref<128x200xi32, #tpu.memory_space<vmem>>, vector<16xi32>,
      tpu.vector_store %arg7[%swap3A_266, %swap3A_267], %select_n3A_265 {strides = array<i32>} : memref<128x200xi32, #tpu.memory_space<vmem>>, vector<16xi32>,
      %reduce_sum3A_269 = arith.constant true
      %reduce_sum3A_270 = vector.broadcast %reduce_sum3A_269 : i1 to vector<16xi1>
      %reduce_sum3A_271 = tpu.scan <sum>, %select_n3A_257 masked %reduce_sum3A_270 : vector<16xi32>, vector<16xi1> -> vector<16xi32>
      %reduce_sum3A_272 = vector.extract %reduce_sum3A_271[15] : i32 from vector<16xi32>
      %add3A_273 = arith.addi %add3A_246, %reduce_sum3A_272 : i32
      %get3A_274 = arith.index_cast %scan3A_144 : i32 to index
      %get3A_275 = arith.constant 80 : index
      %get3A_276 = tpu.vector_load %arg6[%get3A_274, %get3A_275] {strides = array<i32>} : memref<128x200xi32, #tpu.memory_space<vmem>>, vector<16xi32>,
      %ne3A_277 = arith.constant 0 : i32
      %ne3A_278 = vector.broadcast %ne3A_277 : i32 to vector<16xi32>
      %ne3A_279 = arith.cmpi ne, %get3A_276, %ne3A_278 : vector<16xi32>
      %jit3A_280 = arith.constant 1 : i32
      %jit3A_281 = arith.constant 0 : i32
      %broadcast_in_dim3A_282 = vector.broadcast %jit3A_280 : i32 to vector<16xi32>
      %broadcast_in_dim3A_283 = vector.broadcast %jit3A_281 : i32 to vector<16xi32>
      %select_n3A_284 = arith.select %ne3A_279, %broadcast_in_dim3A_282, %broadcast_in_dim3A_283 : vector<16xi1>, vector<16xi32>
      %broadcast_in_dim3A_285 = arith.constant true
      %broadcast_in_dim3A_286 = vector.broadcast %broadcast_in_dim3A_285 : i1 to vector<16xi1>
      %masked_cumsum3A_287 = tpu.scan <sum>, %select_n3A_284 masked %broadcast_in_dim3A_286 : vector<16xi32>, vector<16xi1> -> vector<16xi32>
      %add3A_288 = vector.broadcast %add3A_273 : i32 to vector<16xi32>
      %add3A_289 = arith.addi %masked_cumsum3A_287, %add3A_288 : vector<16xi32>
      %jit3A_290 = arith.constant 0 : i32
      %broadcast_in_dim3A_291 = vector.broadcast %jit3A_290 : i32 to vector<16xi32>
      %select_n3A_292 = arith.select %ne3A_279, %add3A_289, %broadcast_in_dim3A_291 : vector<16xi1>, vector<16xi32>
      %swap3A_293 = arith.index_cast %scan3A_144 : i32 to index
      %swap3A_294 = arith.constant 80 : index
      %swap3A_295 = tpu.vector_load %arg7[%swap3A_293, %swap3A_294] {strides = array<i32>} : memref<128x200xi32, #tpu.memory_space<vmem>>, vector<16xi32>,
      tpu.vector_store %arg7[%swap3A_293, %swap3A_294], %select_n3A_292 {strides = array<i32>} : memref<128x200xi32, #tpu.memory_space<vmem>>, vector<16xi32>,
      %reduce_sum3A_296 = arith.constant true
      %reduce_sum3A_297 = vector.broadcast %reduce_sum3A_296 : i1 to vector<16xi1>
      %reduce_sum3A_298 = tpu.scan <sum>, %select_n3A_284 masked %reduce_sum3A_297 : vector<16xi32>, vector<16xi1> -> vector<16xi32>
      %reduce_sum3A_299 = vector.extract %reduce_sum3A_298[15] : i32 from vector<16xi32>
      %add3A_300 = arith.addi %add3A_273, %reduce_sum3A_299 : i32
      %get3A_301 = arith.index_cast %scan3A_144 : i32 to index
      %get3A_302 = arith.constant 96 : index
      %get3A_303 = tpu.vector_load %arg6[%get3A_301, %get3A_302] {strides = array<i32>} : memref<128x200xi32, #tpu.memory_space<vmem>>, vector<16xi32>,
      %ne3A_304 = arith.constant 0 : i32
      %ne3A_305 = vector.broadcast %ne3A_304 : i32 to vector<16xi32>
      %ne3A_306 = arith.cmpi ne, %get3A_303, %ne3A_305 : vector<16xi32>
      %jit3A_307 = arith.constant 1 : i32
      %jit3A_308 = arith.constant 0 : i32
      %broadcast_in_dim3A_309 = vector.broadcast %jit3A_307 : i32 to vector<16xi32>
      %broadcast_in_dim3A_310 = vector.broadcast %jit3A_308 : i32 to vector<16xi32>
      %select_n3A_311 = arith.select %ne3A_306, %broadcast_in_dim3A_309, %broadcast_in_dim3A_310 : vector<16xi1>, vector<16xi32>
      %broadcast_in_dim3A_312 = arith.constant true
      %broadcast_in_dim3A_313 = vector.broadcast %broadcast_in_dim3A_312 : i1 to vector<16xi1>
      %masked_cumsum3A_314 = tpu.scan <sum>, %select_n3A_311 masked %broadcast_in_dim3A_313 : vector<16xi32>, vector<16xi1> -> vector<16xi32>
      %add3A_315 = vector.broadcast %add3A_300 : i32 to vector<16xi32>
      %add3A_316 = arith.addi %masked_cumsum3A_314, %add3A_315 : vector<16xi32>
      %jit3A_317 = arith.constant 0 : i32
      %broadcast_in_dim3A_318 = vector.broadcast %jit3A_317 : i32 to vector<16xi32>
      %select_n3A_319 = arith.select %ne3A_306, %add3A_316, %broadcast_in_dim3A_318 : vector<16xi1>, vector<16xi32>
      %swap3A_320 = arith.index_cast %scan3A_144 : i32 to index
      %swap3A_321 = arith.constant 96 : index
      %swap3A_322 = tpu.vector_load %arg7[%swap3A_320, %swap3A_321] {strides = array<i32>} : memref<128x200xi32, #tpu.memory_space<vmem>>, vector<16xi32>,
      tpu.vector_store %arg7[%swap3A_320, %swap3A_321], %select_n3A_319 {strides = array<i32>} : memref<128x200xi32, #tpu.memory_space<vmem>>, vector<16xi32>,
      %reduce_sum3A_323 = arith.constant true
      %reduce_sum3A_324 = vector.broadcast %reduce_sum3A_323 : i1 to vector<16xi1>
      %reduce_sum3A_325 = tpu.scan <sum>, %select_n3A_311 masked %reduce_sum3A_324 : vector<16xi32>, vector<16xi1> -> vector<16xi32>
      %reduce_sum3A_326 = vector.extract %reduce_sum3A_325[15] : i32 from vector<16xi32>
      %add3A_327 = arith.addi %add3A_300, %reduce_sum3A_326 : i32
      %get3A_328 = arith.index_cast %scan3A_144 : i32 to index
      %get3A_329 = arith.constant 112 : index
      %get3A_330 = tpu.vector_load %arg6[%get3A_328, %get3A_329] {strides = array<i32>} : memref<128x200xi32, #tpu.memory_space<vmem>>, vector<16xi32>,
      %ne3A_331 = arith.constant 0 : i32
      %ne3A_332 = vector.broadcast %ne3A_331 : i32 to vector<16xi32>
      %ne3A_333 = arith.cmpi ne, %get3A_330, %ne3A_332 : vector<16xi32>
      %jit3A_334 = arith.constant 1 : i32
      %jit3A_335 = arith.constant 0 : i32
      %broadcast_in_dim3A_336 = vector.broadcast %jit3A_334 : i32 to vector<16xi32>
      %broadcast_in_dim3A_337 = vector.broadcast %jit3A_335 : i32 to vector<16xi32>
      %select_n3A_338 = arith.select %ne3A_333, %broadcast_in_dim3A_336, %broadcast_in_dim3A_337 : vector<16xi1>, vector<16xi32>
      %broadcast_in_dim3A_339 = arith.constant true
      %broadcast_in_dim3A_340 = vector.broadcast %broadcast_in_dim3A_339 : i1 to vector<16xi1>
      %masked_cumsum3A_341 = tpu.scan <sum>, %select_n3A_338 masked %broadcast_in_dim3A_340 : vector<16xi32>, vector<16xi1> -> vector<16xi32>
      %add3A_342 = vector.broadcast %add3A_327 : i32 to vector<16xi32>
      %add3A_343 = arith.addi %masked_cumsum3A_341, %add3A_342 : vector<16xi32>
      %jit3A_344 = arith.constant 0 : i32
      %broadcast_in_dim3A_345 = vector.broadcast %jit3A_344 : i32 to vector<16xi32>
      %select_n3A_346 = arith.select %ne3A_333, %add3A_343, %broadcast_in_dim3A_345 : vector<16xi1>, vector<16xi32>
      %swap3A_347 = arith.index_cast %scan3A_144 : i32 to index
      %swap3A_348 = arith.constant 112 : index
      %swap3A_349 = tpu.vector_load %arg7[%swap3A_347, %swap3A_348] {strides = array<i32>} : memref<128x200xi32, #tpu.memory_space<vmem>>, vector<16xi32>,
      tpu.vector_store %arg7[%swap3A_347, %swap3A_348], %select_n3A_346 {strides = array<i32>} : memref<128x200xi32, #tpu.memory_space<vmem>>, vector<16xi32>,
      %reduce_sum3A_350 = arith.constant true
      %reduce_sum3A_351 = vector.broadcast %reduce_sum3A_350 : i1 to vector<16xi1>
      %reduce_sum3A_352 = tpu.scan <sum>, %select_n3A_338 masked %reduce_sum3A_351 : vector<16xi32>, vector<16xi1> -> vector<16xi32>
      %reduce_sum3A_353 = vector.extract %reduce_sum3A_352[15] : i32 from vector<16xi32>
      %add3A_354 = arith.addi %add3A_327, %reduce_sum3A_353 : i32
      %get3A_355 = arith.index_cast %scan3A_144 : i32 to index
      %get3A_356 = arith.constant 128 : index
      %get3A_357 = tpu.vector_load %arg6[%get3A_355, %get3A_356] {strides = array<i32>} : memref<128x200xi32, #tpu.memory_space<vmem>>, vector<16xi32>,
      %ne3A_358 = arith.constant 0 : i32
      %ne3A_359 = vector.broadcast %ne3A_358 : i32 to vector<16xi32>
      %ne3A_360 = arith.cmpi ne, %get3A_357, %ne3A_359 : vector<16xi32>
      %jit3A_361 = arith.constant 1 : i32
      %jit3A_362 = arith.constant 0 : i32
      %broadcast_in_dim3A_363 = vector.broadcast %jit3A_361 : i32 to vector<16xi32>
      %broadcast_in_dim3A_364 = vector.broadcast %jit3A_362 : i32 to vector<16xi32>
      %select_n3A_365 = arith.select %ne3A_360, %broadcast_in_dim3A_363, %broadcast_in_dim3A_364 : vector<16xi1>, vector<16xi32>
      %broadcast_in_dim3A_366 = arith.constant true
      %broadcast_in_dim3A_367 = vector.broadcast %broadcast_in_dim3A_366 : i1 to vector<16xi1>
      %masked_cumsum3A_368 = tpu.scan <sum>, %select_n3A_365 masked %broadcast_in_dim3A_367 : vector<16xi32>, vector<16xi1> -> vector<16xi32>
      %add3A_369 = vector.broadcast %add3A_354 : i32 to vector<16xi32>
      %add3A_370 = arith.addi %masked_cumsum3A_368, %add3A_369 : vector<16xi32>
      %jit3A_371 = arith.constant 0 : i32
      %broadcast_in_dim3A_372 = vector.broadcast %jit3A_371 : i32 to vector<16xi32>
      %select_n3A_373 = arith.select %ne3A_360, %add3A_370, %broadcast_in_dim3A_372 : vector<16xi1>, vector<16xi32>
      %swap3A_374 = arith.index_cast %scan3A_144 : i32 to index
      %swap3A_375 = arith.constant 128 : index
      %swap3A_376 = tpu.vector_load %arg7[%swap3A_374, %swap3A_375] {strides = array<i32>} : memref<128x200xi32, #tpu.memory_space<vmem>>, vector<16xi32>,
      tpu.vector_store %arg7[%swap3A_374, %swap3A_375], %select_n3A_373 {strides = array<i32>} : memref<128x200xi32, #tpu.memory_space<vmem>>, vector<16xi32>,
      %reduce_sum3A_377 = arith.constant true
      %reduce_sum3A_378 = vector.broadcast %reduce_sum3A_377 : i1 to vector<16xi1>
      %reduce_sum3A_379 = tpu.scan <sum>, %select_n3A_365 masked %reduce_sum3A_378 : vector<16xi32>, vector<16xi1> -> vector<16xi32>
      %reduce_sum3A_380 = vector.extract %reduce_sum3A_379[15] : i32 from vector<16xi32>
      %add3A_381 = arith.addi %add3A_354, %reduce_sum3A_380 : i32
      %get3A_382 = arith.index_cast %scan3A_144 : i32 to index
      %get3A_383 = arith.constant 144 : index
      %get3A_384 = tpu.vector_load %arg6[%get3A_382, %get3A_383] {strides = array<i32>} : memref<128x200xi32, #tpu.memory_space<vmem>>, vector<16xi32>,
      %ne3A_385 = arith.constant 0 : i32
      %ne3A_386 = vector.broadcast %ne3A_385 : i32 to vector<16xi32>
      %ne3A_387 = arith.cmpi ne, %get3A_384, %ne3A_386 : vector<16xi32>
      %jit3A_388 = arith.constant 1 : i32
      %jit3A_389 = arith.constant 0 : i32
      %broadcast_in_dim3A_390 = vector.broadcast %jit3A_388 : i32 to vector<16xi32>
      %broadcast_in_dim3A_391 = vector.broadcast %jit3A_389 : i32 to vector<16xi32>
      %select_n3A_392 = arith.select %ne3A_387, %broadcast_in_dim3A_390, %broadcast_in_dim3A_391 : vector<16xi1>, vector<16xi32>
      %broadcast_in_dim3A_393 = arith.constant true
      %broadcast_in_dim3A_394 = vector.broadcast %broadcast_in_dim3A_393 : i1 to vector<16xi1>
      %masked_cumsum3A_395 = tpu.scan <sum>, %select_n3A_392 masked %broadcast_in_dim3A_394 : vector<16xi32>, vector<16xi1> -> vector<16xi32>
      %add3A_396 = vector.broadcast %add3A_381 : i32 to vector<16xi32>
      %add3A_397 = arith.addi %masked_cumsum3A_395, %add3A_396 : vector<16xi32>
      %jit3A_398 = arith.constant 0 : i32
      %broadcast_in_dim3A_399 = vector.broadcast %jit3A_398 : i32 to vector<16xi32>
      %select_n3A_400 = arith.select %ne3A_387, %add3A_397, %broadcast_in_dim3A_399 : vector<16xi1>, vector<16xi32>
      %swap3A_401 = arith.index_cast %scan3A_144 : i32 to index
      %swap3A_402 = arith.constant 144 : index
      %swap3A_403 = tpu.vector_load %arg7[%swap3A_401, %swap3A_402] {strides = array<i32>} : memref<128x200xi32, #tpu.memory_space<vmem>>, vector<16xi32>,
      tpu.vector_store %arg7[%swap3A_401, %swap3A_402], %select_n3A_400 {strides = array<i32>} : memref<128x200xi32, #tpu.memory_space<vmem>>, vector<16xi32>,
      %reduce_sum3A_404 = arith.constant true
      %reduce_sum3A_405 = vector.broadcast %reduce_sum3A_404 : i1 to vector<16xi1>
      %reduce_sum3A_406 = tpu.scan <sum>, %select_n3A_392 masked %reduce_sum3A_405 : vector<16xi32>, vector<16xi1> -> vector<16xi32>
      %reduce_sum3A_407 = vector.extract %reduce_sum3A_406[15] : i32 from vector<16xi32>
      %add3A_408 = arith.addi %add3A_381, %reduce_sum3A_407 : i32
      %get3A_409 = arith.index_cast %scan3A_144 : i32 to index
      %get3A_410 = arith.constant 160 : index
      %get3A_411 = tpu.vector_load %arg6[%get3A_409, %get3A_410] {strides = array<i32>} : memref<128x200xi32, #tpu.memory_space<vmem>>, vector<16xi32>,
      %ne3A_412 = arith.constant 0 : i32
      %ne3A_413 = vector.broadcast %ne3A_412 : i32 to vector<16xi32>
      %ne3A_414 = arith.cmpi ne, %get3A_411, %ne3A_413 : vector<16xi32>
      %jit3A_415 = arith.constant 1 : i32
      %jit3A_416 = arith.constant 0 : i32
      %broadcast_in_dim3A_417 = vector.broadcast %jit3A_415 : i32 to vector<16xi32>
      %broadcast_in_dim3A_418 = vector.broadcast %jit3A_416 : i32 to vector<16xi32>
      %select_n3A_419 = arith.select %ne3A_414, %broadcast_in_dim3A_417, %broadcast_in_dim3A_418 : vector<16xi1>, vector<16xi32>
      %broadcast_in_dim3A_420 = arith.constant true
      %broadcast_in_dim3A_421 = vector.broadcast %broadcast_in_dim3A_420 : i1 to vector<16xi1>
      %masked_cumsum3A_422 = tpu.scan <sum>, %select_n3A_419 masked %broadcast_in_dim3A_421 : vector<16xi32>, vector<16xi1> -> vector<16xi32>
      %add3A_423 = vector.broadcast %add3A_408 : i32 to vector<16xi32>
      %add3A_424 = arith.addi %masked_cumsum3A_422, %add3A_423 : vector<16xi32>
      %jit3A_425 = arith.constant 0 : i32
      %broadcast_in_dim3A_426 = vector.broadcast %jit3A_425 : i32 to vector<16xi32>
      %select_n3A_427 = arith.select %ne3A_414, %add3A_424, %broadcast_in_dim3A_426 : vector<16xi1>, vector<16xi32>
      %swap3A_428 = arith.index_cast %scan3A_144 : i32 to index
      %swap3A_429 = arith.constant 160 : index
      %swap3A_430 = tpu.vector_load %arg7[%swap3A_428, %swap3A_429] {strides = array<i32>} : memref<128x200xi32, #tpu.memory_space<vmem>>, vector<16xi32>,
      tpu.vector_store %arg7[%swap3A_428, %swap3A_429], %select_n3A_427 {strides = array<i32>} : memref<128x200xi32, #tpu.memory_space<vmem>>, vector<16xi32>,
      %reduce_sum3A_431 = arith.constant true
      %reduce_sum3A_432 = vector.broadcast %reduce_sum3A_431 : i1 to vector<16xi1>
      %reduce_sum3A_433 = tpu.scan <sum>, %select_n3A_419 masked %reduce_sum3A_432 : vector<16xi32>, vector<16xi1> -> vector<16xi32>
      %reduce_sum3A_434 = vector.extract %reduce_sum3A_433[15] : i32 from vector<16xi32>
      %add3A_435 = arith.addi %add3A_408, %reduce_sum3A_434 : i32
      %get3A_436 = arith.index_cast %scan3A_144 : i32 to index
      %get3A_437 = arith.constant 176 : index
      %get3A_438 = tpu.vector_load %arg6[%get3A_436, %get3A_437] {strides = array<i32>} : memref<128x200xi32, #tpu.memory_space<vmem>>, vector<16xi32>,
      %ne3A_439 = arith.constant 0 : i32
      %ne3A_440 = vector.broadcast %ne3A_439 : i32 to vector<16xi32>
      %ne3A_441 = arith.cmpi ne, %get3A_438, %ne3A_440 : vector<16xi32>
      %jit3A_442 = arith.constant 1 : i32
      %jit3A_443 = arith.constant 0 : i32
      %broadcast_in_dim3A_444 = vector.broadcast %jit3A_442 : i32 to vector<16xi32>
      %broadcast_in_dim3A_445 = vector.broadcast %jit3A_443 : i32 to vector<16xi32>
      %select_n3A_446 = arith.select %ne3A_441, %broadcast_in_dim3A_444, %broadcast_in_dim3A_445 : vector<16xi1>, vector<16xi32>
      %broadcast_in_dim3A_447 = arith.constant true
      %broadcast_in_dim3A_448 = vector.broadcast %broadcast_in_dim3A_447 : i1 to vector<16xi1>
      %masked_cumsum3A_449 = tpu.scan <sum>, %select_n3A_446 masked %broadcast_in_dim3A_448 : vector<16xi32>, vector<16xi1> -> vector<16xi32>
      %add3A_450 = vector.broadcast %add3A_435 : i32 to vector<16xi32>
      %add3A_451 = arith.addi %masked_cumsum3A_449, %add3A_450 : vector<16xi32>
      %jit3A_452 = arith.constant 0 : i32
      %broadcast_in_dim3A_453 = vector.broadcast %jit3A_452 : i32 to vector<16xi32>
      %select_n3A_454 = arith.select %ne3A_441, %add3A_451, %broadcast_in_dim3A_453 : vector<16xi1>, vector<16xi32>
      %swap3A_455 = arith.index_cast %scan3A_144 : i32 to index
      %swap3A_456 = arith.constant 176 : index
      %swap3A_457 = tpu.vector_load %arg7[%swap3A_455, %swap3A_456] {strides = array<i32>} : memref<128x200xi32, #tpu.memory_space<vmem>>, vector<16xi32>,
      tpu.vector_store %arg7[%swap3A_455, %swap3A_456], %select_n3A_454 {strides = array<i32>} : memref<128x200xi32, #tpu.memory_space<vmem>>, vector<16xi32>,
      %reduce_sum3A_458 = arith.constant true
      %reduce_sum3A_459 = vector.broadcast %reduce_sum3A_458 : i1 to vector<16xi1>
      %reduce_sum3A_460 = tpu.scan <sum>, %select_n3A_446 masked %reduce_sum3A_459 : vector<16xi32>, vector<16xi1> -> vector<16xi32>
      %reduce_sum3A_461 = vector.extract %reduce_sum3A_460[15] : i32 from vector<16xi32>
      %add3A_462 = arith.addi %add3A_435, %reduce_sum3A_461 : i32
      %get3A_463 = arith.index_cast %scan3A_144 : i32 to index
      %get3A_464 = arith.constant 184 : index
      %get3A_465 = tpu.vector_load %arg6[%get3A_463, %get3A_464] {strides = array<i32>} : memref<128x200xi32, #tpu.memory_space<vmem>>, vector<16xi32>,
      %ne3A_466 = arith.constant 0 : i32
      %ne3A_467 = vector.broadcast %ne3A_466 : i32 to vector<16xi32>
      %ne3A_468 = arith.cmpi ne, %get3A_465, %ne3A_467 : vector<16xi32>
      %jit3A_469 = arith.constant 1 : i32
      %jit3A_470 = arith.constant 0 : i32
      %broadcast_in_dim3A_471 = vector.broadcast %jit3A_469 : i32 to vector<16xi32>
      %broadcast_in_dim3A_472 = vector.broadcast %jit3A_470 : i32 to vector<16xi32>
      %select_n3A_473 = arith.select %ne3A_468, %broadcast_in_dim3A_471, %broadcast_in_dim3A_472 : vector<16xi1>, vector<16xi32>
      %lt3A = arith.constant 8 : i32
      %lt3A_474 = vector.broadcast %lt3A : i32 to vector<16xi32>
      %lt3A_475 = arith.cmpi slt, %iota3A, %lt3A_474 : vector<16xi32>
      %jit3A_476 = arith.constant 0 : i32
      %broadcast_in_dim3A_477 = vector.broadcast %jit3A_476 : i32 to vector<16xi32>
      %select_n3A_478 = arith.select %lt3A_475, %select_n3A_473, %broadcast_in_dim3A_477 : vector<16xi1>, vector<16xi32>
      %reduce_sum3A_479 = arith.constant true
      %reduce_sum3A_480 = vector.broadcast %reduce_sum3A_479 : i1 to vector<16xi1>
      %reduce_sum3A_481 = tpu.scan <sum>, %select_n3A_478 masked %reduce_sum3A_480 : vector<16xi32>, vector<16xi1> -> vector<16xi32>
      %reduce_sum3A_482 = vector.extract %reduce_sum3A_481[15] : i32 from vector<16xi32>
      %broadcast_in_dim3A_483 = arith.constant true
      %broadcast_in_dim3A_484 = vector.broadcast %broadcast_in_dim3A_483 : i1 to vector<16xi1>
      %masked_cumsum3A_485 = tpu.scan <sum>, %select_n3A_473 masked %broadcast_in_dim3A_484 : vector<16xi32>, vector<16xi1> -> vector<16xi32>
      %sub3A = arith.subi %add3A_462, %reduce_sum3A_482 : i32
      %add3A_486 = vector.broadcast %sub3A : i32 to vector<16xi32>
      %add3A_487 = arith.addi %masked_cumsum3A_485, %add3A_486 : vector<16xi32>
      %jit3A_488 = arith.constant 0 : i32
      %broadcast_in_dim3A_489 = vector.broadcast %jit3A_488 : i32 to vector<16xi32>
      %select_n3A_490 = arith.select %ne3A_468, %add3A_487, %broadcast_in_dim3A_489 : vector<16xi1>, vector<16xi32>
      %swap3A_491 = arith.index_cast %scan3A_144 : i32 to index
      %swap3A_492 = arith.constant 184 : index
      %swap3A_493 = tpu.vector_load %arg7[%swap3A_491, %swap3A_492] {strides = array<i32>} : memref<128x200xi32, #tpu.memory_space<vmem>>, vector<16xi32>,
      tpu.vector_store %arg7[%swap3A_491, %swap3A_492], %select_n3A_490 {strides = array<i32>} : memref<128x200xi32, #tpu.memory_space<vmem>>, vector<16xi32>,
    }
    %scan3A_7 = arith.constant 128 : i32
    %dma_start3A = arith.constant 0 : i32
    %dma_start3A_8 = arith.constant 0 : i32
    %dma_start3A_9 = arith.constant 0 : i32
    %dma_start3A_10 = arith.constant 0 : i32
    %dma_start3A_11 = tpu.memref_slice %arg8[%dma_start3A_8, %dma_start3A_9, %dma_start3A_10] : memref<4x104x64xf32, #tpu.memory_space<vmem>> -> memref<1x96x64xf32, #tpu.memory_space<vmem>>
    %dma_start3A_12 = tpu.memref_squeeze %dma_start3A_11 : memref<1x96x64xf32, #tpu.memory_space<vmem>> -> memref<96x64xf32, #tpu.memory_space<vmem>>
    %dma_start3A_13 = arith.constant 0 : i32
    %dma_start3A_14 = tpu.memref_slice %arg6[%dma_start3A, %dma_start3A_13] : memref<128x200xi32, #tpu.memory_space<vmem>> -> memref<1x96xi32, #tpu.memory_space<vmem>>
    %dma_start3A_15 = tpu.memref_squeeze %dma_start3A_14 : memref<1x96xi32, #tpu.memory_space<vmem>> -> memref<96xi32, #tpu.memory_space<vmem>>
    %dma_start3A_16 = arith.constant 0 : i32
    %dma_start3A_17 = arith.constant 0 : i32
    %dma_start3A_18 = tpu.memref_slice %arg3[%dma_start3A_16, %dma_start3A_17] : memref<1000000x64xf32, #tpu.memory_space<hbm>> -> memref<1000000x64xf32, #tpu.memory_space<hbm>>
    tpu.enqueue_indirect_dma source(%dma_start3A_18 : memref<1000000x64xf32, #tpu.memory_space<hbm>>) target(%dma_start3A_12 : memref<96x64xf32, #tpu.memory_space<vmem>>) offsets(%dma_start3A_15 : memref<96xi32, #tpu.memory_space<vmem>>) semaphore(%arg11 : memref<!tpu.dma_semaphore, #tpu.memory_space<semaphore_mem>>)
    %dma_start3A_19 = arith.constant 0 : i32
    %dma_start3A_20 = arith.constant 0 : i32
    %dma_start3A_21 = arith.constant 0 : i32
    %dma_start3A_22 = arith.constant 0 : i32
    %dma_start3A_23 = tpu.memref_slice %arg9[%dma_start3A_20, %dma_start3A_21, %dma_start3A_22] : memref<4x104x64xf32, #tpu.memory_space<vmem>> -> memref<1x96x64xf32, #tpu.memory_space<vmem>>
    %dma_start3A_24 = tpu.memref_squeeze %dma_start3A_23 : memref<1x96x64xf32, #tpu.memory_space<vmem>> -> memref<96x64xf32, #tpu.memory_space<vmem>>
    %dma_start3A_25 = arith.constant 0 : i32
    %dma_start3A_26 = tpu.memref_slice %arg7[%dma_start3A_19, %dma_start3A_25] : memref<128x200xi32, #tpu.memory_space<vmem>> -> memref<1x96xi32, #tpu.memory_space<vmem>>
    %dma_start3A_27 = tpu.memref_squeeze %dma_start3A_26 : memref<1x96xi32, #tpu.memory_space<vmem>> -> memref<96xi32, #tpu.memory_space<vmem>>
    %dma_start3A_28 = arith.constant 0 : i32
    %dma_start3A_29 = arith.constant 0 : i32
    %dma_start3A_30 = tpu.memref_slice %arg4[%dma_start3A_28, %dma_start3A_29] : memref<513x64xf32, #tpu.memory_space<hbm>> -> memref<513x64xf32, #tpu.memory_space<hbm>>
    tpu.enqueue_indirect_dma source(%dma_start3A_30 : memref<513x64xf32, #tpu.memory_space<hbm>>) target(%dma_start3A_24 : memref<96x64xf32, #tpu.memory_space<vmem>>) offsets(%dma_start3A_27 : memref<96xi32, #tpu.memory_space<vmem>>) semaphore(%arg11 : memref<!tpu.dma_semaphore, #tpu.memory_space<semaphore_mem>>)
    %dma_start3A_31 = arith.constant 0 : i32
    %dma_start3A_32 = arith.constant 1 : i32
    %dma_start3A_33 = arith.constant 0 : i32
    %dma_start3A_34 = arith.constant 0 : i32
    %dma_start3A_35 = tpu.memref_slice %arg8[%dma_start3A_32, %dma_start3A_33, %dma_start3A_34] : memref<4x104x64xf32, #tpu.memory_space<vmem>> -> memref<1x104x64xf32, #tpu.memory_space<vmem>>
    %dma_start3A_36 = tpu.memref_squeeze %dma_start3A_35 : memref<1x104x64xf32, #tpu.memory_space<vmem>> -> memref<104x64xf32, #tpu.memory_space<vmem>>
    %dma_start3A_37 = arith.constant 96 : i32
    %dma_start3A_38 = tpu.memref_slice %arg6[%dma_start3A_31, %dma_start3A_37] : memref<128x200xi32, #tpu.memory_space<vmem>> -> memref<1x104xi32, #tpu.memory_space<vmem>>
    %dma_start3A_39 = tpu.memref_squeeze %dma_start3A_38 : memref<1x104xi32, #tpu.memory_space<vmem>> -> memref<104xi32, #tpu.memory_space<vmem>>
    %dma_start3A_40 = arith.constant 0 : i32
    %dma_start3A_41 = arith.constant 0 : i32
    %dma_start3A_42 = tpu.memref_slice %arg3[%dma_start3A_40, %dma_start3A_41] : memref<1000000x64xf32, #tpu.memory_space<hbm>> -> memref<1000000x64xf32, #tpu.memory_space<hbm>>
    tpu.enqueue_indirect_dma source(%dma_start3A_42 : memref<1000000x64xf32, #tpu.memory_space<hbm>>) target(%dma_start3A_36 : memref<104x64xf32, #tpu.memory_space<vmem>>) offsets(%dma_start3A_39 : memref<104xi32, #tpu.memory_space<vmem>>) semaphore(%arg12 : memref<!tpu.dma_semaphore, #tpu.memory_space<semaphore_mem>>)
    %dma_start3A_43 = arith.constant 0 : i32
    %dma_start3A_44 = arith.constant 1 : i32
    %dma_start3A_45 = arith.constant 0 : i32
    %dma_start3A_46 = arith.constant 0 : i32
    %dma_start3A_47 = tpu.memref_slice %arg9[%dma_start3A_44, %dma_start3A_45, %dma_start3A_46] : memref<4x104x64xf32, #tpu.memory_space<vmem>> -> memref<1x104x64xf32, #tpu.memory_space<vmem>>
    %dma_start3A_48 = tpu.memref_squeeze %dma_start3A_47 : memref<1x104x64xf32, #tpu.memory_space<vmem>> -> memref<104x64xf32, #tpu.memory_space<vmem>>
    %dma_start3A_49 = arith.constant 96 : i32
    %dma_start3A_50 = tpu.memref_slice %arg7[%dma_start3A_43, %dma_start3A_49] : memref<128x200xi32, #tpu.memory_space<vmem>> -> memref<1x104xi32, #tpu.memory_space<vmem>>
    %dma_start3A_51 = tpu.memref_squeeze %dma_start3A_50 : memref<1x104xi32, #tpu.memory_space<vmem>> -> memref<104xi32, #tpu.memory_space<vmem>>
    %dma_start3A_52 = arith.constant 0 : i32
    %dma_start3A_53 = arith.constant 0 : i32
    %dma_start3A_54 = tpu.memref_slice %arg4[%dma_start3A_52, %dma_start3A_53] : memref<513x64xf32, #tpu.memory_space<hbm>> -> memref<513x64xf32, #tpu.memory_space<hbm>>
    tpu.enqueue_indirect_dma source(%dma_start3A_54 : memref<513x64xf32, #tpu.memory_space<hbm>>) target(%dma_start3A_48 : memref<104x64xf32, #tpu.memory_space<vmem>>) offsets(%dma_start3A_51 : memref<104xi32, #tpu.memory_space<vmem>>) semaphore(%arg12 : memref<!tpu.dma_semaphore, #tpu.memory_space<semaphore_mem>>)
    %dma_start3A_55 = arith.constant 1 : i32
    %dma_start3A_56 = arith.constant 2 : i32
    %dma_start3A_57 = arith.constant 0 : i32
    %dma_start3A_58 = arith.constant 0 : i32
    %dma_start3A_59 = tpu.memref_slice %arg8[%dma_start3A_56, %dma_start3A_57, %dma_start3A_58] : memref<4x104x64xf32, #tpu.memory_space<vmem>> -> memref<1x96x64xf32, #tpu.memory_space<vmem>>
    %dma_start3A_60 = tpu.memref_squeeze %dma_start3A_59 : memref<1x96x64xf32, #tpu.memory_space<vmem>> -> memref<96x64xf32, #tpu.memory_space<vmem>>
    %dma_start3A_61 = arith.constant 0 : i32
    %dma_start3A_62 = tpu.memref_slice %arg6[%dma_start3A_55, %dma_start3A_61] : memref<128x200xi32, #tpu.memory_space<vmem>> -> memref<1x96xi32, #tpu.memory_space<vmem>>
    %dma_start3A_63 = tpu.memref_squeeze %dma_start3A_62 : memref<1x96xi32, #tpu.memory_space<vmem>> -> memref<96xi32, #tpu.memory_space<vmem>>
    %dma_start3A_64 = arith.constant 0 : i32
    %dma_start3A_65 = arith.constant 0 : i32
    %dma_start3A_66 = tpu.memref_slice %arg3[%dma_start3A_64, %dma_start3A_65] : memref<1000000x64xf32, #tpu.memory_space<hbm>> -> memref<1000000x64xf32, #tpu.memory_space<hbm>>
    tpu.enqueue_indirect_dma source(%dma_start3A_66 : memref<1000000x64xf32, #tpu.memory_space<hbm>>) target(%dma_start3A_60 : memref<96x64xf32, #tpu.memory_space<vmem>>) offsets(%dma_start3A_63 : memref<96xi32, #tpu.memory_space<vmem>>) semaphore(%arg13 : memref<!tpu.dma_semaphore, #tpu.memory_space<semaphore_mem>>)
    %dma_start3A_67 = arith.constant 1 : i32
    %dma_start3A_68 = arith.constant 2 : i32
    %dma_start3A_69 = arith.constant 0 : i32
    %dma_start3A_70 = arith.constant 0 : i32
    %dma_start3A_71 = tpu.memref_slice %arg9[%dma_start3A_68, %dma_start3A_69, %dma_start3A_70] : memref<4x104x64xf32, #tpu.memory_space<vmem>> -> memref<1x96x64xf32, #tpu.memory_space<vmem>>
    %dma_start3A_72 = tpu.memref_squeeze %dma_start3A_71 : memref<1x96x64xf32, #tpu.memory_space<vmem>> -> memref<96x64xf32, #tpu.memory_space<vmem>>
    %dma_start3A_73 = arith.constant 0 : i32
    %dma_start3A_74 = tpu.memref_slice %arg7[%dma_start3A_67, %dma_start3A_73] : memref<128x200xi32, #tpu.memory_space<vmem>> -> memref<1x96xi32, #tpu.memory_space<vmem>>
    %dma_start3A_75 = tpu.memref_squeeze %dma_start3A_74 : memref<1x96xi32, #tpu.memory_space<vmem>> -> memref<96xi32, #tpu.memory_space<vmem>>
    %dma_start3A_76 = arith.constant 0 : i32
    %dma_start3A_77 = arith.constant 0 : i32
    %dma_start3A_78 = tpu.memref_slice %arg4[%dma_start3A_76, %dma_start3A_77] : memref<513x64xf32, #tpu.memory_space<hbm>> -> memref<513x64xf32, #tpu.memory_space<hbm>>
    tpu.enqueue_indirect_dma source(%dma_start3A_78 : memref<513x64xf32, #tpu.memory_space<hbm>>) target(%dma_start3A_72 : memref<96x64xf32, #tpu.memory_space<vmem>>) offsets(%dma_start3A_75 : memref<96xi32, #tpu.memory_space<vmem>>) semaphore(%arg13 : memref<!tpu.dma_semaphore, #tpu.memory_space<semaphore_mem>>)
    %dma_start3A_79 = arith.constant 1 : i32
    %dma_start3A_80 = arith.constant 3 : i32
    %dma_start3A_81 = arith.constant 0 : i32
    %dma_start3A_82 = arith.constant 0 : i32
    %dma_start3A_83 = tpu.memref_slice %arg8[%dma_start3A_80, %dma_start3A_81, %dma_start3A_82] : memref<4x104x64xf32, #tpu.memory_space<vmem>> -> memref<1x104x64xf32, #tpu.memory_space<vmem>>
    %dma_start3A_84 = tpu.memref_squeeze %dma_start3A_83 : memref<1x104x64xf32, #tpu.memory_space<vmem>> -> memref<104x64xf32, #tpu.memory_space<vmem>>
    %dma_start3A_85 = arith.constant 96 : i32
    %dma_start3A_86 = tpu.memref_slice %arg6[%dma_start3A_79, %dma_start3A_85] : memref<128x200xi32, #tpu.memory_space<vmem>> -> memref<1x104xi32, #tpu.memory_space<vmem>>
    %dma_start3A_87 = tpu.memref_squeeze %dma_start3A_86 : memref<1x104xi32, #tpu.memory_space<vmem>> -> memref<104xi32, #tpu.memory_space<vmem>>
    %dma_start3A_88 = arith.constant 0 : i32
    %dma_start3A_89 = arith.constant 0 : i32
    %dma_start3A_90 = tpu.memref_slice %arg3[%dma_start3A_88, %dma_start3A_89] : memref<1000000x64xf32, #tpu.memory_space<hbm>> -> memref<1000000x64xf32, #tpu.memory_space<hbm>>
    tpu.enqueue_indirect_dma source(%dma_start3A_90 : memref<1000000x64xf32, #tpu.memory_space<hbm>>) target(%dma_start3A_84 : memref<104x64xf32, #tpu.memory_space<vmem>>) offsets(%dma_start3A_87 : memref<104xi32, #tpu.memory_space<vmem>>) semaphore(%arg14 : memref<!tpu.dma_semaphore, #tpu.memory_space<semaphore_mem>>)
    %dma_start3A_91 = arith.constant 1 : i32
    %dma_start3A_92 = arith.constant 3 : i32
    %dma_start3A_93 = arith.constant 0 : i32
    %dma_start3A_94 = arith.constant 0 : i32
    %dma_start3A_95 = tpu.memref_slice %arg9[%dma_start3A_92, %dma_start3A_93, %dma_start3A_94] : memref<4x104x64xf32, #tpu.memory_space<vmem>> -> memref<1x104x64xf32, #tpu.memory_space<vmem>>
    %dma_start3A_96 = tpu.memref_squeeze %dma_start3A_95 : memref<1x104x64xf32, #tpu.memory_space<vmem>> -> memref<104x64xf32, #tpu.memory_space<vmem>>
    %dma_start3A_97 = arith.constant 96 : i32
    %dma_start3A_98 = tpu.memref_slice %arg7[%dma_start3A_91, %dma_start3A_97] : memref<128x200xi32, #tpu.memory_space<vmem>> -> memref<1x104xi32, #tpu.memory_space<vmem>>
    %dma_start3A_99 = tpu.memref_squeeze %dma_start3A_98 : memref<1x104xi32, #tpu.memory_space<vmem>> -> memref<104xi32, #tpu.memory_space<vmem>>
    %dma_start3A_100 = arith.constant 0 : i32
    %dma_start3A_101 = arith.constant 0 : i32
    %dma_start3A_102 = tpu.memref_slice %arg4[%dma_start3A_100, %dma_start3A_101] : memref<513x64xf32, #tpu.memory_space<hbm>> -> memref<513x64xf32, #tpu.memory_space<hbm>>
    tpu.enqueue_indirect_dma source(%dma_start3A_102 : memref<513x64xf32, #tpu.memory_space<hbm>>) target(%dma_start3A_96 : memref<104x64xf32, #tpu.memory_space<vmem>>) offsets(%dma_start3A_99 : memref<104xi32, #tpu.memory_space<vmem>>) semaphore(%arg14 : memref<!tpu.dma_semaphore, #tpu.memory_space<semaphore_mem>>)
    %scan3A_103 = arith.constant 0 : i32
    %scan3A_104 = arith.constant 0 : i32
    %scan3A_105 = arith.constant 64 : i32
    %scan3A_106 = arith.addi %scan3A_104, %scan3A_105 : i32
    %scan3A_107 = arith.constant 1 : i32
    scf.for %scan3A_144 = %scan3A_104 to %scan3A_106 step %scan3A_107  : i32 {
      %mul3A_145 = arith.constant 4 : i32
      %mul3A_146 = arith.muli %scan3A_144, %mul3A_145 : i32
      %add3A_147 = arith.constant 0 : i32
      %add3A_148 = arith.addi %mul3A_146, %add3A_147 : i32
      %dma_wait3A_149 = arith.constant 0 : i32
      %dma_wait3A_150 = arith.constant 0 : i32
      %dma_wait3A_151 = arith.constant 0 : i32
      %dma_wait3A_152 = arith.constant 0 : i32
      %dma_wait3A_153 = tpu.memref_slice %arg8[%dma_wait3A_150, %dma_wait3A_151, %dma_wait3A_152] : memref<4x104x64xf32, #tpu.memory_space<vmem>> -> memref<1x96x64xf32, #tpu.memory_space<vmem>>
      %dma_wait3A_154 = tpu.memref_squeeze %dma_wait3A_153 : memref<1x96x64xf32, #tpu.memory_space<vmem>> -> memref<96x64xf32, #tpu.memory_space<vmem>>
      %dma_wait3A_155 = arith.constant 0 : i32
      %dma_wait3A_156 = tpu.memref_slice %arg6[%dma_wait3A_149, %dma_wait3A_155] : memref<128x200xi32, #tpu.memory_space<vmem>> -> memref<1x96xi32, #tpu.memory_space<vmem>>
      %dma_wait3A_157 = tpu.memref_squeeze %dma_wait3A_156 : memref<1x96xi32, #tpu.memory_space<vmem>> -> memref<96xi32, #tpu.memory_space<vmem>>
      %dma_wait3A_158 = arith.constant 0 : i32
      %dma_wait3A_159 = arith.constant 0 : i32
      %dma_wait3A_160 = tpu.memref_slice %arg3[%dma_wait3A_158, %dma_wait3A_159] : memref<1000000x64xf32, #tpu.memory_space<hbm>> -> memref<1000000x64xf32, #tpu.memory_space<hbm>>
      tpu.wait_indirect_dma semaphore(%arg11 : memref<!tpu.dma_semaphore, #tpu.memory_space<semaphore_mem>>) src(%dma_wait3A_160 : memref<1000000x64xf32, #tpu.memory_space<hbm>>) dst(%dma_wait3A_154 : memref<96x64xf32, #tpu.memory_space<vmem>>)
      %dma_wait3A_161 = arith.constant 0 : i32
      %dma_wait3A_162 = arith.constant 0 : i32
      %dma_wait3A_163 = arith.constant 0 : i32
      %dma_wait3A_164 = arith.constant 0 : i32
      %dma_wait3A_165 = tpu.memref_slice %arg9[%dma_wait3A_162, %dma_wait3A_163, %dma_wait3A_164] : memref<4x104x64xf32, #tpu.memory_space<vmem>> -> memref<1x96x64xf32, #tpu.memory_space<vmem>>
      %dma_wait3A_166 = tpu.memref_squeeze %dma_wait3A_165 : memref<1x96x64xf32, #tpu.memory_space<vmem>> -> memref<96x64xf32, #tpu.memory_space<vmem>>
      %dma_wait3A_167 = arith.constant 0 : i32
      %dma_wait3A_168 = tpu.memref_slice %arg7[%dma_wait3A_161, %dma_wait3A_167] : memref<128x200xi32, #tpu.memory_space<vmem>> -> memref<1x96xi32, #tpu.memory_space<vmem>>
      %dma_wait3A_169 = tpu.memref_squeeze %dma_wait3A_168 : memref<1x96xi32, #tpu.memory_space<vmem>> -> memref<96xi32, #tpu.memory_space<vmem>>
      %dma_wait3A_170 = arith.constant 0 : i32
      %dma_wait3A_171 = arith.constant 0 : i32
      %dma_wait3A_172 = tpu.memref_slice %arg4[%dma_wait3A_170, %dma_wait3A_171] : memref<513x64xf32, #tpu.memory_space<hbm>> -> memref<513x64xf32, #tpu.memory_space<hbm>>
      tpu.wait_indirect_dma semaphore(%arg11 : memref<!tpu.dma_semaphore, #tpu.memory_space<semaphore_mem>>) src(%dma_wait3A_172 : memref<513x64xf32, #tpu.memory_space<hbm>>) dst(%dma_wait3A_166 : memref<96x64xf32, #tpu.memory_space<vmem>>)
      %ge3A = arith.constant 2 : i32
      %ge3A_173 = arith.cmpi sge, %add3A_148, %ge3A : i32
      %convert_element_type3A = arith.extui %ge3A_173 : i1 to i32
      %cond3A = arith.constant 0 : i32
      %cond3A_174 = arith.cmpi ne, %convert_element_type3A, %cond3A : i32
      scf.if %cond3A_174 {
        %dma_wait3A_472 = arith.constant 0 : i32
        %dma_wait3A_473 = arith.constant 0 : i32
        %dma_wait3A_474 = arith.constant 0 : i32
        %dma_wait3A_475 = arith.constant 0 : i32
        %dma_wait3A_476 = tpu.memref_slice %arg10[%dma_wait3A_472, %dma_wait3A_474, %dma_wait3A_475] : memref<2x104x64xf32, #tpu.memory_space<vmem>> -> memref<1x96x64xf32, #tpu.memory_space<vmem>>
        %dma_wait3A_477 = tpu.memref_squeeze %dma_wait3A_476 : memref<1x96x64xf32, #tpu.memory_space<vmem>> -> memref<96x64xf32, #tpu.memory_space<vmem>>
        %dma_wait3A_478 = arith.constant 0 : i32
        %dma_wait3A_479 = arith.constant 0 : i32
        %dma_wait3A_480 = tpu.memref_slice %arg5[%dma_wait3A_473, %dma_wait3A_478, %dma_wait3A_479] : memref<4096x200x64xf32, #tpu.memory_space<hbm>> -> memref<1x96x64xf32, #tpu.memory_space<hbm>>
        %dma_wait3A_481 = tpu.memref_squeeze %dma_wait3A_480 : memref<1x96x64xf32, #tpu.memory_space<hbm>> -> memref<96x64xf32, #tpu.memory_space<hbm>>
        %dma_wait3A_482 = arith.constant 0 : i32
        %dma_wait3A_483 = arith.constant 0 : i32
        %dma_wait3A_484 = tpu.memref_slice %arg5[%dma_wait3A_473, %dma_wait3A_482, %dma_wait3A_483] : memref<4096x200x64xf32, #tpu.memory_space<hbm>> -> memref<1x96x64xf32, #tpu.memory_space<hbm>>
        %dma_wait3A_485 = tpu.memref_squeeze %dma_wait3A_484 : memref<1x96x64xf32, #tpu.memory_space<hbm>> -> memref<96x64xf32, #tpu.memory_space<hbm>>
        %dma_wait3A_486 = arith.constant 0 : i32
        %dma_wait3A_487 = arith.constant 0 : i32
        %dma_wait3A_488 = tpu.memref_slice %arg10[%dma_wait3A_472, %dma_wait3A_486, %dma_wait3A_487] : memref<2x104x64xf32, #tpu.memory_space<vmem>> -> memref<1x96x64xf32, #tpu.memory_space<vmem>>
        %dma_wait3A_489 = tpu.memref_squeeze %dma_wait3A_488 : memref<1x96x64xf32, #tpu.memory_space<vmem>> -> memref<96x64xf32, #tpu.memory_space<vmem>>
        tpu.wait_dma2 semaphore(%arg15 : memref<!tpu.dma_semaphore, #tpu.memory_space<semaphore_mem>>) src(%dma_wait3A_489 : memref<96x64xf32, #tpu.memory_space<vmem>>) dst(%dma_wait3A_485 : memref<96x64xf32, #tpu.memory_space<hbm>>)
      } else {
      }
      %parallel_loop3A = arith.constant 0 : i32
      %parallel_loop3A_175 = arith.constant 96 : i32
      %parallel_loop3A_176 = arith.constant 1 : i32
      scf.for %parallel_loop3A_472 = %parallel_loop3A to %parallel_loop3A_175 step %parallel_loop3A_176  : i32 {
        %parallel_loop3A_473 = arith.constant 0 : i32
        %parallel_loop3A_474 = arith.index_cast %parallel_loop3A_473 : i32 to index
        %parallel_loop3A_475 = arith.index_cast %parallel_loop3A_472 : i32 to index
        %parallel_loop3A_476 = arith.constant 0 : index
        %parallel_loop3A_477 = tpu.vector_load %arg8[%parallel_loop3A_474, %parallel_loop3A_475, %parallel_loop3A_476] {strides = array<i32>} : memref<4x104x64xf32, #tpu.memory_space<vmem>>, vector<16xf32>,
        %parallel_loop3A_478 = arith.constant 0 : i32
        %parallel_loop3A_479 = arith.index_cast %parallel_loop3A_478 : i32 to index
        %parallel_loop3A_480 = arith.index_cast %parallel_loop3A_472 : i32 to index
        %parallel_loop3A_481 = arith.constant 0 : index
        %parallel_loop3A_482 = tpu.vector_load %arg9[%parallel_loop3A_479, %parallel_loop3A_480, %parallel_loop3A_481] {strides = array<i32>} : memref<4x104x64xf32, #tpu.memory_space<vmem>>, vector<16xf32>,
        %parallel_loop3A_483 = arith.addf %parallel_loop3A_477, %parallel_loop3A_482 : vector<16xf32>
        %parallel_loop3A_484 = arith.constant 0 : i32
        %parallel_loop3A_485 = arith.index_cast %parallel_loop3A_484 : i32 to index
        %parallel_loop3A_486 = arith.index_cast %parallel_loop3A_472 : i32 to index
        %parallel_loop3A_487 = arith.constant 0 : index
        %parallel_loop3A_488 = tpu.vector_load %arg10[%parallel_loop3A_485, %parallel_loop3A_486, %parallel_loop3A_487] {strides = array<i32>} : memref<2x104x64xf32, #tpu.memory_space<vmem>>, vector<16xf32>,
        tpu.vector_store %arg10[%parallel_loop3A_485, %parallel_loop3A_486, %parallel_loop3A_487], %parallel_loop3A_483 {strides = array<i32>} : memref<2x104x64xf32, #tpu.memory_space<vmem>>, vector<16xf32>,
        %parallel_loop3A_489 = arith.constant 0 : i32
        %parallel_loop3A_490 = arith.index_cast %parallel_loop3A_489 : i32 to index
        %parallel_loop3A_491 = arith.index_cast %parallel_loop3A_472 : i32 to index
        %parallel_loop3A_492 = arith.constant 16 : index
        %parallel_loop3A_493 = tpu.vector_load %arg8[%parallel_loop3A_490, %parallel_loop3A_491, %parallel_loop3A_492] {strides = array<i32>} : memref<4x104x64xf32, #tpu.memory_space<vmem>>, vector<16xf32>,
        %parallel_loop3A_494 = arith.constant 0 : i32
        %parallel_loop3A_495 = arith.index_cast %parallel_loop3A_494 : i32 to index
        %parallel_loop3A_496 = arith.index_cast %parallel_loop3A_472 : i32 to index
        %parallel_loop3A_497 = arith.constant 16 : index
        %parallel_loop3A_498 = tpu.vector_load %arg9[%parallel_loop3A_495, %parallel_loop3A_496, %parallel_loop3A_497] {strides = array<i32>} : memref<4x104x64xf32, #tpu.memory_space<vmem>>, vector<16xf32>,
        %parallel_loop3A_499 = arith.addf %parallel_loop3A_493, %parallel_loop3A_498 : vector<16xf32>
        %parallel_loop3A_500 = arith.constant 0 : i32
        %parallel_loop3A_501 = arith.index_cast %parallel_loop3A_500 : i32 to index
        %parallel_loop3A_502 = arith.index_cast %parallel_loop3A_472 : i32 to index
        %parallel_loop3A_503 = arith.constant 16 : index
        %parallel_loop3A_504 = tpu.vector_load %arg10[%parallel_loop3A_501, %parallel_loop3A_502, %parallel_loop3A_503] {strides = array<i32>} : memref<2x104x64xf32, #tpu.memory_space<vmem>>, vector<16xf32>,
        tpu.vector_store %arg10[%parallel_loop3A_501, %parallel_loop3A_502, %parallel_loop3A_503], %parallel_loop3A_499 {strides = array<i32>} : memref<2x104x64xf32, #tpu.memory_space<vmem>>, vector<16xf32>,
        %parallel_loop3A_505 = arith.constant 0 : i32
        %parallel_loop3A_506 = arith.index_cast %parallel_loop3A_505 : i32 to index
        %parallel_loop3A_507 = arith.index_cast %parallel_loop3A_472 : i32 to index
        %parallel_loop3A_508 = arith.constant 32 : index
        %parallel_loop3A_509 = tpu.vector_load %arg8[%parallel_loop3A_506, %parallel_loop3A_507, %parallel_loop3A_508] {strides = array<i32>} : memref<4x104x64xf32, #tpu.memory_space<vmem>>, vector<16xf32>,
        %parallel_loop3A_510 = arith.constant 0 : i32
        %parallel_loop3A_511 = arith.index_cast %parallel_loop3A_510 : i32 to index
        %parallel_loop3A_512 = arith.index_cast %parallel_loop3A_472 : i32 to index
        %parallel_loop3A_513 = arith.constant 32 : index
        %parallel_loop3A_514 = tpu.vector_load %arg9[%parallel_loop3A_511, %parallel_loop3A_512, %parallel_loop3A_513] {strides = array<i32>} : memref<4x104x64xf32, #tpu.memory_space<vmem>>, vector<16xf32>,
        %parallel_loop3A_515 = arith.addf %parallel_loop3A_509, %parallel_loop3A_514 : vector<16xf32>
        %parallel_loop3A_516 = arith.constant 0 : i32
        %parallel_loop3A_517 = arith.index_cast %parallel_loop3A_516 : i32 to index
        %parallel_loop3A_518 = arith.index_cast %parallel_loop3A_472 : i32 to index
        %parallel_loop3A_519 = arith.constant 32 : index
        %parallel_loop3A_520 = tpu.vector_load %arg10[%parallel_loop3A_517, %parallel_loop3A_518, %parallel_loop3A_519] {strides = array<i32>} : memref<2x104x64xf32, #tpu.memory_space<vmem>>, vector<16xf32>,
        tpu.vector_store %arg10[%parallel_loop3A_517, %parallel_loop3A_518, %parallel_loop3A_519], %parallel_loop3A_515 {strides = array<i32>} : memref<2x104x64xf32, #tpu.memory_space<vmem>>, vector<16xf32>,
        %parallel_loop3A_521 = arith.constant 0 : i32
        %parallel_loop3A_522 = arith.index_cast %parallel_loop3A_521 : i32 to index
        %parallel_loop3A_523 = arith.index_cast %parallel_loop3A_472 : i32 to index
        %parallel_loop3A_524 = arith.constant 48 : index
        %parallel_loop3A_525 = tpu.vector_load %arg8[%parallel_loop3A_522, %parallel_loop3A_523, %parallel_loop3A_524] {strides = array<i32>} : memref<4x104x64xf32, #tpu.memory_space<vmem>>, vector<16xf32>,
        %parallel_loop3A_526 = arith.constant 0 : i32
        %parallel_loop3A_527 = arith.index_cast %parallel_loop3A_526 : i32 to index
        %parallel_loop3A_528 = arith.index_cast %parallel_loop3A_472 : i32 to index
        %parallel_loop3A_529 = arith.constant 48 : index
        %parallel_loop3A_530 = tpu.vector_load %arg9[%parallel_loop3A_527, %parallel_loop3A_528, %parallel_loop3A_529] {strides = array<i32>} : memref<4x104x64xf32, #tpu.memory_space<vmem>>, vector<16xf32>,
        %parallel_loop3A_531 = arith.addf %parallel_loop3A_525, %parallel_loop3A_530 : vector<16xf32>
        %parallel_loop3A_532 = arith.constant 0 : i32
        %parallel_loop3A_533 = arith.index_cast %parallel_loop3A_532 : i32 to index
        %parallel_loop3A_534 = arith.index_cast %parallel_loop3A_472 : i32 to index
        %parallel_loop3A_535 = arith.constant 48 : index
        %parallel_loop3A_536 = tpu.vector_load %arg10[%parallel_loop3A_533, %parallel_loop3A_534, %parallel_loop3A_535] {strides = array<i32>} : memref<2x104x64xf32, #tpu.memory_space<vmem>>, vector<16xf32>,
        tpu.vector_store %arg10[%parallel_loop3A_533, %parallel_loop3A_534, %parallel_loop3A_535], %parallel_loop3A_531 {strides = array<i32>} : memref<2x104x64xf32, #tpu.memory_space<vmem>>, vector<16xf32>,
      } {sc.loop_unroll_factor = 4 : i64, sc.parallel_access}
      %jit3A = arith.constant 2 : i32
      %div3A = arith.divsi %add3A_148, %jit3A : i32
      %sign3A = arith.constant 0 : i32
      %sign3A_177 = arith.cmpi sgt, %add3A_148, %sign3A : i32
      %sign3A_178 = arith.extui %sign3A_177 : i1 to i32
      %sign3A_179 = arith.constant 0 : i32
      %sign3A_180 = arith.cmpi slt, %add3A_148, %sign3A_179 : i32
      %sign3A_181 = arith.extui %sign3A_180 : i1 to i32
      %sign3A_182 = arith.subi %sign3A_178, %sign3A_181 : i32
      %sign3A_183 = arith.constant 0 : i32
      %sign3A_184 = arith.cmpi sgt, %jit3A, %sign3A_183 : i32
      %sign3A_185 = arith.extui %sign3A_184 : i1 to i32
      %sign3A_186 = arith.constant 0 : i32
      %sign3A_187 = arith.cmpi slt, %jit3A, %sign3A_186 : i32
      %sign3A_188 = arith.extui %sign3A_187 : i1 to i32
      %sign3A_189 = arith.subi %sign3A_185, %sign3A_188 : i32
      %ne3A = arith.cmpi ne, %sign3A_182, %sign3A_189 : i32
      %rem3A = arith.remsi %add3A_148, %jit3A : i32
      %ne3A_190 = arith.constant 0 : i32
      %ne3A_191 = arith.cmpi ne, %rem3A, %ne3A_190 : i32
      %and3A = arith.andi %ne3A, %ne3A_191 : i1
      %sub3A = arith.constant 1 : i32
      %sub3A_192 = arith.subi %div3A, %sub3A : i32
      %select_n3A = arith.select %and3A, %sub3A_192, %div3A : i32
      %add3A_193 = arith.addi %mul3A_2, %select_n3A : i32
      %dma_start3A_194 = arith.constant 0 : i32
      %dma_start3A_195 = arith.constant 0 : i32
      %dma_start3A_196 = arith.constant 0 : i32
      %dma_start3A_197 = tpu.memref_slice %arg10[%dma_start3A_194, %dma_start3A_195, %dma_start3A_196] : memref<2x104x64xf32, #tpu.memory_space<vmem>> -> memref<1x96x64xf32, #tpu.memory_space<vmem>>
      %dma_start3A_198 = tpu.memref_squeeze %dma_start3A_197 : memref<1x96x64xf32, #tpu.memory_space<vmem>> -> memref<96x64xf32, #tpu.memory_space<vmem>>
      %dma_start3A_199 = arith.constant 0 : i32
      %dma_start3A_200 = arith.constant 0 : i32
      %dma_start3A_201 = tpu.memref_slice %arg5[%add3A_193, %dma_start3A_199, %dma_start3A_200] : memref<4096x200x64xf32, #tpu.memory_space<hbm>> -> memref<1x96x64xf32, #tpu.memory_space<hbm>>
      %dma_start3A_202 = tpu.memref_squeeze %dma_start3A_201 : memref<1x96x64xf32, #tpu.memory_space<hbm>> -> memref<96x64xf32, #tpu.memory_space<hbm>>
      %dma_start3A_203 = arith.constant 0 : i32
      %dma_start3A_204 = arith.constant 0 : i32
      %dma_start3A_205 = tpu.memref_slice %arg5[%add3A_193, %dma_start3A_203, %dma_start3A_204] : memref<4096x200x64xf32, #tpu.memory_space<hbm>> -> memref<1x96x64xf32, #tpu.memory_space<hbm>>
      %dma_start3A_206 = tpu.memref_squeeze %dma_start3A_205 : memref<1x96x64xf32, #tpu.memory_space<hbm>> -> memref<96x64xf32, #tpu.memory_space<hbm>>
      %dma_start3A_207 = arith.constant 0 : i32
      %dma_start3A_208 = arith.constant 0 : i32
      %dma_start3A_209 = tpu.memref_slice %arg10[%dma_start3A_194, %dma_start3A_207, %dma_start3A_208] : memref<2x104x64xf32, #tpu.memory_space<vmem>> -> memref<1x96x64xf32, #tpu.memory_space<vmem>>
      %dma_start3A_210 = tpu.memref_squeeze %dma_start3A_209 : memref<1x96x64xf32, #tpu.memory_space<vmem>> -> memref<96x64xf32, #tpu.memory_space<vmem>>
      tpu.enqueue_dma source(%dma_start3A_210 : memref<96x64xf32, #tpu.memory_space<vmem>>) target(%dma_start3A_206 : memref<96x64xf32, #tpu.memory_space<hbm>>) target_semaphore(%arg15 : memref<!tpu.dma_semaphore, #tpu.memory_space<semaphore_mem>>)
      %add3A_211 = arith.constant 4 : i32
      %add3A_212 = arith.addi %add3A_148, %add3A_211 : i32
      %lt3A = arith.constant 256 : i32
      %lt3A_213 = arith.cmpi slt, %add3A_212, %lt3A : i32
      %convert_element_type3A_214 = arith.extui %lt3A_213 : i1 to i32
      %cond3A_215 = arith.constant 0 : i32
      %cond3A_216 = arith.cmpi ne, %convert_element_type3A_214, %cond3A_215 : i32
      scf.if %cond3A_216 {
        %add3A_472 = arith.constant 4 : i32
        %add3A_473 = arith.addi %add3A_148, %add3A_472 : i32
        %jit3A_474 = arith.constant 2 : i32
        %div3A_475 = arith.divsi %add3A_473, %jit3A_474 : i32
        %sign3A_476 = arith.constant 0 : i32
        %sign3A_477 = arith.cmpi sgt, %add3A_473, %sign3A_476 : i32
        %sign3A_478 = arith.extui %sign3A_477 : i1 to i32
        %sign3A_479 = arith.constant 0 : i32
        %sign3A_480 = arith.cmpi slt, %add3A_473, %sign3A_479 : i32
        %sign3A_481 = arith.extui %sign3A_480 : i1 to i32
        %sign3A_482 = arith.subi %sign3A_478, %sign3A_481 : i32
        %sign3A_483 = arith.constant 0 : i32
        %sign3A_484 = arith.cmpi sgt, %jit3A_474, %sign3A_483 : i32
        %sign3A_485 = arith.extui %sign3A_484 : i1 to i32
        %sign3A_486 = arith.constant 0 : i32
        %sign3A_487 = arith.cmpi slt, %jit3A_474, %sign3A_486 : i32
        %sign3A_488 = arith.extui %sign3A_487 : i1 to i32
        %sign3A_489 = arith.subi %sign3A_485, %sign3A_488 : i32
        %ne3A_490 = arith.cmpi ne, %sign3A_482, %sign3A_489 : i32
        %rem3A_491 = arith.remsi %add3A_473, %jit3A_474 : i32
        %ne3A_492 = arith.constant 0 : i32
        %ne3A_493 = arith.cmpi ne, %rem3A_491, %ne3A_492 : i32
        %and3A_494 = arith.andi %ne3A_490, %ne3A_493 : i1
        %sub3A_495 = arith.constant 1 : i32
        %sub3A_496 = arith.subi %div3A_475, %sub3A_495 : i32
        %select_n3A_497 = arith.select %and3A_494, %sub3A_496, %div3A_475 : i32
        %dma_start3A_498 = arith.constant 0 : i32
        %dma_start3A_499 = arith.constant 0 : i32
        %dma_start3A_500 = arith.constant 0 : i32
        %dma_start3A_501 = tpu.memref_slice %arg8[%dma_start3A_498, %dma_start3A_499, %dma_start3A_500] : memref<4x104x64xf32, #tpu.memory_space<vmem>> -> memref<1x96x64xf32, #tpu.memory_space<vmem>>
        %dma_start3A_502 = tpu.memref_squeeze %dma_start3A_501 : memref<1x96x64xf32, #tpu.memory_space<vmem>> -> memref<96x64xf32, #tpu.memory_space<vmem>>
        %dma_start3A_503 = arith.constant 0 : i32
        %dma_start3A_504 = tpu.memref_slice %arg6[%select_n3A_497, %dma_start3A_503] : memref<128x200xi32, #tpu.memory_space<vmem>> -> memref<1x96xi32, #tpu.memory_space<vmem>>
        %dma_start3A_505 = tpu.memref_squeeze %dma_start3A_504 : memref<1x96xi32, #tpu.memory_space<vmem>> -> memref<96xi32, #tpu.memory_space<vmem>>
        %dma_start3A_506 = arith.constant 0 : i32
        %dma_start3A_507 = arith.constant 0 : i32
        %dma_start3A_508 = tpu.memref_slice %arg3[%dma_start3A_506, %dma_start3A_507] : memref<1000000x64xf32, #tpu.memory_space<hbm>> -> memref<1000000x64xf32, #tpu.memory_space<hbm>>
        tpu.enqueue_indirect_dma source(%dma_start3A_508 : memref<1000000x64xf32, #tpu.memory_space<hbm>>) target(%dma_start3A_502 : memref<96x64xf32, #tpu.memory_space<vmem>>) offsets(%dma_start3A_505 : memref<96xi32, #tpu.memory_space<vmem>>) semaphore(%arg11 : memref<!tpu.dma_semaphore, #tpu.memory_space<semaphore_mem>>)
        %dma_start3A_509 = arith.constant 0 : i32
        %dma_start3A_510 = arith.constant 0 : i32
        %dma_start3A_511 = arith.constant 0 : i32
        %dma_start3A_512 = tpu.memref_slice %arg9[%dma_start3A_509, %dma_start3A_510, %dma_start3A_511] : memref<4x104x64xf32, #tpu.memory_space<vmem>> -> memref<1x96x64xf32, #tpu.memory_space<vmem>>
        %dma_start3A_513 = tpu.memref_squeeze %dma_start3A_512 : memref<1x96x64xf32, #tpu.memory_space<vmem>> -> memref<96x64xf32, #tpu.memory_space<vmem>>
        %dma_start3A_514 = arith.constant 0 : i32
        %dma_start3A_515 = tpu.memref_slice %arg7[%select_n3A_497, %dma_start3A_514] : memref<128x200xi32, #tpu.memory_space<vmem>> -> memref<1x96xi32, #tpu.memory_space<vmem>>
        %dma_start3A_516 = tpu.memref_squeeze %dma_start3A_515 : memref<1x96xi32, #tpu.memory_space<vmem>> -> memref<96xi32, #tpu.memory_space<vmem>>
        %dma_start3A_517 = arith.constant 0 : i32
        %dma_start3A_518 = arith.constant 0 : i32
        %dma_start3A_519 = tpu.memref_slice %arg4[%dma_start3A_517, %dma_start3A_518] : memref<513x64xf32, #tpu.memory_space<hbm>> -> memref<513x64xf32, #tpu.memory_space<hbm>>
        tpu.enqueue_indirect_dma source(%dma_start3A_519 : memref<513x64xf32, #tpu.memory_space<hbm>>) target(%dma_start3A_513 : memref<96x64xf32, #tpu.memory_space<vmem>>) offsets(%dma_start3A_516 : memref<96xi32, #tpu.memory_space<vmem>>) semaphore(%arg11 : memref<!tpu.dma_semaphore, #tpu.memory_space<semaphore_mem>>)
      } else {
      }
      %mul3A_217 = arith.constant 4 : i32
      %mul3A_218 = arith.muli %scan3A_144, %mul3A_217 : i32
      %add3A_219 = arith.constant 1 : i32
      %add3A_220 = arith.addi %mul3A_218, %add3A_219 : i32
      %dma_wait3A_221 = arith.constant 0 : i32
      %dma_wait3A_222 = arith.constant 1 : i32
      %dma_wait3A_223 = arith.constant 0 : i32
      %dma_wait3A_224 = arith.constant 0 : i32
      %dma_wait3A_225 = tpu.memref_slice %arg8[%dma_wait3A_222, %dma_wait3A_223, %dma_wait3A_224] : memref<4x104x64xf32, #tpu.memory_space<vmem>> -> memref<1x104x64xf32, #tpu.memory_space<vmem>>
      %dma_wait3A_226 = tpu.memref_squeeze %dma_wait3A_225 : memref<1x104x64xf32, #tpu.memory_space<vmem>> -> memref<104x64xf32, #tpu.memory_space<vmem>>
      %dma_wait3A_227 = arith.constant 0 : i32
      %dma_wait3A_228 = tpu.memref_slice %arg6[%dma_wait3A_221, %dma_wait3A_227] : memref<128x200xi32, #tpu.memory_space<vmem>> -> memref<1x104xi32, #tpu.memory_space<vmem>>
      %dma_wait3A_229 = tpu.memref_squeeze %dma_wait3A_228 : memref<1x104xi32, #tpu.memory_space<vmem>> -> memref<104xi32, #tpu.memory_space<vmem>>
      %dma_wait3A_230 = arith.constant 0 : i32
      %dma_wait3A_231 = arith.constant 0 : i32
      %dma_wait3A_232 = tpu.memref_slice %arg3[%dma_wait3A_230, %dma_wait3A_231] : memref<1000000x64xf32, #tpu.memory_space<hbm>> -> memref<1000000x64xf32, #tpu.memory_space<hbm>>
      tpu.wait_indirect_dma semaphore(%arg12 : memref<!tpu.dma_semaphore, #tpu.memory_space<semaphore_mem>>) src(%dma_wait3A_232 : memref<1000000x64xf32, #tpu.memory_space<hbm>>) dst(%dma_wait3A_226 : memref<104x64xf32, #tpu.memory_space<vmem>>)
      %dma_wait3A_233 = arith.constant 0 : i32
      %dma_wait3A_234 = arith.constant 1 : i32
      %dma_wait3A_235 = arith.constant 0 : i32
      %dma_wait3A_236 = arith.constant 0 : i32
      %dma_wait3A_237 = tpu.memref_slice %arg9[%dma_wait3A_234, %dma_wait3A_235, %dma_wait3A_236] : memref<4x104x64xf32, #tpu.memory_space<vmem>> -> memref<1x104x64xf32, #tpu.memory_space<vmem>>
      %dma_wait3A_238 = tpu.memref_squeeze %dma_wait3A_237 : memref<1x104x64xf32, #tpu.memory_space<vmem>> -> memref<104x64xf32, #tpu.memory_space<vmem>>
      %dma_wait3A_239 = arith.constant 0 : i32
      %dma_wait3A_240 = tpu.memref_slice %arg7[%dma_wait3A_233, %dma_wait3A_239] : memref<128x200xi32, #tpu.memory_space<vmem>> -> memref<1x104xi32, #tpu.memory_space<vmem>>
      %dma_wait3A_241 = tpu.memref_squeeze %dma_wait3A_240 : memref<1x104xi32, #tpu.memory_space<vmem>> -> memref<104xi32, #tpu.memory_space<vmem>>
      %dma_wait3A_242 = arith.constant 0 : i32
      %dma_wait3A_243 = arith.constant 0 : i32
      %dma_wait3A_244 = tpu.memref_slice %arg4[%dma_wait3A_242, %dma_wait3A_243] : memref<513x64xf32, #tpu.memory_space<hbm>> -> memref<513x64xf32, #tpu.memory_space<hbm>>
      tpu.wait_indirect_dma semaphore(%arg12 : memref<!tpu.dma_semaphore, #tpu.memory_space<semaphore_mem>>) src(%dma_wait3A_244 : memref<513x64xf32, #tpu.memory_space<hbm>>) dst(%dma_wait3A_238 : memref<104x64xf32, #tpu.memory_space<vmem>>)
      %ge3A_245 = arith.constant 2 : i32
      %ge3A_246 = arith.cmpi sge, %add3A_220, %ge3A_245 : i32
      %convert_element_type3A_247 = arith.extui %ge3A_246 : i1 to i32
      %cond3A_248 = arith.constant 0 : i32
      %cond3A_249 = arith.cmpi ne, %convert_element_type3A_247, %cond3A_248 : i32
      scf.if %cond3A_249 {
        %dma_wait3A_472 = arith.constant 1 : i32
        %dma_wait3A_473 = arith.constant 0 : i32
        %dma_wait3A_474 = arith.constant 0 : i32
        %dma_wait3A_475 = arith.constant 0 : i32
        %dma_wait3A_476 = tpu.memref_slice %arg10[%dma_wait3A_472, %dma_wait3A_474, %dma_wait3A_475] : memref<2x104x64xf32, #tpu.memory_space<vmem>> -> memref<1x104x64xf32, #tpu.memory_space<vmem>>
        %dma_wait3A_477 = tpu.memref_squeeze %dma_wait3A_476 : memref<1x104x64xf32, #tpu.memory_space<vmem>> -> memref<104x64xf32, #tpu.memory_space<vmem>>
        %dma_wait3A_478 = arith.constant 96 : i32
        %dma_wait3A_479 = arith.constant 0 : i32
        %dma_wait3A_480 = tpu.memref_slice %arg5[%dma_wait3A_473, %dma_wait3A_478, %dma_wait3A_479] : memref<4096x200x64xf32, #tpu.memory_space<hbm>> -> memref<1x104x64xf32, #tpu.memory_space<hbm>>
        %dma_wait3A_481 = tpu.memref_squeeze %dma_wait3A_480 : memref<1x104x64xf32, #tpu.memory_space<hbm>> -> memref<104x64xf32, #tpu.memory_space<hbm>>
        %dma_wait3A_482 = arith.constant 96 : i32
        %dma_wait3A_483 = arith.constant 0 : i32
        %dma_wait3A_484 = tpu.memref_slice %arg5[%dma_wait3A_473, %dma_wait3A_482, %dma_wait3A_483] : memref<4096x200x64xf32, #tpu.memory_space<hbm>> -> memref<1x104x64xf32, #tpu.memory_space<hbm>>
        %dma_wait3A_485 = tpu.memref_squeeze %dma_wait3A_484 : memref<1x104x64xf32, #tpu.memory_space<hbm>> -> memref<104x64xf32, #tpu.memory_space<hbm>>
        %dma_wait3A_486 = arith.constant 0 : i32
        %dma_wait3A_487 = arith.constant 0 : i32
        %dma_wait3A_488 = tpu.memref_slice %arg10[%dma_wait3A_472, %dma_wait3A_486, %dma_wait3A_487] : memref<2x104x64xf32, #tpu.memory_space<vmem>> -> memref<1x104x64xf32, #tpu.memory_space<vmem>>
        %dma_wait3A_489 = tpu.memref_squeeze %dma_wait3A_488 : memref<1x104x64xf32, #tpu.memory_space<vmem>> -> memref<104x64xf32, #tpu.memory_space<vmem>>
        tpu.wait_dma2 semaphore(%arg16 : memref<!tpu.dma_semaphore, #tpu.memory_space<semaphore_mem>>) src(%dma_wait3A_489 : memref<104x64xf32, #tpu.memory_space<vmem>>) dst(%dma_wait3A_485 : memref<104x64xf32, #tpu.memory_space<hbm>>)
      } else {
      }
      %parallel_loop3A_250 = arith.constant 0 : i32
      %parallel_loop3A_251 = arith.constant 104 : i32
      %parallel_loop3A_252 = arith.constant 1 : i32
      scf.for %parallel_loop3A_472 = %parallel_loop3A_250 to %parallel_loop3A_251 step %parallel_loop3A_252  : i32 {
        %parallel_loop3A_473 = arith.constant 1 : i32
        %parallel_loop3A_474 = arith.index_cast %parallel_loop3A_473 : i32 to index
        %parallel_loop3A_475 = arith.index_cast %parallel_loop3A_472 : i32 to index
        %parallel_loop3A_476 = arith.constant 0 : index
        %parallel_loop3A_477 = tpu.vector_load %arg8[%parallel_loop3A_474, %parallel_loop3A_475, %parallel_loop3A_476] {strides = array<i32>} : memref<4x104x64xf32, #tpu.memory_space<vmem>>, vector<16xf32>,
        %parallel_loop3A_478 = arith.constant 1 : i32
        %parallel_loop3A_479 = arith.index_cast %parallel_loop3A_478 : i32 to index
        %parallel_loop3A_480 = arith.index_cast %parallel_loop3A_472 : i32 to index
        %parallel_loop3A_481 = arith.constant 0 : index
        %parallel_loop3A_482 = tpu.vector_load %arg9[%parallel_loop3A_479, %parallel_loop3A_480, %parallel_loop3A_481] {strides = array<i32>} : memref<4x104x64xf32, #tpu.memory_space<vmem>>, vector<16xf32>,
        %parallel_loop3A_483 = arith.addf %parallel_loop3A_477, %parallel_loop3A_482 : vector<16xf32>
        %parallel_loop3A_484 = arith.constant 1 : i32
        %parallel_loop3A_485 = arith.index_cast %parallel_loop3A_484 : i32 to index
        %parallel_loop3A_486 = arith.index_cast %parallel_loop3A_472 : i32 to index
        %parallel_loop3A_487 = arith.constant 0 : index
        %parallel_loop3A_488 = tpu.vector_load %arg10[%parallel_loop3A_485, %parallel_loop3A_486, %parallel_loop3A_487] {strides = array<i32>} : memref<2x104x64xf32, #tpu.memory_space<vmem>>, vector<16xf32>,
        tpu.vector_store %arg10[%parallel_loop3A_485, %parallel_loop3A_486, %parallel_loop3A_487], %parallel_loop3A_483 {strides = array<i32>} : memref<2x104x64xf32, #tpu.memory_space<vmem>>, vector<16xf32>,
        %parallel_loop3A_489 = arith.constant 1 : i32
        %parallel_loop3A_490 = arith.index_cast %parallel_loop3A_489 : i32 to index
        %parallel_loop3A_491 = arith.index_cast %parallel_loop3A_472 : i32 to index
        %parallel_loop3A_492 = arith.constant 16 : index
        %parallel_loop3A_493 = tpu.vector_load %arg8[%parallel_loop3A_490, %parallel_loop3A_491, %parallel_loop3A_492] {strides = array<i32>} : memref<4x104x64xf32, #tpu.memory_space<vmem>>, vector<16xf32>,
        %parallel_loop3A_494 = arith.constant 1 : i32
        %parallel_loop3A_495 = arith.index_cast %parallel_loop3A_494 : i32 to index
        %parallel_loop3A_496 = arith.index_cast %parallel_loop3A_472 : i32 to index
        %parallel_loop3A_497 = arith.constant 16 : index
        %parallel_loop3A_498 = tpu.vector_load %arg9[%parallel_loop3A_495, %parallel_loop3A_496, %parallel_loop3A_497] {strides = array<i32>} : memref<4x104x64xf32, #tpu.memory_space<vmem>>, vector<16xf32>,
        %parallel_loop3A_499 = arith.addf %parallel_loop3A_493, %parallel_loop3A_498 : vector<16xf32>
        %parallel_loop3A_500 = arith.constant 1 : i32
        %parallel_loop3A_501 = arith.index_cast %parallel_loop3A_500 : i32 to index
        %parallel_loop3A_502 = arith.index_cast %parallel_loop3A_472 : i32 to index
        %parallel_loop3A_503 = arith.constant 16 : index
        %parallel_loop3A_504 = tpu.vector_load %arg10[%parallel_loop3A_501, %parallel_loop3A_502, %parallel_loop3A_503] {strides = array<i32>} : memref<2x104x64xf32, #tpu.memory_space<vmem>>, vector<16xf32>,
        tpu.vector_store %arg10[%parallel_loop3A_501, %parallel_loop3A_502, %parallel_loop3A_503], %parallel_loop3A_499 {strides = array<i32>} : memref<2x104x64xf32, #tpu.memory_space<vmem>>, vector<16xf32>,
        %parallel_loop3A_505 = arith.constant 1 : i32
        %parallel_loop3A_506 = arith.index_cast %parallel_loop3A_505 : i32 to index
        %parallel_loop3A_507 = arith.index_cast %parallel_loop3A_472 : i32 to index
        %parallel_loop3A_508 = arith.constant 32 : index
        %parallel_loop3A_509 = tpu.vector_load %arg8[%parallel_loop3A_506, %parallel_loop3A_507, %parallel_loop3A_508] {strides = array<i32>} : memref<4x104x64xf32, #tpu.memory_space<vmem>>, vector<16xf32>,
        %parallel_loop3A_510 = arith.constant 1 : i32
        %parallel_loop3A_511 = arith.index_cast %parallel_loop3A_510 : i32 to index
        %parallel_loop3A_512 = arith.index_cast %parallel_loop3A_472 : i32 to index
        %parallel_loop3A_513 = arith.constant 32 : index
        %parallel_loop3A_514 = tpu.vector_load %arg9[%parallel_loop3A_511, %parallel_loop3A_512, %parallel_loop3A_513] {strides = array<i32>} : memref<4x104x64xf32, #tpu.memory_space<vmem>>, vector<16xf32>,
        %parallel_loop3A_515 = arith.addf %parallel_loop3A_509, %parallel_loop3A_514 : vector<16xf32>
        %parallel_loop3A_516 = arith.constant 1 : i32
        %parallel_loop3A_517 = arith.index_cast %parallel_loop3A_516 : i32 to index
        %parallel_loop3A_518 = arith.index_cast %parallel_loop3A_472 : i32 to index
        %parallel_loop3A_519 = arith.constant 32 : index
        %parallel_loop3A_520 = tpu.vector_load %arg10[%parallel_loop3A_517, %parallel_loop3A_518, %parallel_loop3A_519] {strides = array<i32>} : memref<2x104x64xf32, #tpu.memory_space<vmem>>, vector<16xf32>,
        tpu.vector_store %arg10[%parallel_loop3A_517, %parallel_loop3A_518, %parallel_loop3A_519], %parallel_loop3A_515 {strides = array<i32>} : memref<2x104x64xf32, #tpu.memory_space<vmem>>, vector<16xf32>,
        %parallel_loop3A_521 = arith.constant 1 : i32
        %parallel_loop3A_522 = arith.index_cast %parallel_loop3A_521 : i32 to index
        %parallel_loop3A_523 = arith.index_cast %parallel_loop3A_472 : i32 to index
        %parallel_loop3A_524 = arith.constant 48 : index
        %parallel_loop3A_525 = tpu.vector_load %arg8[%parallel_loop3A_522, %parallel_loop3A_523, %parallel_loop3A_524] {strides = array<i32>} : memref<4x104x64xf32, #tpu.memory_space<vmem>>, vector<16xf32>,
        %parallel_loop3A_526 = arith.constant 1 : i32
        %parallel_loop3A_527 = arith.index_cast %parallel_loop3A_526 : i32 to index
        %parallel_loop3A_528 = arith.index_cast %parallel_loop3A_472 : i32 to index
        %parallel_loop3A_529 = arith.constant 48 : index
        %parallel_loop3A_530 = tpu.vector_load %arg9[%parallel_loop3A_527, %parallel_loop3A_528, %parallel_loop3A_529] {strides = array<i32>} : memref<4x104x64xf32, #tpu.memory_space<vmem>>, vector<16xf32>,
        %parallel_loop3A_531 = arith.addf %parallel_loop3A_525, %parallel_loop3A_530 : vector<16xf32>
        %parallel_loop3A_532 = arith.constant 1 : i32
        %parallel_loop3A_533 = arith.index_cast %parallel_loop3A_532 : i32 to index
        %parallel_loop3A_534 = arith.index_cast %parallel_loop3A_472 : i32 to index
        %parallel_loop3A_535 = arith.constant 48 : index
        %parallel_loop3A_536 = tpu.vector_load %arg10[%parallel_loop3A_533, %parallel_loop3A_534, %parallel_loop3A_535] {strides = array<i32>} : memref<2x104x64xf32, #tpu.memory_space<vmem>>, vector<16xf32>,
        tpu.vector_store %arg10[%parallel_loop3A_533, %parallel_loop3A_534, %parallel_loop3A_535], %parallel_loop3A_531 {strides = array<i32>} : memref<2x104x64xf32, #tpu.memory_space<vmem>>, vector<16xf32>,
      } {sc.loop_unroll_factor = 4 : i64, sc.parallel_access}
      %jit3A_253 = arith.constant 2 : i32
      %div3A_254 = arith.divsi %add3A_220, %jit3A_253 : i32
      %sign3A_255 = arith.constant 0 : i32
      %sign3A_256 = arith.cmpi sgt, %add3A_220, %sign3A_255 : i32
      %sign3A_257 = arith.extui %sign3A_256 : i1 to i32
      %sign3A_258 = arith.constant 0 : i32
      %sign3A_259 = arith.cmpi slt, %add3A_220, %sign3A_258 : i32
      %sign3A_260 = arith.extui %sign3A_259 : i1 to i32
      %sign3A_261 = arith.subi %sign3A_257, %sign3A_260 : i32
      %sign3A_262 = arith.constant 0 : i32
      %sign3A_263 = arith.cmpi sgt, %jit3A_253, %sign3A_262 : i32
      %sign3A_264 = arith.extui %sign3A_263 : i1 to i32
      %sign3A_265 = arith.constant 0 : i32
      %sign3A_266 = arith.cmpi slt, %jit3A_253, %sign3A_265 : i32
      %sign3A_267 = arith.extui %sign3A_266 : i1 to i32
      %sign3A_268 = arith.subi %sign3A_264, %sign3A_267 : i32
      %ne3A_269 = arith.cmpi ne, %sign3A_261, %sign3A_268 : i32
      %rem3A_270 = arith.remsi %add3A_220, %jit3A_253 : i32
      %ne3A_271 = arith.constant 0 : i32
      %ne3A_272 = arith.cmpi ne, %rem3A_270, %ne3A_271 : i32
      %and3A_273 = arith.andi %ne3A_269, %ne3A_272 : i1
      %sub3A_274 = arith.constant 1 : i32
      %sub3A_275 = arith.subi %div3A_254, %sub3A_274 : i32
      %select_n3A_276 = arith.select %and3A_273, %sub3A_275, %div3A_254 : i32
      %add3A_277 = arith.addi %mul3A_2, %select_n3A_276 : i32
      %dma_start3A_278 = arith.constant 1 : i32
      %dma_start3A_279 = arith.constant 0 : i32
      %dma_start3A_280 = arith.constant 0 : i32
      %dma_start3A_281 = tpu.memref_slice %arg10[%dma_start3A_278, %dma_start3A_279, %dma_start3A_280] : memref<2x104x64xf32, #tpu.memory_space<vmem>> -> memref<1x104x64xf32, #tpu.memory_space<vmem>>
      %dma_start3A_282 = tpu.memref_squeeze %dma_start3A_281 : memref<1x104x64xf32, #tpu.memory_space<vmem>> -> memref<104x64xf32, #tpu.memory_space<vmem>>
      %dma_start3A_283 = arith.constant 96 : i32
      %dma_start3A_284 = arith.constant 0 : i32
      %dma_start3A_285 = tpu.memref_slice %arg5[%add3A_277, %dma_start3A_283, %dma_start3A_284] : memref<4096x200x64xf32, #tpu.memory_space<hbm>> -> memref<1x104x64xf32, #tpu.memory_space<hbm>>
      %dma_start3A_286 = tpu.memref_squeeze %dma_start3A_285 : memref<1x104x64xf32, #tpu.memory_space<hbm>> -> memref<104x64xf32, #tpu.memory_space<hbm>>
      %dma_start3A_287 = arith.constant 96 : i32
      %dma_start3A_288 = arith.constant 0 : i32
      %dma_start3A_289 = tpu.memref_slice %arg5[%add3A_277, %dma_start3A_287, %dma_start3A_288] : memref<4096x200x64xf32, #tpu.memory_space<hbm>> -> memref<1x104x64xf32, #tpu.memory_space<hbm>>
      %dma_start3A_290 = tpu.memref_squeeze %dma_start3A_289 : memref<1x104x64xf32, #tpu.memory_space<hbm>> -> memref<104x64xf32, #tpu.memory_space<hbm>>
      %dma_start3A_291 = arith.constant 0 : i32
      %dma_start3A_292 = arith.constant 0 : i32
      %dma_start3A_293 = tpu.memref_slice %arg10[%dma_start3A_278, %dma_start3A_291, %dma_start3A_292] : memref<2x104x64xf32, #tpu.memory_space<vmem>> -> memref<1x104x64xf32, #tpu.memory_space<vmem>>
      %dma_start3A_294 = tpu.memref_squeeze %dma_start3A_293 : memref<1x104x64xf32, #tpu.memory_space<vmem>> -> memref<104x64xf32, #tpu.memory_space<vmem>>
      tpu.enqueue_dma source(%dma_start3A_294 : memref<104x64xf32, #tpu.memory_space<vmem>>) target(%dma_start3A_290 : memref<104x64xf32, #tpu.memory_space<hbm>>) target_semaphore(%arg16 : memref<!tpu.dma_semaphore, #tpu.memory_space<semaphore_mem>>)
      %add3A_295 = arith.constant 4 : i32
      %add3A_296 = arith.addi %add3A_220, %add3A_295 : i32
      %lt3A_297 = arith.constant 256 : i32
      %lt3A_298 = arith.cmpi slt, %add3A_296, %lt3A_297 : i32
      %convert_element_type3A_299 = arith.extui %lt3A_298 : i1 to i32
      %cond3A_300 = arith.constant 0 : i32
      %cond3A_301 = arith.cmpi ne, %convert_element_type3A_299, %cond3A_300 : i32
      scf.if %cond3A_301 {
        %add3A_472 = arith.constant 4 : i32
        %add3A_473 = arith.addi %add3A_220, %add3A_472 : i32
        %jit3A_474 = arith.constant 2 : i32
        %div3A_475 = arith.divsi %add3A_473, %jit3A_474 : i32
        %sign3A_476 = arith.constant 0 : i32
        %sign3A_477 = arith.cmpi sgt, %add3A_473, %sign3A_476 : i32
        %sign3A_478 = arith.extui %sign3A_477 : i1 to i32
        %sign3A_479 = arith.constant 0 : i32
        %sign3A_480 = arith.cmpi slt, %add3A_473, %sign3A_479 : i32
        %sign3A_481 = arith.extui %sign3A_480 : i1 to i32
        %sign3A_482 = arith.subi %sign3A_478, %sign3A_481 : i32
        %sign3A_483 = arith.constant 0 : i32
        %sign3A_484 = arith.cmpi sgt, %jit3A_474, %sign3A_483 : i32
        %sign3A_485 = arith.extui %sign3A_484 : i1 to i32
        %sign3A_486 = arith.constant 0 : i32
        %sign3A_487 = arith.cmpi slt, %jit3A_474, %sign3A_486 : i32
        %sign3A_488 = arith.extui %sign3A_487 : i1 to i32
        %sign3A_489 = arith.subi %sign3A_485, %sign3A_488 : i32
        %ne3A_490 = arith.cmpi ne, %sign3A_482, %sign3A_489 : i32
        %rem3A_491 = arith.remsi %add3A_473, %jit3A_474 : i32
        %ne3A_492 = arith.constant 0 : i32
        %ne3A_493 = arith.cmpi ne, %rem3A_491, %ne3A_492 : i32
        %and3A_494 = arith.andi %ne3A_490, %ne3A_493 : i1
        %sub3A_495 = arith.constant 1 : i32
        %sub3A_496 = arith.subi %div3A_475, %sub3A_495 : i32
        %select_n3A_497 = arith.select %and3A_494, %sub3A_496, %div3A_475 : i32
        %dma_start3A_498 = arith.constant 1 : i32
        %dma_start3A_499 = arith.constant 0 : i32
        %dma_start3A_500 = arith.constant 0 : i32
        %dma_start3A_501 = tpu.memref_slice %arg8[%dma_start3A_498, %dma_start3A_499, %dma_start3A_500] : memref<4x104x64xf32, #tpu.memory_space<vmem>> -> memref<1x104x64xf32, #tpu.memory_space<vmem>>
        %dma_start3A_502 = tpu.memref_squeeze %dma_start3A_501 : memref<1x104x64xf32, #tpu.memory_space<vmem>> -> memref<104x64xf32, #tpu.memory_space<vmem>>
        %dma_start3A_503 = arith.constant 96 : i32
        %dma_start3A_504 = tpu.memref_slice %arg6[%select_n3A_497, %dma_start3A_503] : memref<128x200xi32, #tpu.memory_space<vmem>> -> memref<1x104xi32, #tpu.memory_space<vmem>>
        %dma_start3A_505 = tpu.memref_squeeze %dma_start3A_504 : memref<1x104xi32, #tpu.memory_space<vmem>> -> memref<104xi32, #tpu.memory_space<vmem>>
        %dma_start3A_506 = arith.constant 0 : i32
        %dma_start3A_507 = arith.constant 0 : i32
        %dma_start3A_508 = tpu.memref_slice %arg3[%dma_start3A_506, %dma_start3A_507] : memref<1000000x64xf32, #tpu.memory_space<hbm>> -> memref<1000000x64xf32, #tpu.memory_space<hbm>>
        tpu.enqueue_indirect_dma source(%dma_start3A_508 : memref<1000000x64xf32, #tpu.memory_space<hbm>>) target(%dma_start3A_502 : memref<104x64xf32, #tpu.memory_space<vmem>>) offsets(%dma_start3A_505 : memref<104xi32, #tpu.memory_space<vmem>>) semaphore(%arg12 : memref<!tpu.dma_semaphore, #tpu.memory_space<semaphore_mem>>)
        %dma_start3A_509 = arith.constant 1 : i32
        %dma_start3A_510 = arith.constant 0 : i32
        %dma_start3A_511 = arith.constant 0 : i32
        %dma_start3A_512 = tpu.memref_slice %arg9[%dma_start3A_509, %dma_start3A_510, %dma_start3A_511] : memref<4x104x64xf32, #tpu.memory_space<vmem>> -> memref<1x104x64xf32, #tpu.memory_space<vmem>>
        %dma_start3A_513 = tpu.memref_squeeze %dma_start3A_512 : memref<1x104x64xf32, #tpu.memory_space<vmem>> -> memref<104x64xf32, #tpu.memory_space<vmem>>
        %dma_start3A_514 = arith.constant 96 : i32
        %dma_start3A_515 = tpu.memref_slice %arg7[%select_n3A_497, %dma_start3A_514] : memref<128x200xi32, #tpu.memory_space<vmem>> -> memref<1x104xi32, #tpu.memory_space<vmem>>
        %dma_start3A_516 = tpu.memref_squeeze %dma_start3A_515 : memref<1x104xi32, #tpu.memory_space<vmem>> -> memref<104xi32, #tpu.memory_space<vmem>>
        %dma_start3A_517 = arith.constant 0 : i32
        %dma_start3A_518 = arith.constant 0 : i32
        %dma_start3A_519 = tpu.memref_slice %arg4[%dma_start3A_517, %dma_start3A_518] : memref<513x64xf32, #tpu.memory_space<hbm>> -> memref<513x64xf32, #tpu.memory_space<hbm>>
        tpu.enqueue_indirect_dma source(%dma_start3A_519 : memref<513x64xf32, #tpu.memory_space<hbm>>) target(%dma_start3A_513 : memref<104x64xf32, #tpu.memory_space<vmem>>) offsets(%dma_start3A_516 : memref<104xi32, #tpu.memory_space<vmem>>) semaphore(%arg12 : memref<!tpu.dma_semaphore, #tpu.memory_space<semaphore_mem>>)
      } else {
      }
      %mul3A_302 = arith.constant 4 : i32
      %mul3A_303 = arith.muli %scan3A_144, %mul3A_302 : i32
      %add3A_304 = arith.constant 2 : i32
      %add3A_305 = arith.addi %mul3A_303, %add3A_304 : i32
      %dma_wait3A_306 = arith.constant 0 : i32
      %dma_wait3A_307 = arith.constant 2 : i32
      %dma_wait3A_308 = arith.constant 0 : i32
      %dma_wait3A_309 = arith.constant 0 : i32
      %dma_wait3A_310 = tpu.memref_slice %arg8[%dma_wait3A_307, %dma_wait3A_308, %dma_wait3A_309] : memref<4x104x64xf32, #tpu.memory_space<vmem>> -> memref<1x96x64xf32, #tpu.memory_space<vmem>>
      %dma_wait3A_311 = tpu.memref_squeeze %dma_wait3A_310 : memref<1x96x64xf32, #tpu.memory_space<vmem>> -> memref<96x64xf32, #tpu.memory_space<vmem>>
      %dma_wait3A_312 = arith.constant 0 : i32
      %dma_wait3A_313 = tpu.memref_slice %arg6[%dma_wait3A_306, %dma_wait3A_312] : memref<128x200xi32, #tpu.memory_space<vmem>> -> memref<1x96xi32, #tpu.memory_space<vmem>>
      %dma_wait3A_314 = tpu.memref_squeeze %dma_wait3A_313 : memref<1x96xi32, #tpu.memory_space<vmem>> -> memref<96xi32, #tpu.memory_space<vmem>>
      %dma_wait3A_315 = arith.constant 0 : i32
      %dma_wait3A_316 = arith.constant 0 : i32
      %dma_wait3A_317 = tpu.memref_slice %arg3[%dma_wait3A_315, %dma_wait3A_316] : memref<1000000x64xf32, #tpu.memory_space<hbm>> -> memref<1000000x64xf32, #tpu.memory_space<hbm>>
      tpu.wait_indirect_dma semaphore(%arg13 : memref<!tpu.dma_semaphore, #tpu.memory_space<semaphore_mem>>) src(%dma_wait3A_317 : memref<1000000x64xf32, #tpu.memory_space<hbm>>) dst(%dma_wait3A_311 : memref<96x64xf32, #tpu.memory_space<vmem>>)
      %dma_wait3A_318 = arith.constant 0 : i32
      %dma_wait3A_319 = arith.constant 2 : i32
      %dma_wait3A_320 = arith.constant 0 : i32
      %dma_wait3A_321 = arith.constant 0 : i32
      %dma_wait3A_322 = tpu.memref_slice %arg9[%dma_wait3A_319, %dma_wait3A_320, %dma_wait3A_321] : memref<4x104x64xf32, #tpu.memory_space<vmem>> -> memref<1x96x64xf32, #tpu.memory_space<vmem>>
      %dma_wait3A_323 = tpu.memref_squeeze %dma_wait3A_322 : memref<1x96x64xf32, #tpu.memory_space<vmem>> -> memref<96x64xf32, #tpu.memory_space<vmem>>
      %dma_wait3A_324 = arith.constant 0 : i32
      %dma_wait3A_325 = tpu.memref_slice %arg7[%dma_wait3A_318, %dma_wait3A_324] : memref<128x200xi32, #tpu.memory_space<vmem>> -> memref<1x96xi32, #tpu.memory_space<vmem>>
      %dma_wait3A_326 = tpu.memref_squeeze %dma_wait3A_325 : memref<1x96xi32, #tpu.memory_space<vmem>> -> memref<96xi32, #tpu.memory_space<vmem>>
      %dma_wait3A_327 = arith.constant 0 : i32
      %dma_wait3A_328 = arith.constant 0 : i32
      %dma_wait3A_329 = tpu.memref_slice %arg4[%dma_wait3A_327, %dma_wait3A_328] : memref<513x64xf32, #tpu.memory_space<hbm>> -> memref<513x64xf32, #tpu.memory_space<hbm>>
      tpu.wait_indirect_dma semaphore(%arg13 : memref<!tpu.dma_semaphore, #tpu.memory_space<semaphore_mem>>) src(%dma_wait3A_329 : memref<513x64xf32, #tpu.memory_space<hbm>>) dst(%dma_wait3A_323 : memref<96x64xf32, #tpu.memory_space<vmem>>)
      %ge3A_330 = arith.constant 2 : i32
      %ge3A_331 = arith.cmpi sge, %add3A_305, %ge3A_330 : i32
      %convert_element_type3A_332 = arith.extui %ge3A_331 : i1 to i32
      %cond3A_333 = arith.constant 0 : i32
      %cond3A_334 = arith.cmpi ne, %convert_element_type3A_332, %cond3A_333 : i32
      scf.if %cond3A_334 {
        %dma_wait3A_472 = arith.constant 0 : i32
        %dma_wait3A_473 = arith.constant 0 : i32
        %dma_wait3A_474 = arith.constant 0 : i32
        %dma_wait3A_475 = arith.constant 0 : i32
        %dma_wait3A_476 = tpu.memref_slice %arg10[%dma_wait3A_472, %dma_wait3A_474, %dma_wait3A_475] : memref<2x104x64xf32, #tpu.memory_space<vmem>> -> memref<1x96x64xf32, #tpu.memory_space<vmem>>
        %dma_wait3A_477 = tpu.memref_squeeze %dma_wait3A_476 : memref<1x96x64xf32, #tpu.memory_space<vmem>> -> memref<96x64xf32, #tpu.memory_space<vmem>>
        %dma_wait3A_478 = arith.constant 0 : i32
        %dma_wait3A_479 = arith.constant 0 : i32
        %dma_wait3A_480 = tpu.memref_slice %arg5[%dma_wait3A_473, %dma_wait3A_478, %dma_wait3A_479] : memref<4096x200x64xf32, #tpu.memory_space<hbm>> -> memref<1x96x64xf32, #tpu.memory_space<hbm>>
        %dma_wait3A_481 = tpu.memref_squeeze %dma_wait3A_480 : memref<1x96x64xf32, #tpu.memory_space<hbm>> -> memref<96x64xf32, #tpu.memory_space<hbm>>
        %dma_wait3A_482 = arith.constant 0 : i32
        %dma_wait3A_483 = arith.constant 0 : i32
        %dma_wait3A_484 = tpu.memref_slice %arg5[%dma_wait3A_473, %dma_wait3A_482, %dma_wait3A_483] : memref<4096x200x64xf32, #tpu.memory_space<hbm>> -> memref<1x96x64xf32, #tpu.memory_space<hbm>>
        %dma_wait3A_485 = tpu.memref_squeeze %dma_wait3A_484 : memref<1x96x64xf32, #tpu.memory_space<hbm>> -> memref<96x64xf32, #tpu.memory_space<hbm>>
        %dma_wait3A_486 = arith.constant 0 : i32
        %dma_wait3A_487 = arith.constant 0 : i32
        %dma_wait3A_488 = tpu.memref_slice %arg10[%dma_wait3A_472, %dma_wait3A_486, %dma_wait3A_487] : memref<2x104x64xf32, #tpu.memory_space<vmem>> -> memref<1x96x64xf32, #tpu.memory_space<vmem>>
        %dma_wait3A_489 = tpu.memref_squeeze %dma_wait3A_488 : memref<1x96x64xf32, #tpu.memory_space<vmem>> -> memref<96x64xf32, #tpu.memory_space<vmem>>
        tpu.wait_dma2 semaphore(%arg15 : memref<!tpu.dma_semaphore, #tpu.memory_space<semaphore_mem>>) src(%dma_wait3A_489 : memref<96x64xf32, #tpu.memory_space<vmem>>) dst(%dma_wait3A_485 : memref<96x64xf32, #tpu.memory_space<hbm>>)
      } else {
      }
      %parallel_loop3A_335 = arith.constant 0 : i32
      %parallel_loop3A_336 = arith.constant 96 : i32
      %parallel_loop3A_337 = arith.constant 1 : i32
      scf.for %parallel_loop3A_472 = %parallel_loop3A_335 to %parallel_loop3A_336 step %parallel_loop3A_337  : i32 {
        %parallel_loop3A_473 = arith.constant 2 : i32
        %parallel_loop3A_474 = arith.index_cast %parallel_loop3A_473 : i32 to index
        %parallel_loop3A_475 = arith.index_cast %parallel_loop3A_472 : i32 to index
        %parallel_loop3A_476 = arith.constant 0 : index
        %parallel_loop3A_477 = tpu.vector_load %arg8[%parallel_loop3A_474, %parallel_loop3A_475, %parallel_loop3A_476] {strides = array<i32>} : memref<4x104x64xf32, #tpu.memory_space<vmem>>, vector<16xf32>,
        %parallel_loop3A_478 = arith.constant 2 : i32
        %parallel_loop3A_479 = arith.index_cast %parallel_loop3A_478 : i32 to index
        %parallel_loop3A_480 = arith.index_cast %parallel_loop3A_472 : i32 to index
        %parallel_loop3A_481 = arith.constant 0 : index
        %parallel_loop3A_482 = tpu.vector_load %arg9[%parallel_loop3A_479, %parallel_loop3A_480, %parallel_loop3A_481] {strides = array<i32>} : memref<4x104x64xf32, #tpu.memory_space<vmem>>, vector<16xf32>,
        %parallel_loop3A_483 = arith.addf %parallel_loop3A_477, %parallel_loop3A_482 : vector<16xf32>
        %parallel_loop3A_484 = arith.constant 0 : i32
        %parallel_loop3A_485 = arith.index_cast %parallel_loop3A_484 : i32 to index
        %parallel_loop3A_486 = arith.index_cast %parallel_loop3A_472 : i32 to index
        %parallel_loop3A_487 = arith.constant 0 : index
        %parallel_loop3A_488 = tpu.vector_load %arg10[%parallel_loop3A_485, %parallel_loop3A_486, %parallel_loop3A_487] {strides = array<i32>} : memref<2x104x64xf32, #tpu.memory_space<vmem>>, vector<16xf32>,
        tpu.vector_store %arg10[%parallel_loop3A_485, %parallel_loop3A_486, %parallel_loop3A_487], %parallel_loop3A_483 {strides = array<i32>} : memref<2x104x64xf32, #tpu.memory_space<vmem>>, vector<16xf32>,
        %parallel_loop3A_489 = arith.constant 2 : i32
        %parallel_loop3A_490 = arith.index_cast %parallel_loop3A_489 : i32 to index
        %parallel_loop3A_491 = arith.index_cast %parallel_loop3A_472 : i32 to index
        %parallel_loop3A_492 = arith.constant 16 : index
        %parallel_loop3A_493 = tpu.vector_load %arg8[%parallel_loop3A_490, %parallel_loop3A_491, %parallel_loop3A_492] {strides = array<i32>} : memref<4x104x64xf32, #tpu.memory_space<vmem>>, vector<16xf32>,
        %parallel_loop3A_494 = arith.constant 2 : i32
        %parallel_loop3A_495 = arith.index_cast %parallel_loop3A_494 : i32 to index
        %parallel_loop3A_496 = arith.index_cast %parallel_loop3A_472 : i32 to index
        %parallel_loop3A_497 = arith.constant 16 : index
        %parallel_loop3A_498 = tpu.vector_load %arg9[%parallel_loop3A_495, %parallel_loop3A_496, %parallel_loop3A_497] {strides = array<i32>} : memref<4x104x64xf32, #tpu.memory_space<vmem>>, vector<16xf32>,
        %parallel_loop3A_499 = arith.addf %parallel_loop3A_493, %parallel_loop3A_498 : vector<16xf32>
        %parallel_loop3A_500 = arith.constant 0 : i32
        %parallel_loop3A_501 = arith.index_cast %parallel_loop3A_500 : i32 to index
        %parallel_loop3A_502 = arith.index_cast %parallel_loop3A_472 : i32 to index
        %parallel_loop3A_503 = arith.constant 16 : index
        %parallel_loop3A_504 = tpu.vector_load %arg10[%parallel_loop3A_501, %parallel_loop3A_502, %parallel_loop3A_503] {strides = array<i32>} : memref<2x104x64xf32, #tpu.memory_space<vmem>>, vector<16xf32>,
        tpu.vector_store %arg10[%parallel_loop3A_501, %parallel_loop3A_502, %parallel_loop3A_503], %parallel_loop3A_499 {strides = array<i32>} : memref<2x104x64xf32, #tpu.memory_space<vmem>>, vector<16xf32>,
        %parallel_loop3A_505 = arith.constant 2 : i32
        %parallel_loop3A_506 = arith.index_cast %parallel_loop3A_505 : i32 to index
        %parallel_loop3A_507 = arith.index_cast %parallel_loop3A_472 : i32 to index
        %parallel_loop3A_508 = arith.constant 32 : index
        %parallel_loop3A_509 = tpu.vector_load %arg8[%parallel_loop3A_506, %parallel_loop3A_507, %parallel_loop3A_508] {strides = array<i32>} : memref<4x104x64xf32, #tpu.memory_space<vmem>>, vector<16xf32>,
        %parallel_loop3A_510 = arith.constant 2 : i32
        %parallel_loop3A_511 = arith.index_cast %parallel_loop3A_510 : i32 to index
        %parallel_loop3A_512 = arith.index_cast %parallel_loop3A_472 : i32 to index
        %parallel_loop3A_513 = arith.constant 32 : index
        %parallel_loop3A_514 = tpu.vector_load %arg9[%parallel_loop3A_511, %parallel_loop3A_512, %parallel_loop3A_513] {strides = array<i32>} : memref<4x104x64xf32, #tpu.memory_space<vmem>>, vector<16xf32>,
        %parallel_loop3A_515 = arith.addf %parallel_loop3A_509, %parallel_loop3A_514 : vector<16xf32>
        %parallel_loop3A_516 = arith.constant 0 : i32
        %parallel_loop3A_517 = arith.index_cast %parallel_loop3A_516 : i32 to index
        %parallel_loop3A_518 = arith.index_cast %parallel_loop3A_472 : i32 to index
        %parallel_loop3A_519 = arith.constant 32 : index
        %parallel_loop3A_520 = tpu.vector_load %arg10[%parallel_loop3A_517, %parallel_loop3A_518, %parallel_loop3A_519] {strides = array<i32>} : memref<2x104x64xf32, #tpu.memory_space<vmem>>, vector<16xf32>,
        tpu.vector_store %arg10[%parallel_loop3A_517, %parallel_loop3A_518, %parallel_loop3A_519], %parallel_loop3A_515 {strides = array<i32>} : memref<2x104x64xf32, #tpu.memory_space<vmem>>, vector<16xf32>,
        %parallel_loop3A_521 = arith.constant 2 : i32
        %parallel_loop3A_522 = arith.index_cast %parallel_loop3A_521 : i32 to index
        %parallel_loop3A_523 = arith.index_cast %parallel_loop3A_472 : i32 to index
        %parallel_loop3A_524 = arith.constant 48 : index
        %parallel_loop3A_525 = tpu.vector_load %arg8[%parallel_loop3A_522, %parallel_loop3A_523, %parallel_loop3A_524] {strides = array<i32>} : memref<4x104x64xf32, #tpu.memory_space<vmem>>, vector<16xf32>,
        %parallel_loop3A_526 = arith.constant 2 : i32
        %parallel_loop3A_527 = arith.index_cast %parallel_loop3A_526 : i32 to index
        %parallel_loop3A_528 = arith.index_cast %parallel_loop3A_472 : i32 to index
        %parallel_loop3A_529 = arith.constant 48 : index
        %parallel_loop3A_530 = tpu.vector_load %arg9[%parallel_loop3A_527, %parallel_loop3A_528, %parallel_loop3A_529] {strides = array<i32>} : memref<4x104x64xf32, #tpu.memory_space<vmem>>, vector<16xf32>,
        %parallel_loop3A_531 = arith.addf %parallel_loop3A_525, %parallel_loop3A_530 : vector<16xf32>
        %parallel_loop3A_532 = arith.constant 0 : i32
        %parallel_loop3A_533 = arith.index_cast %parallel_loop3A_532 : i32 to index
        %parallel_loop3A_534 = arith.index_cast %parallel_loop3A_472 : i32 to index
        %parallel_loop3A_535 = arith.constant 48 : index
        %parallel_loop3A_536 = tpu.vector_load %arg10[%parallel_loop3A_533, %parallel_loop3A_534, %parallel_loop3A_535] {strides = array<i32>} : memref<2x104x64xf32, #tpu.memory_space<vmem>>, vector<16xf32>,
        tpu.vector_store %arg10[%parallel_loop3A_533, %parallel_loop3A_534, %parallel_loop3A_535], %parallel_loop3A_531 {strides = array<i32>} : memref<2x104x64xf32, #tpu.memory_space<vmem>>, vector<16xf32>,
      } {sc.loop_unroll_factor = 4 : i64, sc.parallel_access}
      %jit3A_338 = arith.constant 2 : i32
      %div3A_339 = arith.divsi %add3A_305, %jit3A_338 : i32
      %sign3A_340 = arith.constant 0 : i32
      %sign3A_341 = arith.cmpi sgt, %add3A_305, %sign3A_340 : i32
      %sign3A_342 = arith.extui %sign3A_341 : i1 to i32
      %sign3A_343 = arith.constant 0 : i32
      %sign3A_344 = arith.cmpi slt, %add3A_305, %sign3A_343 : i32
      %sign3A_345 = arith.extui %sign3A_344 : i1 to i32
      %sign3A_346 = arith.subi %sign3A_342, %sign3A_345 : i32
      %sign3A_347 = arith.constant 0 : i32
      %sign3A_348 = arith.cmpi sgt, %jit3A_338, %sign3A_347 : i32
      %sign3A_349 = arith.extui %sign3A_348 : i1 to i32
      %sign3A_350 = arith.constant 0 : i32
      %sign3A_351 = arith.cmpi slt, %jit3A_338, %sign3A_350 : i32
      %sign3A_352 = arith.extui %sign3A_351 : i1 to i32
      %sign3A_353 = arith.subi %sign3A_349, %sign3A_352 : i32
      %ne3A_354 = arith.cmpi ne, %sign3A_346, %sign3A_353 : i32
      %rem3A_355 = arith.remsi %add3A_305, %jit3A_338 : i32
      %ne3A_356 = arith.constant 0 : i32
      %ne3A_357 = arith.cmpi ne, %rem3A_355, %ne3A_356 : i32
      %and3A_358 = arith.andi %ne3A_354, %ne3A_357 : i1
      %sub3A_359 = arith.constant 1 : i32
      %sub3A_360 = arith.subi %div3A_339, %sub3A_359 : i32
      %select_n3A_361 = arith.select %and3A_358, %sub3A_360, %div3A_339 : i32
      %add3A_362 = arith.addi %mul3A_2, %select_n3A_361 : i32
      %dma_start3A_363 = arith.constant 0 : i32
      %dma_start3A_364 = arith.constant 0 : i32
      %dma_start3A_365 = arith.constant 0 : i32
      %dma_start3A_366 = tpu.memref_slice %arg10[%dma_start3A_363, %dma_start3A_364, %dma_start3A_365] : memref<2x104x64xf32, #tpu.memory_space<vmem>> -> memref<1x96x64xf32, #tpu.memory_space<vmem>>
      %dma_start3A_367 = tpu.memref_squeeze %dma_start3A_366 : memref<1x96x64xf32, #tpu.memory_space<vmem>> -> memref<96x64xf32, #tpu.memory_space<vmem>>
      %dma_start3A_368 = arith.constant 0 : i32
      %dma_start3A_369 = arith.constant 0 : i32
      %dma_start3A_370 = tpu.memref_slice %arg5[%add3A_362, %dma_start3A_368, %dma_start3A_369] : memref<4096x200x64xf32, #tpu.memory_space<hbm>> -> memref<1x96x64xf32, #tpu.memory_space<hbm>>
      %dma_start3A_371 = tpu.memref_squeeze %dma_start3A_370 : memref<1x96x64xf32, #tpu.memory_space<hbm>> -> memref<96x64xf32, #tpu.memory_space<hbm>>
      %dma_start3A_372 = arith.constant 0 : i32
      %dma_start3A_373 = arith.constant 0 : i32
      %dma_start3A_374 = tpu.memref_slice %arg5[%add3A_362, %dma_start3A_372, %dma_start3A_373] : memref<4096x200x64xf32, #tpu.memory_space<hbm>> -> memref<1x96x64xf32, #tpu.memory_space<hbm>>
      %dma_start3A_375 = tpu.memref_squeeze %dma_start3A_374 : memref<1x96x64xf32, #tpu.memory_space<hbm>> -> memref<96x64xf32, #tpu.memory_space<hbm>>
      %dma_start3A_376 = arith.constant 0 : i32
      %dma_start3A_377 = arith.constant 0 : i32
      %dma_start3A_378 = tpu.memref_slice %arg10[%dma_start3A_363, %dma_start3A_376, %dma_start3A_377] : memref<2x104x64xf32, #tpu.memory_space<vmem>> -> memref<1x96x64xf32, #tpu.memory_space<vmem>>
      %dma_start3A_379 = tpu.memref_squeeze %dma_start3A_378 : memref<1x96x64xf32, #tpu.memory_space<vmem>> -> memref<96x64xf32, #tpu.memory_space<vmem>>
      tpu.enqueue_dma source(%dma_start3A_379 : memref<96x64xf32, #tpu.memory_space<vmem>>) target(%dma_start3A_375 : memref<96x64xf32, #tpu.memory_space<hbm>>) target_semaphore(%arg15 : memref<!tpu.dma_semaphore, #tpu.memory_space<semaphore_mem>>)
      %add3A_380 = arith.constant 4 : i32
      %add3A_381 = arith.addi %add3A_305, %add3A_380 : i32
      %lt3A_382 = arith.constant 256 : i32
      %lt3A_383 = arith.cmpi slt, %add3A_381, %lt3A_382 : i32
      %convert_element_type3A_384 = arith.extui %lt3A_383 : i1 to i32
      %cond3A_385 = arith.constant 0 : i32
      %cond3A_386 = arith.cmpi ne, %convert_element_type3A_384, %cond3A_385 : i32
      scf.if %cond3A_386 {
        %add3A_472 = arith.constant 4 : i32
        %add3A_473 = arith.addi %add3A_305, %add3A_472 : i32
        %jit3A_474 = arith.constant 2 : i32
        %div3A_475 = arith.divsi %add3A_473, %jit3A_474 : i32
        %sign3A_476 = arith.constant 0 : i32
        %sign3A_477 = arith.cmpi sgt, %add3A_473, %sign3A_476 : i32
        %sign3A_478 = arith.extui %sign3A_477 : i1 to i32
        %sign3A_479 = arith.constant 0 : i32
        %sign3A_480 = arith.cmpi slt, %add3A_473, %sign3A_479 : i32
        %sign3A_481 = arith.extui %sign3A_480 : i1 to i32
        %sign3A_482 = arith.subi %sign3A_478, %sign3A_481 : i32
        %sign3A_483 = arith.constant 0 : i32
        %sign3A_484 = arith.cmpi sgt, %jit3A_474, %sign3A_483 : i32
        %sign3A_485 = arith.extui %sign3A_484 : i1 to i32
        %sign3A_486 = arith.constant 0 : i32
        %sign3A_487 = arith.cmpi slt, %jit3A_474, %sign3A_486 : i32
        %sign3A_488 = arith.extui %sign3A_487 : i1 to i32
        %sign3A_489 = arith.subi %sign3A_485, %sign3A_488 : i32
        %ne3A_490 = arith.cmpi ne, %sign3A_482, %sign3A_489 : i32
        %rem3A_491 = arith.remsi %add3A_473, %jit3A_474 : i32
        %ne3A_492 = arith.constant 0 : i32
        %ne3A_493 = arith.cmpi ne, %rem3A_491, %ne3A_492 : i32
        %and3A_494 = arith.andi %ne3A_490, %ne3A_493 : i1
        %sub3A_495 = arith.constant 1 : i32
        %sub3A_496 = arith.subi %div3A_475, %sub3A_495 : i32
        %select_n3A_497 = arith.select %and3A_494, %sub3A_496, %div3A_475 : i32
        %dma_start3A_498 = arith.constant 2 : i32
        %dma_start3A_499 = arith.constant 0 : i32
        %dma_start3A_500 = arith.constant 0 : i32
        %dma_start3A_501 = tpu.memref_slice %arg8[%dma_start3A_498, %dma_start3A_499, %dma_start3A_500] : memref<4x104x64xf32, #tpu.memory_space<vmem>> -> memref<1x96x64xf32, #tpu.memory_space<vmem>>
        %dma_start3A_502 = tpu.memref_squeeze %dma_start3A_501 : memref<1x96x64xf32, #tpu.memory_space<vmem>> -> memref<96x64xf32, #tpu.memory_space<vmem>>
        %dma_start3A_503 = arith.constant 0 : i32
        %dma_start3A_504 = tpu.memref_slice %arg6[%select_n3A_497, %dma_start3A_503] : memref<128x200xi32, #tpu.memory_space<vmem>> -> memref<1x96xi32, #tpu.memory_space<vmem>>
        %dma_start3A_505 = tpu.memref_squeeze %dma_start3A_504 : memref<1x96xi32, #tpu.memory_space<vmem>> -> memref<96xi32, #tpu.memory_space<vmem>>
        %dma_start3A_506 = arith.constant 0 : i32
        %dma_start3A_507 = arith.constant 0 : i32
        %dma_start3A_508 = tpu.memref_slice %arg3[%dma_start3A_506, %dma_start3A_507] : memref<1000000x64xf32, #tpu.memory_space<hbm>> -> memref<1000000x64xf32, #tpu.memory_space<hbm>>
        tpu.enqueue_indirect_dma source(%dma_start3A_508 : memref<1000000x64xf32, #tpu.memory_space<hbm>>) target(%dma_start3A_502 : memref<96x64xf32, #tpu.memory_space<vmem>>) offsets(%dma_start3A_505 : memref<96xi32, #tpu.memory_space<vmem>>) semaphore(%arg13 : memref<!tpu.dma_semaphore, #tpu.memory_space<semaphore_mem>>)
        %dma_start3A_509 = arith.constant 2 : i32
        %dma_start3A_510 = arith.constant 0 : i32
        %dma_start3A_511 = arith.constant 0 : i32
        %dma_start3A_512 = tpu.memref_slice %arg9[%dma_start3A_509, %dma_start3A_510, %dma_start3A_511] : memref<4x104x64xf32, #tpu.memory_space<vmem>> -> memref<1x96x64xf32, #tpu.memory_space<vmem>>
        %dma_start3A_513 = tpu.memref_squeeze %dma_start3A_512 : memref<1x96x64xf32, #tpu.memory_space<vmem>> -> memref<96x64xf32, #tpu.memory_space<vmem>>
        %dma_start3A_514 = arith.constant 0 : i32
        %dma_start3A_515 = tpu.memref_slice %arg7[%select_n3A_497, %dma_start3A_514] : memref<128x200xi32, #tpu.memory_space<vmem>> -> memref<1x96xi32, #tpu.memory_space<vmem>>
        %dma_start3A_516 = tpu.memref_squeeze %dma_start3A_515 : memref<1x96xi32, #tpu.memory_space<vmem>> -> memref<96xi32, #tpu.memory_space<vmem>>
        %dma_start3A_517 = arith.constant 0 : i32
        %dma_start3A_518 = arith.constant 0 : i32
        %dma_start3A_519 = tpu.memref_slice %arg4[%dma_start3A_517, %dma_start3A_518] : memref<513x64xf32, #tpu.memory_space<hbm>> -> memref<513x64xf32, #tpu.memory_space<hbm>>
        tpu.enqueue_indirect_dma source(%dma_start3A_519 : memref<513x64xf32, #tpu.memory_space<hbm>>) target(%dma_start3A_513 : memref<96x64xf32, #tpu.memory_space<vmem>>) offsets(%dma_start3A_516 : memref<96xi32, #tpu.memory_space<vmem>>) semaphore(%arg13 : memref<!tpu.dma_semaphore, #tpu.memory_space<semaphore_mem>>)
      } else {
      }
      %mul3A_387 = arith.constant 4 : i32
      %mul3A_388 = arith.muli %scan3A_144, %mul3A_387 : i32
      %add3A_389 = arith.constant 3 : i32
      %add3A_390 = arith.addi %mul3A_388, %add3A_389 : i32
      %dma_wait3A_391 = arith.constant 0 : i32
      %dma_wait3A_392 = arith.constant 3 : i32
      %dma_wait3A_393 = arith.constant 0 : i32
      %dma_wait3A_394 = arith.constant 0 : i32
      %dma_wait3A_395 = tpu.memref_slice %arg8[%dma_wait3A_392, %dma_wait3A_393, %dma_wait3A_394] : memref<4x104x64xf32, #tpu.memory_space<vmem>> -> memref<1x104x64xf32, #tpu.memory_space<vmem>>
      %dma_wait3A_396 = tpu.memref_squeeze %dma_wait3A_395 : memref<1x104x64xf32, #tpu.memory_space<vmem>> -> memref<104x64xf32, #tpu.memory_space<vmem>>
      %dma_wait3A_397 = arith.constant 0 : i32
      %dma_wait3A_398 = tpu.memref_slice %arg6[%dma_wait3A_391, %dma_wait3A_397] : memref<128x200xi32, #tpu.memory_space<vmem>> -> memref<1x104xi32, #tpu.memory_space<vmem>>
      %dma_wait3A_399 = tpu.memref_squeeze %dma_wait3A_398 : memref<1x104xi32, #tpu.memory_space<vmem>> -> memref<104xi32, #tpu.memory_space<vmem>>
      %dma_wait3A_400 = arith.constant 0 : i32
      %dma_wait3A_401 = arith.constant 0 : i32
      %dma_wait3A_402 = tpu.memref_slice %arg3[%dma_wait3A_400, %dma_wait3A_401] : memref<1000000x64xf32, #tpu.memory_space<hbm>> -> memref<1000000x64xf32, #tpu.memory_space<hbm>>
      tpu.wait_indirect_dma semaphore(%arg14 : memref<!tpu.dma_semaphore, #tpu.memory_space<semaphore_mem>>) src(%dma_wait3A_402 : memref<1000000x64xf32, #tpu.memory_space<hbm>>) dst(%dma_wait3A_396 : memref<104x64xf32, #tpu.memory_space<vmem>>)
      %dma_wait3A_403 = arith.constant 0 : i32
      %dma_wait3A_404 = arith.constant 3 : i32
      %dma_wait3A_405 = arith.constant 0 : i32
      %dma_wait3A_406 = arith.constant 0 : i32
      %dma_wait3A_407 = tpu.memref_slice %arg9[%dma_wait3A_404, %dma_wait3A_405, %dma_wait3A_406] : memref<4x104x64xf32, #tpu.memory_space<vmem>> -> memref<1x104x64xf32, #tpu.memory_space<vmem>>
      %dma_wait3A_408 = tpu.memref_squeeze %dma_wait3A_407 : memref<1x104x64xf32, #tpu.memory_space<vmem>> -> memref<104x64xf32, #tpu.memory_space<vmem>>
      %dma_wait3A_409 = arith.constant 0 : i32
      %dma_wait3A_410 = tpu.memref_slice %arg7[%dma_wait3A_403, %dma_wait3A_409] : memref<128x200xi32, #tpu.memory_space<vmem>> -> memref<1x104xi32, #tpu.memory_space<vmem>>
      %dma_wait3A_411 = tpu.memref_squeeze %dma_wait3A_410 : memref<1x104xi32, #tpu.memory_space<vmem>> -> memref<104xi32, #tpu.memory_space<vmem>>
      %dma_wait3A_412 = arith.constant 0 : i32
      %dma_wait3A_413 = arith.constant 0 : i32
      %dma_wait3A_414 = tpu.memref_slice %arg4[%dma_wait3A_412, %dma_wait3A_413] : memref<513x64xf32, #tpu.memory_space<hbm>> -> memref<513x64xf32, #tpu.memory_space<hbm>>
      tpu.wait_indirect_dma semaphore(%arg14 : memref<!tpu.dma_semaphore, #tpu.memory_space<semaphore_mem>>) src(%dma_wait3A_414 : memref<513x64xf32, #tpu.memory_space<hbm>>) dst(%dma_wait3A_408 : memref<104x64xf32, #tpu.memory_space<vmem>>)
      %ge3A_415 = arith.constant 2 : i32
      %ge3A_416 = arith.cmpi sge, %add3A_390, %ge3A_415 : i32
      %convert_element_type3A_417 = arith.extui %ge3A_416 : i1 to i32
      %cond3A_418 = arith.constant 0 : i32
      %cond3A_419 = arith.cmpi ne, %convert_element_type3A_417, %cond3A_418 : i32
      scf.if %cond3A_419 {
        %dma_wait3A_472 = arith.constant 1 : i32
        %dma_wait3A_473 = arith.constant 0 : i32
        %dma_wait3A_474 = arith.constant 0 : i32
        %dma_wait3A_475 = arith.constant 0 : i32
        %dma_wait3A_476 = tpu.memref_slice %arg10[%dma_wait3A_472, %dma_wait3A_474, %dma_wait3A_475] : memref<2x104x64xf32, #tpu.memory_space<vmem>> -> memref<1x104x64xf32, #tpu.memory_space<vmem>>
        %dma_wait3A_477 = tpu.memref_squeeze %dma_wait3A_476 : memref<1x104x64xf32, #tpu.memory_space<vmem>> -> memref<104x64xf32, #tpu.memory_space<vmem>>
        %dma_wait3A_478 = arith.constant 96 : i32
        %dma_wait3A_479 = arith.constant 0 : i32
        %dma_wait3A_480 = tpu.memref_slice %arg5[%dma_wait3A_473, %dma_wait3A_478, %dma_wait3A_479] : memref<4096x200x64xf32, #tpu.memory_space<hbm>> -> memref<1x104x64xf32, #tpu.memory_space<hbm>>
        %dma_wait3A_481 = tpu.memref_squeeze %dma_wait3A_480 : memref<1x104x64xf32, #tpu.memory_space<hbm>> -> memref<104x64xf32, #tpu.memory_space<hbm>>
        %dma_wait3A_482 = arith.constant 96 : i32
        %dma_wait3A_483 = arith.constant 0 : i32
        %dma_wait3A_484 = tpu.memref_slice %arg5[%dma_wait3A_473, %dma_wait3A_482, %dma_wait3A_483] : memref<4096x200x64xf32, #tpu.memory_space<hbm>> -> memref<1x104x64xf32, #tpu.memory_space<hbm>>
        %dma_wait3A_485 = tpu.memref_squeeze %dma_wait3A_484 : memref<1x104x64xf32, #tpu.memory_space<hbm>> -> memref<104x64xf32, #tpu.memory_space<hbm>>
        %dma_wait3A_486 = arith.constant 0 : i32
        %dma_wait3A_487 = arith.constant 0 : i32
        %dma_wait3A_488 = tpu.memref_slice %arg10[%dma_wait3A_472, %dma_wait3A_486, %dma_wait3A_487] : memref<2x104x64xf32, #tpu.memory_space<vmem>> -> memref<1x104x64xf32, #tpu.memory_space<vmem>>
        %dma_wait3A_489 = tpu.memref_squeeze %dma_wait3A_488 : memref<1x104x64xf32, #tpu.memory_space<vmem>> -> memref<104x64xf32, #tpu.memory_space<vmem>>
        tpu.wait_dma2 semaphore(%arg16 : memref<!tpu.dma_semaphore, #tpu.memory_space<semaphore_mem>>) src(%dma_wait3A_489 : memref<104x64xf32, #tpu.memory_space<vmem>>) dst(%dma_wait3A_485 : memref<104x64xf32, #tpu.memory_space<hbm>>)
      } else {
      }
      %parallel_loop3A_420 = arith.constant 0 : i32
      %parallel_loop3A_421 = arith.constant 104 : i32
      %parallel_loop3A_422 = arith.constant 1 : i32
      scf.for %parallel_loop3A_472 = %parallel_loop3A_420 to %parallel_loop3A_421 step %parallel_loop3A_422  : i32 {
        %parallel_loop3A_473 = arith.constant 3 : i32
        %parallel_loop3A_474 = arith.index_cast %parallel_loop3A_473 : i32 to index
        %parallel_loop3A_475 = arith.index_cast %parallel_loop3A_472 : i32 to index
        %parallel_loop3A_476 = arith.constant 0 : index
        %parallel_loop3A_477 = tpu.vector_load %arg8[%parallel_loop3A_474, %parallel_loop3A_475, %parallel_loop3A_476] {strides = array<i32>} : memref<4x104x64xf32, #tpu.memory_space<vmem>>, vector<16xf32>,
        %parallel_loop3A_478 = arith.constant 3 : i32
        %parallel_loop3A_479 = arith.index_cast %parallel_loop3A_478 : i32 to index
        %parallel_loop3A_480 = arith.index_cast %parallel_loop3A_472 : i32 to index
        %parallel_loop3A_481 = arith.constant 0 : index
        %parallel_loop3A_482 = tpu.vector_load %arg9[%parallel_loop3A_479, %parallel_loop3A_480, %parallel_loop3A_481] {strides = array<i32>} : memref<4x104x64xf32, #tpu.memory_space<vmem>>, vector<16xf32>,
        %parallel_loop3A_483 = arith.addf %parallel_loop3A_477, %parallel_loop3A_482 : vector<16xf32>
        %parallel_loop3A_484 = arith.constant 1 : i32
        %parallel_loop3A_485 = arith.index_cast %parallel_loop3A_484 : i32 to index
        %parallel_loop3A_486 = arith.index_cast %parallel_loop3A_472 : i32 to index
        %parallel_loop3A_487 = arith.constant 0 : index
        %parallel_loop3A_488 = tpu.vector_load %arg10[%parallel_loop3A_485, %parallel_loop3A_486, %parallel_loop3A_487] {strides = array<i32>} : memref<2x104x64xf32, #tpu.memory_space<vmem>>, vector<16xf32>,
        tpu.vector_store %arg10[%parallel_loop3A_485, %parallel_loop3A_486, %parallel_loop3A_487], %parallel_loop3A_483 {strides = array<i32>} : memref<2x104x64xf32, #tpu.memory_space<vmem>>, vector<16xf32>,
        %parallel_loop3A_489 = arith.constant 3 : i32
        %parallel_loop3A_490 = arith.index_cast %parallel_loop3A_489 : i32 to index
        %parallel_loop3A_491 = arith.index_cast %parallel_loop3A_472 : i32 to index
        %parallel_loop3A_492 = arith.constant 16 : index
        %parallel_loop3A_493 = tpu.vector_load %arg8[%parallel_loop3A_490, %parallel_loop3A_491, %parallel_loop3A_492] {strides = array<i32>} : memref<4x104x64xf32, #tpu.memory_space<vmem>>, vector<16xf32>,
        %parallel_loop3A_494 = arith.constant 3 : i32
        %parallel_loop3A_495 = arith.index_cast %parallel_loop3A_494 : i32 to index
        %parallel_loop3A_496 = arith.index_cast %parallel_loop3A_472 : i32 to index
        %parallel_loop3A_497 = arith.constant 16 : index
        %parallel_loop3A_498 = tpu.vector_load %arg9[%parallel_loop3A_495, %parallel_loop3A_496, %parallel_loop3A_497] {strides = array<i32>} : memref<4x104x64xf32, #tpu.memory_space<vmem>>, vector<16xf32>,
        %parallel_loop3A_499 = arith.addf %parallel_loop3A_493, %parallel_loop3A_498 : vector<16xf32>
        %parallel_loop3A_500 = arith.constant 1 : i32
        %parallel_loop3A_501 = arith.index_cast %parallel_loop3A_500 : i32 to index
        %parallel_loop3A_502 = arith.index_cast %parallel_loop3A_472 : i32 to index
        %parallel_loop3A_503 = arith.constant 16 : index
        %parallel_loop3A_504 = tpu.vector_load %arg10[%parallel_loop3A_501, %parallel_loop3A_502, %parallel_loop3A_503] {strides = array<i32>} : memref<2x104x64xf32, #tpu.memory_space<vmem>>, vector<16xf32>,
        tpu.vector_store %arg10[%parallel_loop3A_501, %parallel_loop3A_502, %parallel_loop3A_503], %parallel_loop3A_499 {strides = array<i32>} : memref<2x104x64xf32, #tpu.memory_space<vmem>>, vector<16xf32>,
        %parallel_loop3A_505 = arith.constant 3 : i32
        %parallel_loop3A_506 = arith.index_cast %parallel_loop3A_505 : i32 to index
        %parallel_loop3A_507 = arith.index_cast %parallel_loop3A_472 : i32 to index
        %parallel_loop3A_508 = arith.constant 32 : index
        %parallel_loop3A_509 = tpu.vector_load %arg8[%parallel_loop3A_506, %parallel_loop3A_507, %parallel_loop3A_508] {strides = array<i32>} : memref<4x104x64xf32, #tpu.memory_space<vmem>>, vector<16xf32>,
        %parallel_loop3A_510 = arith.constant 3 : i32
        %parallel_loop3A_511 = arith.index_cast %parallel_loop3A_510 : i32 to index
        %parallel_loop3A_512 = arith.index_cast %parallel_loop3A_472 : i32 to index
        %parallel_loop3A_513 = arith.constant 32 : index
        %parallel_loop3A_514 = tpu.vector_load %arg9[%parallel_loop3A_511, %parallel_loop3A_512, %parallel_loop3A_513] {strides = array<i32>} : memref<4x104x64xf32, #tpu.memory_space<vmem>>, vector<16xf32>,
        %parallel_loop3A_515 = arith.addf %parallel_loop3A_509, %parallel_loop3A_514 : vector<16xf32>
        %parallel_loop3A_516 = arith.constant 1 : i32
        %parallel_loop3A_517 = arith.index_cast %parallel_loop3A_516 : i32 to index
        %parallel_loop3A_518 = arith.index_cast %parallel_loop3A_472 : i32 to index
        %parallel_loop3A_519 = arith.constant 32 : index
        %parallel_loop3A_520 = tpu.vector_load %arg10[%parallel_loop3A_517, %parallel_loop3A_518, %parallel_loop3A_519] {strides = array<i32>} : memref<2x104x64xf32, #tpu.memory_space<vmem>>, vector<16xf32>,
        tpu.vector_store %arg10[%parallel_loop3A_517, %parallel_loop3A_518, %parallel_loop3A_519], %parallel_loop3A_515 {strides = array<i32>} : memref<2x104x64xf32, #tpu.memory_space<vmem>>, vector<16xf32>,
        %parallel_loop3A_521 = arith.constant 3 : i32
        %parallel_loop3A_522 = arith.index_cast %parallel_loop3A_521 : i32 to index
        %parallel_loop3A_523 = arith.index_cast %parallel_loop3A_472 : i32 to index
        %parallel_loop3A_524 = arith.constant 48 : index
        %parallel_loop3A_525 = tpu.vector_load %arg8[%parallel_loop3A_522, %parallel_loop3A_523, %parallel_loop3A_524] {strides = array<i32>} : memref<4x104x64xf32, #tpu.memory_space<vmem>>, vector<16xf32>,
        %parallel_loop3A_526 = arith.constant 3 : i32
        %parallel_loop3A_527 = arith.index_cast %parallel_loop3A_526 : i32 to index
        %parallel_loop3A_528 = arith.index_cast %parallel_loop3A_472 : i32 to index
        %parallel_loop3A_529 = arith.constant 48 : index
        %parallel_loop3A_530 = tpu.vector_load %arg9[%parallel_loop3A_527, %parallel_loop3A_528, %parallel_loop3A_529] {strides = array<i32>} : memref<4x104x64xf32, #tpu.memory_space<vmem>>, vector<16xf32>,
        %parallel_loop3A_531 = arith.addf %parallel_loop3A_525, %parallel_loop3A_530 : vector<16xf32>
        %parallel_loop3A_532 = arith.constant 1 : i32
        %parallel_loop3A_533 = arith.index_cast %parallel_loop3A_532 : i32 to index
        %parallel_loop3A_534 = arith.index_cast %parallel_loop3A_472 : i32 to index
        %parallel_loop3A_535 = arith.constant 48 : index
        %parallel_loop3A_536 = tpu.vector_load %arg10[%parallel_loop3A_533, %parallel_loop3A_534, %parallel_loop3A_535] {strides = array<i32>} : memref<2x104x64xf32, #tpu.memory_space<vmem>>, vector<16xf32>,
        tpu.vector_store %arg10[%parallel_loop3A_533, %parallel_loop3A_534, %parallel_loop3A_535], %parallel_loop3A_531 {strides = array<i32>} : memref<2x104x64xf32, #tpu.memory_space<vmem>>, vector<16xf32>,
      } {sc.loop_unroll_factor = 4 : i64, sc.parallel_access}
      %jit3A_423 = arith.constant 2 : i32
      %div3A_424 = arith.divsi %add3A_390, %jit3A_423 : i32
      %sign3A_425 = arith.constant 0 : i32
      %sign3A_426 = arith.cmpi sgt, %add3A_390, %sign3A_425 : i32
      %sign3A_427 = arith.extui %sign3A_426 : i1 to i32
      %sign3A_428 = arith.constant 0 : i32
      %sign3A_429 = arith.cmpi slt, %add3A_390, %sign3A_428 : i32
      %sign3A_430 = arith.extui %sign3A_429 : i1 to i32
      %sign3A_431 = arith.subi %sign3A_427, %sign3A_430 : i32
      %sign3A_432 = arith.constant 0 : i32
      %sign3A_433 = arith.cmpi sgt, %jit3A_423, %sign3A_432 : i32
      %sign3A_434 = arith.extui %sign3A_433 : i1 to i32
      %sign3A_435 = arith.constant 0 : i32
      %sign3A_436 = arith.cmpi slt, %jit3A_423, %sign3A_435 : i32
      %sign3A_437 = arith.extui %sign3A_436 : i1 to i32
      %sign3A_438 = arith.subi %sign3A_434, %sign3A_437 : i32
      %ne3A_439 = arith.cmpi ne, %sign3A_431, %sign3A_438 : i32
      %rem3A_440 = arith.remsi %add3A_390, %jit3A_423 : i32
      %ne3A_441 = arith.constant 0 : i32
      %ne3A_442 = arith.cmpi ne, %rem3A_440, %ne3A_441 : i32
      %and3A_443 = arith.andi %ne3A_439, %ne3A_442 : i1
      %sub3A_444 = arith.constant 1 : i32
      %sub3A_445 = arith.subi %div3A_424, %sub3A_444 : i32
      %select_n3A_446 = arith.select %and3A_443, %sub3A_445, %div3A_424 : i32
      %add3A_447 = arith.addi %mul3A_2, %select_n3A_446 : i32
      %dma_start3A_448 = arith.constant 1 : i32
      %dma_start3A_449 = arith.constant 0 : i32
      %dma_start3A_450 = arith.constant 0 : i32
      %dma_start3A_451 = tpu.memref_slice %arg10[%dma_start3A_448, %dma_start3A_449, %dma_start3A_450] : memref<2x104x64xf32, #tpu.memory_space<vmem>> -> memref<1x104x64xf32, #tpu.memory_space<vmem>>
      %dma_start3A_452 = tpu.memref_squeeze %dma_start3A_451 : memref<1x104x64xf32, #tpu.memory_space<vmem>> -> memref<104x64xf32, #tpu.memory_space<vmem>>
      %dma_start3A_453 = arith.constant 96 : i32
      %dma_start3A_454 = arith.constant 0 : i32
      %dma_start3A_455 = tpu.memref_slice %arg5[%add3A_447, %dma_start3A_453, %dma_start3A_454] : memref<4096x200x64xf32, #tpu.memory_space<hbm>> -> memref<1x104x64xf32, #tpu.memory_space<hbm>>
      %dma_start3A_456 = tpu.memref_squeeze %dma_start3A_455 : memref<1x104x64xf32, #tpu.memory_space<hbm>> -> memref<104x64xf32, #tpu.memory_space<hbm>>
      %dma_start3A_457 = arith.constant 96 : i32
      %dma_start3A_458 = arith.constant 0 : i32
      %dma_start3A_459 = tpu.memref_slice %arg5[%add3A_447, %dma_start3A_457, %dma_start3A_458] : memref<4096x200x64xf32, #tpu.memory_space<hbm>> -> memref<1x104x64xf32, #tpu.memory_space<hbm>>
      %dma_start3A_460 = tpu.memref_squeeze %dma_start3A_459 : memref<1x104x64xf32, #tpu.memory_space<hbm>> -> memref<104x64xf32, #tpu.memory_space<hbm>>
      %dma_start3A_461 = arith.constant 0 : i32
      %dma_start3A_462 = arith.constant 0 : i32
      %dma_start3A_463 = tpu.memref_slice %arg10[%dma_start3A_448, %dma_start3A_461, %dma_start3A_462] : memref<2x104x64xf32, #tpu.memory_space<vmem>> -> memref<1x104x64xf32, #tpu.memory_space<vmem>>
      %dma_start3A_464 = tpu.memref_squeeze %dma_start3A_463 : memref<1x104x64xf32, #tpu.memory_space<vmem>> -> memref<104x64xf32, #tpu.memory_space<vmem>>
      tpu.enqueue_dma source(%dma_start3A_464 : memref<104x64xf32, #tpu.memory_space<vmem>>) target(%dma_start3A_460 : memref<104x64xf32, #tpu.memory_space<hbm>>) target_semaphore(%arg16 : memref<!tpu.dma_semaphore, #tpu.memory_space<semaphore_mem>>)
      %add3A_465 = arith.constant 4 : i32
      %add3A_466 = arith.addi %add3A_390, %add3A_465 : i32
      %lt3A_467 = arith.constant 256 : i32
      %lt3A_468 = arith.cmpi slt, %add3A_466, %lt3A_467 : i32
      %convert_element_type3A_469 = arith.extui %lt3A_468 : i1 to i32
      %cond3A_470 = arith.constant 0 : i32
      %cond3A_471 = arith.cmpi ne, %convert_element_type3A_469, %cond3A_470 : i32
      scf.if %cond3A_471 {
        %add3A_472 = arith.constant 4 : i32
        %add3A_473 = arith.addi %add3A_390, %add3A_472 : i32
        %jit3A_474 = arith.constant 2 : i32
        %div3A_475 = arith.divsi %add3A_473, %jit3A_474 : i32
        %sign3A_476 = arith.constant 0 : i32
        %sign3A_477 = arith.cmpi sgt, %add3A_473, %sign3A_476 : i32
        %sign3A_478 = arith.extui %sign3A_477 : i1 to i32
        %sign3A_479 = arith.constant 0 : i32
        %sign3A_480 = arith.cmpi slt, %add3A_473, %sign3A_479 : i32
        %sign3A_481 = arith.extui %sign3A_480 : i1 to i32
        %sign3A_482 = arith.subi %sign3A_478, %sign3A_481 : i32
        %sign3A_483 = arith.constant 0 : i32
        %sign3A_484 = arith.cmpi sgt, %jit3A_474, %sign3A_483 : i32
        %sign3A_485 = arith.extui %sign3A_484 : i1 to i32
        %sign3A_486 = arith.constant 0 : i32
        %sign3A_487 = arith.cmpi slt, %jit3A_474, %sign3A_486 : i32
        %sign3A_488 = arith.extui %sign3A_487 : i1 to i32
        %sign3A_489 = arith.subi %sign3A_485, %sign3A_488 : i32
        %ne3A_490 = arith.cmpi ne, %sign3A_482, %sign3A_489 : i32
        %rem3A_491 = arith.remsi %add3A_473, %jit3A_474 : i32
        %ne3A_492 = arith.constant 0 : i32
        %ne3A_493 = arith.cmpi ne, %rem3A_491, %ne3A_492 : i32
        %and3A_494 = arith.andi %ne3A_490, %ne3A_493 : i1
        %sub3A_495 = arith.constant 1 : i32
        %sub3A_496 = arith.subi %div3A_475, %sub3A_495 : i32
        %select_n3A_497 = arith.select %and3A_494, %sub3A_496, %div3A_475 : i32
        %dma_start3A_498 = arith.constant 3 : i32
        %dma_start3A_499 = arith.constant 0 : i32
        %dma_start3A_500 = arith.constant 0 : i32
        %dma_start3A_501 = tpu.memref_slice %arg8[%dma_start3A_498, %dma_start3A_499, %dma_start3A_500] : memref<4x104x64xf32, #tpu.memory_space<vmem>> -> memref<1x104x64xf32, #tpu.memory_space<vmem>>
        %dma_start3A_502 = tpu.memref_squeeze %dma_start3A_501 : memref<1x104x64xf32, #tpu.memory_space<vmem>> -> memref<104x64xf32, #tpu.memory_space<vmem>>
        %dma_start3A_503 = arith.constant 96 : i32
        %dma_start3A_504 = tpu.memref_slice %arg6[%select_n3A_497, %dma_start3A_503] : memref<128x200xi32, #tpu.memory_space<vmem>> -> memref<1x104xi32, #tpu.memory_space<vmem>>
        %dma_start3A_505 = tpu.memref_squeeze %dma_start3A_504 : memref<1x104xi32, #tpu.memory_space<vmem>> -> memref<104xi32, #tpu.memory_space<vmem>>
        %dma_start3A_506 = arith.constant 0 : i32
        %dma_start3A_507 = arith.constant 0 : i32
        %dma_start3A_508 = tpu.memref_slice %arg3[%dma_start3A_506, %dma_start3A_507] : memref<1000000x64xf32, #tpu.memory_space<hbm>> -> memref<1000000x64xf32, #tpu.memory_space<hbm>>
        tpu.enqueue_indirect_dma source(%dma_start3A_508 : memref<1000000x64xf32, #tpu.memory_space<hbm>>) target(%dma_start3A_502 : memref<104x64xf32, #tpu.memory_space<vmem>>) offsets(%dma_start3A_505 : memref<104xi32, #tpu.memory_space<vmem>>) semaphore(%arg14 : memref<!tpu.dma_semaphore, #tpu.memory_space<semaphore_mem>>)
        %dma_start3A_509 = arith.constant 3 : i32
        %dma_start3A_510 = arith.constant 0 : i32
        %dma_start3A_511 = arith.constant 0 : i32
        %dma_start3A_512 = tpu.memref_slice %arg9[%dma_start3A_509, %dma_start3A_510, %dma_start3A_511] : memref<4x104x64xf32, #tpu.memory_space<vmem>> -> memref<1x104x64xf32, #tpu.memory_space<vmem>>
        %dma_start3A_513 = tpu.memref_squeeze %dma_start3A_512 : memref<1x104x64xf32, #tpu.memory_space<vmem>> -> memref<104x64xf32, #tpu.memory_space<vmem>>
        %dma_start3A_514 = arith.constant 96 : i32
        %dma_start3A_515 = tpu.memref_slice %arg7[%select_n3A_497, %dma_start3A_514] : memref<128x200xi32, #tpu.memory_space<vmem>> -> memref<1x104xi32, #tpu.memory_space<vmem>>
        %dma_start3A_516 = tpu.memref_squeeze %dma_start3A_515 : memref<1x104xi32, #tpu.memory_space<vmem>> -> memref<104xi32, #tpu.memory_space<vmem>>
        %dma_start3A_517 = arith.constant 0 : i32
        %dma_start3A_518 = arith.constant 0 : i32
        %dma_start3A_519 = tpu.memref_slice %arg4[%dma_start3A_517, %dma_start3A_518] : memref<513x64xf32, #tpu.memory_space<hbm>> -> memref<513x64xf32, #tpu.memory_space<hbm>>
        tpu.enqueue_indirect_dma source(%dma_start3A_519 : memref<513x64xf32, #tpu.memory_space<hbm>>) target(%dma_start3A_513 : memref<104x64xf32, #tpu.memory_space<vmem>>) offsets(%dma_start3A_516 : memref<104xi32, #tpu.memory_space<vmem>>) semaphore(%arg14 : memref<!tpu.dma_semaphore, #tpu.memory_space<semaphore_mem>>)
      } else {
      }
    }
    %scan3A_108 = arith.constant 64 : i32
    %dma_wait3A = arith.constant 0 : i32
    %dma_wait3A_109 = arith.constant 0 : i32
    %dma_wait3A_110 = arith.constant 0 : i32
    %dma_wait3A_111 = arith.constant 0 : i32
    %dma_wait3A_112 = tpu.memref_slice %arg10[%dma_wait3A, %dma_wait3A_110, %dma_wait3A_111] : memref<2x104x64xf32, #tpu.memory_space<vmem>> -> memref<1x96x64xf32, #tpu.memory_space<vmem>>
    %dma_wait3A_113 = tpu.memref_squeeze %dma_wait3A_112 : memref<1x96x64xf32, #tpu.memory_space<vmem>> -> memref<96x64xf32, #tpu.memory_space<vmem>>
    %dma_wait3A_114 = arith.constant 0 : i32
    %dma_wait3A_115 = arith.constant 0 : i32
    %dma_wait3A_116 = tpu.memref_slice %arg5[%dma_wait3A_109, %dma_wait3A_114, %dma_wait3A_115] : memref<4096x200x64xf32, #tpu.memory_space<hbm>> -> memref<1x96x64xf32, #tpu.memory_space<hbm>>
    %dma_wait3A_117 = tpu.memref_squeeze %dma_wait3A_116 : memref<1x96x64xf32, #tpu.memory_space<hbm>> -> memref<96x64xf32, #tpu.memory_space<hbm>>
    %dma_wait3A_118 = arith.constant 0 : i32
    %dma_wait3A_119 = arith.constant 0 : i32
    %dma_wait3A_120 = tpu.memref_slice %arg5[%dma_wait3A_109, %dma_wait3A_118, %dma_wait3A_119] : memref<4096x200x64xf32, #tpu.memory_space<hbm>> -> memref<1x96x64xf32, #tpu.memory_space<hbm>>
    %dma_wait3A_121 = tpu.memref_squeeze %dma_wait3A_120 : memref<1x96x64xf32, #tpu.memory_space<hbm>> -> memref<96x64xf32, #tpu.memory_space<hbm>>
    %dma_wait3A_122 = arith.constant 0 : i32
    %dma_wait3A_123 = arith.constant 0 : i32
    %dma_wait3A_124 = tpu.memref_slice %arg10[%dma_wait3A, %dma_wait3A_122, %dma_wait3A_123] : memref<2x104x64xf32, #tpu.memory_space<vmem>> -> memref<1x96x64xf32, #tpu.memory_space<vmem>>
    %dma_wait3A_125 = tpu.memref_squeeze %dma_wait3A_124 : memref<1x96x64xf32, #tpu.memory_space<vmem>> -> memref<96x64xf32, #tpu.memory_space<vmem>>
    tpu.wait_dma2 semaphore(%arg15 : memref<!tpu.dma_semaphore, #tpu.memory_space<semaphore_mem>>) src(%dma_wait3A_125 : memref<96x64xf32, #tpu.memory_space<vmem>>) dst(%dma_wait3A_121 : memref<96x64xf32, #tpu.memory_space<hbm>>)
    %dma_wait3A_126 = arith.constant 1 : i32
    %dma_wait3A_127 = arith.constant 0 : i32
    %dma_wait3A_128 = arith.constant 0 : i32
    %dma_wait3A_129 = arith.constant 0 : i32
    %dma_wait3A_130 = tpu.memref_slice %arg10[%dma_wait3A_126, %dma_wait3A_128, %dma_wait3A_129] : memref<2x104x64xf32, #tpu.memory_space<vmem>> -> memref<1x104x64xf32, #tpu.memory_space<vmem>>
    %dma_wait3A_131 = tpu.memref_squeeze %dma_wait3A_130 : memref<1x104x64xf32, #tpu.memory_space<vmem>> -> memref<104x64xf32, #tpu.memory_space<vmem>>
    %dma_wait3A_132 = arith.constant 96 : i32
    %dma_wait3A_133 = arith.constant 0 : i32
    %dma_wait3A_134 = tpu.memref_slice %arg5[%dma_wait3A_127, %dma_wait3A_132, %dma_wait3A_133] : memref<4096x200x64xf32, #tpu.memory_space<hbm>> -> memref<1x104x64xf32, #tpu.memory_space<hbm>>
    %dma_wait3A_135 = tpu.memref_squeeze %dma_wait3A_134 : memref<1x104x64xf32, #tpu.memory_space<hbm>> -> memref<104x64xf32, #tpu.memory_space<hbm>>
    %dma_wait3A_136 = arith.constant 96 : i32
    %dma_wait3A_137 = arith.constant 0 : i32
    %dma_wait3A_138 = tpu.memref_slice %arg5[%dma_wait3A_127, %dma_wait3A_136, %dma_wait3A_137] : memref<4096x200x64xf32, #tpu.memory_space<hbm>> -> memref<1x104x64xf32, #tpu.memory_space<hbm>>
    %dma_wait3A_139 = tpu.memref_squeeze %dma_wait3A_138 : memref<1x104x64xf32, #tpu.memory_space<hbm>> -> memref<104x64xf32, #tpu.memory_space<hbm>>
    %dma_wait3A_140 = arith.constant 0 : i32
    %dma_wait3A_141 = arith.constant 0 : i32
    %dma_wait3A_142 = tpu.memref_slice %arg10[%dma_wait3A_126, %dma_wait3A_140, %dma_wait3A_141] : memref<2x104x64xf32, #tpu.memory_space<vmem>> -> memref<1x104x64xf32, #tpu.memory_space<vmem>>
    %dma_wait3A_143 = tpu.memref_squeeze %dma_wait3A_142 : memref<1x104x64xf32, #tpu.memory_space<vmem>> -> memref<104x64xf32, #tpu.memory_space<vmem>>
    tpu.wait_dma2 semaphore(%arg16 : memref<!tpu.dma_semaphore, #tpu.memory_space<semaphore_mem>>) src(%dma_wait3A_143 : memref<104x64xf32, #tpu.memory_space<vmem>>) dst(%dma_wait3A_139 : memref<104x64xf32, #tpu.memory_space<hbm>>)
    return
  }
}

module attributes {stable_mosaic.version = 14 : i64} {
  func.func @_mask_body(%arg0: i32, %arg1: memref<512x200xi32, #tpu.memory_space<vmem>>, %arg2: memref<512x200xi32, #tpu.memory_space<vmem>>) attributes {dimension_semantics = [#tpu.dimension_semantics<arbitrary>], iteration_bounds = array<i64: 8>, scalar_prefetch = 0 : i64, scratch_operands = 0 : i64, tpu.core_type = #tpu.core_type<tc>, window_params = [{transform_indices = @transform_0, window_bounds = array<i64: 512, 200>}, {transform_indices = @transform_1, window_bounds = array<i64: 512, 200>}]} {
    %get3A = arith.constant 0 : index
    %get3A_0 = arith.constant 0 : index
    %get3A_1 = vector.load %arg1[%get3A, %get3A_0] : memref<512x200xi32, #tpu.memory_space<vmem>>, vector<512x200xi32>
    %eq3A = arith.constant 0 : i32
    %eq3A_2 = vector.broadcast %eq3A : i32 to vector<512x200xi32>
    %eq3A_3 = arith.cmpi eq, %get3A_1, %eq3A_2 : vector<512x200xi32>
    %swap3A = arith.constant 0 : index
    %swap3A_4 = arith.constant 0 : index
    %swap3A_5 = vector.load %arg2[%swap3A, %swap3A_4] : memref<512x200xi32, #tpu.memory_space<vmem>>, vector<512x200xi32>
    %swap3A_6 = arith.extui %eq3A_3 : vector<512x200xi1> to vector<512x200xi32>
    %swap3A_7 = arith.constant dense<0> : vector<512x200xi32>
    %swap3A_8 = arith.cmpi ne, %swap3A_5, %swap3A_7 : vector<512x200xi32>
    tpu.vector_store %arg2[%swap3A, %swap3A_4], %swap3A_6 {strides = array<i32>} : memref<512x200xi32, #tpu.memory_space<vmem>>, vector<512x200xi32>,
    return
  }
  func.func @transform_0(%arg0: i32) -> (i32, i32) {
    %c0_i32 = arith.constant 0 : i32
    %c0_i32_0 = arith.constant 0 : i32
    return %arg0, %c0_i32 : i32, i32
  }
  func.func @transform_1(%arg0: i32) -> (i32, i32) {
    %c0_i32 = arith.constant 0 : i32
    %c0_i32_0 = arith.constant 0 : i32
    return %arg0, %c0_i32 : i32, i32
  }
}

</mosaic_0001>

<sc_bundles>
// kernel: kernel.4.cloned.1.call-start
scs
__scs_entry_jumppad:
0x0: {  	(pc) =	sbr.rel $0x88, $3  }
0x1: {  	(tag) =	ssettag $0x0;
	lr =	simm.s32 $0x1  }
0x2: {  	[smem:$0x3F9E] =	sst lr;
	_ =	strace $0xD0000000  }
0x3: {  	_ = 	snop  }
0x4: {  	_ = 	snop  }
0x5: {  	_ = 	snop  }
0x6: {  	_ = 	snop  }
0x7: {  	_ = 	snop  }
__scs_overlays_trampoline_lowered:
0x8: {  	[smem:$0x3FAD] =	sst s0  }
0x9: {  	[smem:$0x3FAE] =	sst s1  }
0xa: {  	[smem:$0x3FAF] =	sst s2  }
0xb: {  	[smem:$0x3FB0] =	sst s3  }
0xc: {  	[smem:$0x3FB1] =	sst s4  }
0xd: {  	[smem:$0x3FB2] =	sst s5  }
0xe: {  	[smem:$0x3FB3] =	sst s6  }
0xf: {  	[smem:$0x3FB4] =	sst s7  }
0x10: {  	[smem:$0x3FB5] =	sst s8  }
0x11: {  	[smem:$0x3FB6] =	sst s9;
	s0 =	simm.s32 @!p0 $0x0  }
0x12: {  	s1 =	sld [smem:$0x3F9C];
	s0 =	simm.s32 @p0 $0x1  }
0x13: {  	[smem:$0x3FB7] =	sst s0;
	s0 =	simm.s32 @!p1 $0x0  }
0x14: {  	s2 =	sld [smem:$0x3F9B];
	s0 =	simm.s32 @p1 $0x1  }
0x15: {  	[smem:$0x3FB8] =	sst s0;
	s0 =	simm.s32 @!p2 $0x0  }
0x16: {  	s3 =	sld [smem:$0x3FDB];
	s0 =	simm.s32 @p2 $0x1  }
0x17: {  	s4 =	simm.s32 $0x1BF5;
	[smem:$0x3FBA] =	sst s0  }
0x18: {  	s0 =	sld [smem:$0x3F9D];
	_ =	swait.ge [sflag:s4], $0x0  }
0x19: {  	s7 =	sld [smem:$0x3F9E]  }
0x1a: {  	s8 =	sadd.s32 $0xFFFFE003, lr  }
0x1b: {  	s9 =	sadd.s32 $0xFFFFFEF7, lr;
	s5 =	simm.s32 $0xFFFFFFFF;
	p2 =	slt.u32 s8, $0xFFFFF086  }
0x1c: {  	p1 =	slt.u32 s9, $0xF7A;
	s5 =	simm.s32 @!p2 $0x0  }
0x1d: {  	s5 =	simm.s32 @p1 $0x1;
	p0 =	seq.s32 s7, s2  }
0x1e: {  	s7 =	smul.u32 @!p0 $0xF7A, s2;
	p2 =	seq.s32 @!p0 s5, $0x0  }
0x1f: {  	s9 =	smul.u32 $0xF7A, s1;
	s8 =	simm.s32 @!p0 $0x1BF5;
	p2 =	por !p2, p0  }
0x20: {  	[sflag:s8] =	ssyncset.s32 @!p0 $0xFFFFF086;
	s6 =	sadd.s32 @!p0 s3, s7;
	s7 =	simm.s32 @!p0 $0x108  }
0x21: {  	s3 =	sadd.s32 s3, s9;
	s6 =	sadd.s32 @!p0 $0x88, s6;
	s7 =	simm.s32 @p2 $0x1082  }
0x22: {  	[simem:s7], [sflag:s8] =	dma.local @!p0 [hbm:s6], $0xF7A  }
0x23: {  	s9 =	sor.u32 $0xD0000000, s2;
	s6 =	simm.s32 $0x108;
	_ =	swait.ge @!p0 [sflag:s8], $0x0  }
0x24: {  	s3 =	sadd.s32 $0x88, s3;
	s6 =	simm.s32 @!p1 $0x1082;
	[sflag:s4] =	ssyncset.s32 $0xFFFFF086  }
0x25: {  	[simem:s6], [sflag:s4] =	dma.local [hbm:s3], $0xF7A  }
0x26: {  	[smem:$0x3F9E] =	sst s1;
	(tag) =	ssettag s2;
	_ =	strace s9  }
0x27: {  	s1 =	sld [smem:$0x3FAE]  }
0x28: {  	s2 =	sld [smem:$0x3FAF]  }
0x29: {  	s4 =	sld [smem:$0x3FB1]  }
0x2a: {  	p0 =	seq.s32 s5, $0x0;
	s5 =	sld [smem:$0x3FB2]  }
0x2b: {  	s6 =	sld [smem:$0x3FB3]  }
0x2c: {  	s7 =	sld [smem:$0x3FB4]  }
0x2d: {  	s3 =	simm.s32 $0x108;
	s8 =	sld [smem:$0x3FB5]  }
0x2e: {  	s3 =	simm.s32 @!p0 $0x1082;
	s9 =	sld [smem:$0x3FB6]  }
0x2f: {  	lr =	sadd.s32 s0, s3;
	s0 =	sld [smem:$0x3FAD]  }
0x30: {  	s3 =	sld [smem:$0x3FB0]  }
0x31: {  	[smem:$0x3FB9] =	sst s10  }
0x32: {  	s10 =	sld [smem:$0x3FB7];
	_ =	sdelay $0x3  }
0x33: {  	p0 =	seq.s32 s10, $0x1;
	s10 =	sld [smem:$0x3FB9];
	_ =	sdelay $0x3  }
0x34: {  	[smem:$0x3FB9] =	sst s10  }
0x35: {  	s10 =	sld [smem:$0x3FB8];
	_ =	sdelay $0x3  }
0x36: {  	p1 =	seq.s32 s10, $0x1;
	s10 =	sld [smem:$0x3FB9];
	_ =	sdelay $0x3  }
0x37: {  	[smem:$0x3FB9] =	sst s10  }
0x38: {  	s10 =	sld [smem:$0x3FBA]  }
0x39: {  	_ = 	snop;
	(pc) =	sbr.ind lr, $3  }
0x3a: {  	_ = 	snop  }
0x3b: {  	_ = 	snop  }
0x3c: {  	p2 =	seq.s32 s10, $0x1;
	s10 =	sld [smem:$0x3FB9]  }
0x3d: {  	_ =	shalt  }
0x3e: {  	_ =	shalt  }
0x3f: {  	_ =	shalt  }
0x40: {  	_ =	shalt  }
0x41: {  	_ =	shalt  }
0x42: {  	_ =	shalt  }
0x43: {  	_ =	shalt  }
0x44: {  	_ =	shalt  }
0x45: {  	_ =	shalt  }
0x46: {  	_ =	shalt  }
0x47: {  	_ =	shalt  }
0x48: {  	_ =	shalt  }
0x49: {  	_ =	shalt  }
0x4a: {  	_ =	shalt  }
0x4b: {  	_ =	shalt  }
0x4c: {  	_ =	shalt  }
0x4d: {  	_ =	shalt  }
0x4e: {  	_ =	shalt  }
0x4f: {  	_ =	shalt  }
0x50: {  	_ =	shalt  }
0x51: {  	_ =	shalt  }
0x52: {  	_ =	shalt  }
0x53: {  	_ =	shalt  }
0x54: {  	_ =	shalt  }
0x55: {  	_ =	shalt  }
0x56: {  	_ =	shalt  }
0x57: {  	_ =	shalt  }
0x58: {  	_ =	shalt  }
0x59: {  	_ =	shalt  }
0x5a: {  	_ =	shalt  }
0x5b: {  	_ =	shalt  }
0x5c: {  	_ =	shalt  }
0x5d: {  	_ =	shalt  }
0x5e: {  	_ =	shalt  }
0x5f: {  	_ =	shalt  }
0x60: {  	_ =	shalt  }
0x61: {  	_ =	shalt  }
0x62: {  	_ =	shalt  }
0x63: {  	_ =	shalt  }
0x64: {  	_ =	shalt  }
0x65: {  	_ =	shalt  }
0x66: {  	_ =	shalt  }
0x67: {  	_ =	shalt  }
0x68: {  	_ =	shalt  }
0x69: {  	_ =	shalt  }
0x6a: {  	_ =	shalt  }
0x6b: {  	_ =	shalt  }
0x6c: {  	_ =	shalt  }
0x6d: {  	_ =	shalt  }
0x6e: {  	_ =	shalt  }
0x6f: {  	_ =	shalt  }
0x70: {  	_ =	shalt  }
0x71: {  	_ =	shalt  }
0x72: {  	_ =	shalt  }
0x73: {  	_ =	shalt  }
0x74: {  	_ =	shalt  }
0x75: {  	_ =	shalt  }
0x76: {  	_ =	shalt  }
0x77: {  	_ =	shalt  }
0x78: {  	_ =	shalt  }
0x79: {  	_ =	shalt  }
0x7a: {  	_ =	shalt  }
0x7b: {  	_ =	shalt  }
0x7c: {  	_ =	shalt  }
0x7d: {  	_ =	shalt  }
0x7e: {  	_ =	shalt  }
0x7f: {  	_ =	shalt  }
0x80: {  	_ =	shalt  }
0x81: {  	_ =	shalt  }
0x82: {  	_ =	shalt  }
0x83: {  	_ =	shalt  }
0x84: {  	_ =	shalt  }
0x85: {  	_ =	shalt  }
0x86: {  	_ =	shalt  }
0x87: {  	_ =	shalt  }
.Lfunc_end0:
.L_simem_size_0:
called_computation.1_lowered:
.L_overlay_start_0:
0x88: {  	s2 =	sld [smem:$0x3FD9]  }
0x89: {  	s3 =	sld [smem:$0x3FFE];
	_ =	sdelay $0x1  }
0x8a: {  	s1 =	srdreg.scid  }
0x8b: {  	s0 =	sand.u32 $0x1, s1  }
0x8c: {  	s14 =	sshll.u32 s0, $0xA;
	s2 =	sadd.s32 s3, s2  }
0x8d: {  	s2 =	sadd.s32 s2, s14  }
0x8e: {  	[smem:$0x3FC5] =	sst s2  }
0x8f: {  	_ = 	snop  }
0x90: {  	s2 =	sld [smem:$0x3FD0];
	_ =	sdelay $0x2  }
0x91: {  	s15 =	simm.s32 $0xA;
	s4 =	simm.s32 $0x10  }
0x92: {  	[smem:s4], [sflag:s15] =	dma.local [hbm:s2], $0x1  }
0x93: {  	_ =	swait.eq [sflag:s15], $0x1  }
0x94: {  	[sflag:s15] =	ssyncset.done $0x0  }
0x95: {  	s16 =	sld [smem:$0x10];
	[sflag:s15] =	ssyncadd.s32 $0xFFFFFFFF  }
0x96: {  	s17 =	sld [smem:$0x11];
	(tm) =	ssettm $0x1  }
0x97: {  	s18 =	sld [smem:$0x3FFB];
	_ =	sdelay $0x3  }
0x98: {  	_ =	strace s18  }
0x99: {  	s4 =	sld [smem:$0x3FFC];
	_ =	sdelay $0x3  }
0x9a: {  	_ =	strace s4  }
0x9b: {  	s4 =	sld [smem:$0x3FFD];
	_ =	sdelay $0x3  }
0x9c: {  	_ =	strace s4  }
0x9d: {  	_ =	strace $0x8FFFFFFF  }
0x9e: {  	s19 =	sld [smem:$0x3FDB];
	_ =	sdelay $0x1  }
0x9f: {  	s5 =	simm.s32 $_scs_section_size  }
0xa0: {  	s6 =	simm.s32 $_size__tile_overlayer_lowered;
	s7 =	simm.s32 $_tile_overlayer_lowered  }
0xa1: {  	s22 =	simm.s32 $0x1BFF;
	s21 =	sshll.u32 s7, $0x1;
	s4 =	sadd.s32 s5, s19  }
0xa2: {  	s8 =	simm.s32 $0x0;
	s20 =	sshll.u32 s6, $0x1;
	s6 =	sadd.s32 s21, s4  }
0xa3: {  	[timem:s8], [sflag:s22] =	dma.local [hbm:s6], s20  }
0xa4: {  	_ =	swait.ge [sflag:s22], s20  }
0xa5: {  	s5 =	ssub.s32 $0x0, s20;
	[sflag:s22] =	ssyncset.done $0x0  }
0xa6: {  	[sflag:s22] =	ssyncadd.s32 s5;
	_ =	sdelay $0x1  }
0xa7: {  	s23 =	simm.s32 $0x1B8B  }
0xa8: {  	_ =	swait.ge [sflag:s23], $0x1  }
0xa9: {  	[sflag:s23] =	ssyncset.done $0x0  }
0xaa: {  	s25 =	simm.s32 $0x1B8E;
	s24 =	sld [smem:$0x3FFE];
	[sflag:s23] =	ssyncadd.s32 $0xFFFFFFFF  }
0xab: {  	s26 =	simm.s32 $execute0_lowered;
	[smem:$0x3FD2] =	sst s25  }
0xac: {  	s6 =	sshll.u32 s26, $0x1;
	_ =	strace $0x80000046;
	[dreg:$0x1] =	wrdreg $0xFFFFFFFF  }
0xad: {  	s28 =	simm.s32 $_size_execute0_lowered;
	s4 =	sadd.s32 s4, s6;
	[dreg:$0x0] =	wrdreg $0x0  }
0xae: {  	s6 =	sshll.u32 s28, $0x1;
	[dreg:$0x2] =	wrdreg s4  }
0xaf: {  	[dreg:$0x3] =	wrdreg s6  }
0xb0: {  	[dreg:$0x4] =	wrdreg $0xC0  }
0xb1: {  	_ =	task [dreg:s8], $0x5FFFF  }
0xb2: {  	[dreg:$0x1] =	wrdreg $0xFFFFFFFF  }
0xb3: {  	[dreg:$0x0] =	wrdreg $0x60  }
0xb4: {  	[dreg:$0x2] =	wrdreg s24  }
0xb5: {  	[dreg:$0x3] =	wrdreg s17  }
0xb6: {  	[dreg:$0x4] =	wrdreg s16  }
0xb7: {  	[dreg:$0x5] =	wrdreg $0x9  }
0xb8: {  	_ =	task.clear_ibuf [dreg:s8], $0x6FFFF;
	_ =	strace $0x90000046  }
0xb9: {  	s29 =	simm.s32 $0x9;
	_ =	strace $0x80000048  }
0xba: {  	_ =	swait.ge [sflag:s29], $0x1  }
0xbb: {  	[sflag:s29] =	ssyncadd.s32 $0xFFFFFFFF  }
0xbc: {  	_ =	strace $0x90000048  }
0xbd: {  	_ =	sfence  }
0xbe: {  	s30 =	sld [smem:$0x0];
	_ =	sdelay $0x2  }
0xbf: {  	s31 =	sshll.u32 s1, $0xD;
	s1 =	sshrl.u32 s1, $0x2  }
0xc0: {  	s3 =	sand.u32 $0x4000, s31;
	s1 =	sadd.s32 s1, s30  }
0xc1: {  	s0 =	sor.u32 s3, s0;
	s1 =	sshll.u32 s1, $0x11  }
0xc2: {  	s0 =	sor.u32 s1, s0  }
0xc3: {  	s0 =	sadd.s32 $0x8F2B, s0  }
0xc4: {  	[sflag:s0] =	ssyncadd.remote.s32 $0x1  }
0xc5: {  	_ =	sfence.sel $0xFFFF  }
0xc6: {  	[dreg:$0x0] =	wrdreg $0xFFFFFFFF;
	(pc) =	sbr.abs _section_cstart, $3  }
0xc7: {  	[dreg:$0x1] =	wrdreg $0xFFFFFFFF  }
0xc8: {  	_ =	task.clear_ibuf [dreg:s8], $0x2FFFF;
	_ =	strace $0x9FFFFFFF  }
0xc9: {  	(tm) =	ssettm $0x7FFFFFFF  }
tec
execute0_lowered:
.L_overlay_start_1:
0x0: {  	(tag) =	ssettag $0x1  }
0x1: {  	s0 =	srdreg.scid;
	s1 =	rddreg [dreg:$0x0]  }
0x2: {  	s3 =	stileid.u32;
	s2 =	rddreg [dreg:$0x1];
	s14 =	simm.s32 $0x68  }
0x3: {  	s23 =	simm.s32 $0x11600;
	s25 =	simm.s32 $0x17E00;
	s28 =	simm.s32 $0x19800  }
0x4: {  	s29 =	simm.s32 $0x2;
	s30 =	simm.s32 $0x1B200;
	s0 =	sand.u32 $0x1, s0  }
0x5: {  	s31 =	simm.s32 $0x3;
	s4 =	sshll.u32 s3, $0x8;
	s5 =	sshll.u32 s0, $0x7  }
0x6: {  	s11 =	simm.s32 $0x6;
	s12 =	simm.s32 $0x0;
	s4 =	sor.u32 s5, s4  }
0x7: {  	s0 =	ssub.s32 $0x2, s0;
	s5 =	simm.s32 $0x0;
	s6 =	smul.u32 $0x19, s4  }
.Ltmp0:
0x8: {  	s8 =	sshrl.u32 s0, $0x1;
	[smem:$0x7FF] =	sst s5;
	(pc) =	sbr.rel .LBB2_1-.Ltmp0, $4  }
0x9: {  	s3 =	rddreg [dreg:$0x2];
	s0 =	ssub.s32 s0, s8;
	_ =	strace $0x80000047  }
0xa: {  	vm0 =	vmmov $0xff;
	v1 =	vimm.s32 $0x0;
	s0 =	smax.u32 s0, $0x1;
	s7 =	sadd.s32 s6, s1;
	s6 =	sadd.s32 $0xF7C000, s1  }
0xb: {  	v1 =	vsel vm0, $0xFFFFFFFF, v1;
	[dreg:$0x5] =	wrdreg s0;
	s1 =	simm.s32 $0x5;
	s26 =	sadd.s32 $0x20C00, s7  }
0xc: {  	v0 =	vimm.s32 $0x0;
	[tilespmem:$0x1FFF0] =	vst v1;
	s0 =	simm.s32 $0x4;
	[dreg:$0x4] =	wrdreg s26;
	s26 =	simm.s32 $0x1  }
.LBB2_14:
0xd: {  	_ =	swait.ge [sflag:s1], $0x1800  }
0xe: {  	[sflag:s1] =	ssyncset.done $0x0  }
0xf: {  	[sflag:s1] =	ssyncadd.s32 $0xFFFFE800  }
0x10: {  	_ =	swait.ge [sflag:s11], $0x1A00  }
0x11: {  	s12 =	sadd.s32 $0x1, s12;
	s7 =	rddreg [dreg:$0x5]  }
0x12: {  	p0 =	sne.s32 s12, s7  }
.Ltmp1:
0x13: {  	_ = 	snop;
	(pc) =	sbr.rel @!p0 .LBB2_15-.Ltmp1, $3  }
0x14: {  	_ =	sdelay $0x1  }
0x15: {  	[sflag:s11] =	ssyncset.done $0x0  }
0x16: {  	[sflag:s11] =	ssyncadd.s32 $0xFFFFE600  }
.LBB2_1:
0x17: {  	s7 =	rddreg [dreg:$0x4];
	s22 =	simm.s32 $0x7  }
0x18: {  	[tilespmem:s5], [sflag:$0x7] =	stream.linear.gather [hbm4b:s7+s5], $0x6400, $0x38;
	[tilespmem:$0x1CC00] =	vst v63  }
0x19: {  	_ =	swait.ge [sflag:s22], $0x6400  }
0x1a: {  	[sflag:s22] =	ssyncset.done $0x0  }
0x1b: {  	s15 =	simm.s32 $0x0;
	[sflag:s22] =	ssyncadd.s32 $0xFFFF9C00  }
0x1c: {  	v1 =	vld [tilespmem:s15+$0xB0]  }
0x1d: {  	v2 =	vld [tilespmem:s15+$0x0]  }
0x1e: {  	v3 =	vld [tilespmem:s15+$0x10]  }
0x1f: {  	v4 =	vld [tilespmem:s15+$0x20]  }
0x20: {  	v6 =	vld [tilespmem:s15+$0x40];
	_ =	sdelay $0x1  }
0x21: {  	v5 =	vld [tilespmem:s15+$0x30]  }
0x22: {  	vm2 =	vne.s32 v1, $0x0;
	vm3 =	vne.s32 v2, $0x0;
	v1 =	vld [tilespmem:s15+$0x50]  }
0x23: {  	vm4 =	vne.s32 v3, $0x0;
	vm1 =	vne.s32 v4, $0x0;
	v2 =	vsel vm2, $0x1, v0  }
0x24: {  	v4 =	vimm.s32 $0x0;
	vm5 =	vne.s32 v6, $0x0;
	v7 =	vsel vm3, $0x1, v0;
	(xrf0) =	vadd.scan.msk.s32 $0xffff, v2  }
0x25: {  	v6 =	vimm.s32 $0x0;
	v4 =	vsel vm1, $0xFFFFFFFF, v4;
	v2 =	vsel vm4, $0x1, v0;
	(xrf0) =	vadd.scan.msk.s32 $0xffff, v7  }
0x26: {  	v3 =	vld [tilespmem:s15+$0x60];
	v6 =	vsel vm5, $0xFFFFFFFF, v6;
	v7 =	vsel vm1, $0x1, v0;
	vm1 =	vne.s32 v5, $0x0;
	(xrf0) =	vadd.scan.msk.s32 $0xffff, v2  }
0x27: {  	v8 =	vsel vm5, $0x1, v0;
	v5 =	vld [tilespmem:s15+$0x80];
	v2 =	vsel vm1, $0x1, v0;
	(xrf0) =	vadd.scan.msk.s32 $0xffff, v7;
	vm5 =	vne.s32 v1, $0x0  }
0x28: {  	[tilespmem:$0x1FFD0] =	vst v6;
	v6 =	vld [tilespmem:s15+$0x90];
	(xrf0) =	vadd.scan.msk.s32 $0xffff, v2;
	v2 =	vsel vm5, $0x1, v0  }
0x29: {  	[tilespmem:$0x1FFE0] =	vst v4;
	v4 =	vld [tilespmem:s15+$0x70]  }
0x2a: {  	v1 =	vld [tilespmem:s15+$0xB8];
	(xrf0) =	vadd.scan.msk.s32 $0xffff, v8  }
0x2b: {  	(xrf0) =	vadd.scan.msk.s32 $0xffff, v2;
	v2, _, _ =	vpop (xrf0)  }
0x2c: {  	v7 =	vld [tilespmem:s15+$0xA0];
	vm7 =	vne.s32 v5, $0x0;
	v5, _, _ =	vpop (xrf0)  }
0x2d: {  	vm14 =	vne.s32 v3, $0x0;
	vm8 =	vne.s32 v6, $0x0;
	(v2sf) =	vpush v5, $0xF;
	v6, _, _ =	vpop (xrf0)  }
0x2e: {  	v3 =	vsel vm14, $0x1, v0;
	vm6 =	vne.s32 v4, $0x0;
	(v2sf) =	vpush v6, $0xF;
	v12, _, _ =	vpop (xrf0)  }
0x2f: {  	v4 =	vsel vm6, $0x1, v0;
	(xrf0) =	vadd.scan.msk.s32 $0xffff, v3;
	vm10 =	vne.s32 v1, $0x0;
	(v2sf) =	vpush v12, $0xF;
	v1, _, _ =	vpop (xrf0)  }
0x30: {  	v3 =	vsel vm7, $0x1, v0;
	(xrf0) =	vadd.scan.msk.s32 $0xffff, v4;
	(v2sf) =	vpush v1, $0xF;
	v8, _, _ =	vpop (xrf0)  }
0x31: {  	vm9 =	vne.s32 v7, $0x0;
	v4 =	vsel vm8, $0x1, v0;
	(xrf0) =	vadd.scan.msk.s32 $0xffff, v3;
	(v2sf) =	vpush v8, $0xF;
	v7, _, _ =	vpop (xrf0)  }
0x32: {  	v3 =	vsel vm9, $0x1, v0;
	(xrf0) =	vadd.scan.msk.s32 $0xffff, v4;
	v4 =	vsel vm10, $0x1, v0;
	(v2sf) =	vpush v7, $0xF  }
0x33: {  	(xrf0) =	vadd.scan.msk.s32 $0xffff, v3;
	v3 =	vnsel vm0, $0x0, v4;
	_ =	sdelay $0x1  }
0x34: {  	v9, _, _ =	vpop (xrf0)  }
0x35: {  	(xrf0) =	vadd.scan.msk.s32 $0xffff, v3;
	(v2sf) =	vpush v9, $0xF;
	v3, _, _ =	vpop (xrf0)  }
0x36: {  	(v2sf) =	vpush v3, $0xF;
	v10, _, _ =	vpop (xrf0)  }
0x37: {  	(v2sf) =	vpush v10, $0xF;
	v11, _, _ =	vpop (xrf0)  }
0x38: {  	(v2sf) =	vpush v11, $0xF;
	v13, _, _ =	vpop (xrf0)  }
0x39: {  	(v2sf) =	vpush v13, $0xF;
	_ =	sdelay $0x1  }
0x3a: {  	s24 =	spop (v2sf)  }
0x3b: {  	s13 =	spop (v2sf)  }
0x3c: {  	s17 =	sadd.s32 s24, s13;
	s8 =	spop (v2sf)  }
0x3d: {  	v14, _, _ =	vpop (xrf0);
	(v2sf) =	vpush v2, $0xF;
	s19 =	sadd.s32 s17, s8;
	s9 =	spop (v2sf)  }
0x3e: {  	(v2sf) =	vpush v14, $0xF;
	s18 =	sadd.s32 s19, s9;
	s10 =	spop (v2sf)  }
0x3f: {  	s20 =	sadd.s32 s18, s10;
	s13 =	spop (v2sf)  }
0x40: {  	s21 =	sadd.s32 s20, s13;
	s13 =	simm.s32 $0xC8  }
0x41: {  	(xrf0) =	vadd.scan.msk.s32 $0xffff, v4;
	v4 =	vld [tilespmem:s13+$0xB0]  }
0x42: {  	v14 =	vbroadcast v5, $0xF;
	v15 =	vld [tilespmem:s13+$0x0]  }
0x43: {  	s16 =	spop (v2sf);
	v16 =	vld [tilespmem:s13+$0x10]  }
0x44: {  	vm12 =	vmmov vm2;
	v6 =	vadd.s32 v14, v6;
	s16 =	sadd.s32 s21, s16;
	s22 =	spop (v2sf);
	v14 =	vld [tilespmem:s13+$0x20]  }
0x45: {  	vm13 =	vmmov vm5;
	vm11 =	vmmov vm6;
	v18 =	vnsel vm4, $0x0, v6;
	v6 =	vld [tilespmem:s13+$0x30];
	s7 =	sadd.s32 s16, s22;
	s24 =	spop (v2sf)  }
0x46: {  	v19 =	vnsel vm3, $0x0, v5;
	vm6 =	vmmov vm10;
	vm9 =	vmmov vm9;
	v5 =	vld [tilespmem:s13+$0x40];
	s22 =	sadd.s32 s7, s24;
	s24 =	spop (v2sf)  }
0x47: {  	vm10 =	vmmov vm7;
	vm7 =	vmmov vm8;
	s24 =	sadd.s32 s22, s24;
	s8 =	spop (v2sf);
	v11 =	vadd.s32 s22, v11  }
0x48: {  	v7 =	vadd.s32 s20, v7;
	v3 =	vadd.s32 s16, v3;
	s8 =	sadd.s32 s24, s8;
	v23 =	vnsel vm7, $0x0, v11  }
0x49: {  	v2 =	vadd.s32 s8, v2;
	vm4 =	vne.s32 v4, $0x0;
	vm3 =	vne.s32 v15, $0x0  }
0x4a: {  	v20 =	vld [tilespmem:s13+$0x50];
	vm2 =	vne.s32 v16, $0x0;
	vm8 =	vne.s32 v14, $0x0;
	v15 =	vsel vm4, $0x1, v0  }
0x4b: {  	v4 =	vld [tilespmem:s13+$0x60];
	vm15 =	vne.s32 v6, $0x0;
	vm5 =	vne.s32 v5, $0x0;
	v21 =	vsel vm3, $0x1, v0;
	(xrf0) =	vadd.scan.msk.s32 $0xffff, v15  }
0x4c: {  	v22 =	vld [tilespmem:s13+$0xA0];
	s9 =	spop (v2sf);
	v5 =	vimm.s32 $0x0;
	(xrf0) =	vadd.scan.msk.s32 $0xffff, v21;
	v21 =	vnsel vm12, $0x0, v2;
	v2 =	vimm.s32 $0x0  }
0x4d: {  	s9 =	sadd.s32 s8, s9;
	s10 =	spop (v2sf);
	v16 =	vld [tilespmem:s13+$0x70];
	v5 =	vsel vm15, $0xFFFFFFFF, v5;
	v15 =	vsel vm2, $0x1, v0;
	v2 =	vsel vm8, $0xFFFFFFFF, v2  }
0x4e: {  	v17, _, _ =	vpop (xrf0);
	v14 =	vld [tilespmem:s13+$0x80];
	s9 =	ssub.s32 s9, s10;
	v6 =	vsel vm5, $0x1, v0;
	(xrf0) =	vadd.scan.msk.s32 $0xffff, v15;
	[tilespmem:$0x1FFB0] =	vst v2;
	v2 =	vsel vm8, $0x1, v0  }
0x4f: {  	v17 =	vadd.s32 s9, v17;
	[tilespmem:$0x1FFC0] =	vst v5;
	v5 =	vsel vm15, $0x1, v0;
	v15 =	vld [tilespmem:s13+$0x90];
	(xrf0) =	vadd.scan.msk.s32 $0xffff, v2  }
0x50: {  	v17 =	vnsel vm6, $0x0, v17;
	vm6 =	vne.s32 v20, $0x0;
	vm7 =	vne.s32 v4, $0x0;
	v4 =	vld [tilespmem:s13+$0xB8];
	(xrf0) =	vadd.scan.msk.s32 $0xffff, v5  }
0x51: {  	v24 =	vnsel vm11, $0x0, v3;
	v13 =	vadd.s32 s24, v13;
	v2 =	vsel vm6, $0x1, v0;
	(xrf0) =	vadd.scan.msk.s32 $0xffff, v6  }
0x52: {  	v13 =	vnsel vm9, $0x0, v13;
	vm8 =	vne.s32 v16, $0x0;
	v5 =	vsel vm7, $0x1, v0;
	(xrf0) =	vadd.scan.msk.s32 $0xffff, v2  }
0x53: {  	vm9 =	vne.s32 v14, $0x0;
	v16 =	vsel vm8, $0x1, v0;
	v6, _, _ =	vpop (xrf0);
	v2 =	vadd.s32 s7, v10;
	(xrf0) =	vadd.scan.msk.s32 $0xffff, v5  }
0x54: {  	v3 =	vsel vm9, $0x1, v0;
	v11, _, _ =	vpop (xrf0);
	vm11 =	vne.s32 v15, $0x0;
	v25 =	vnsel vm10, $0x0, v2;
	(xrf0) =	vadd.scan.msk.s32 $0xffff, v16  }
0x55: {  	v26, _, _ =	vpop (xrf0);
	v5 =	vsel vm11, $0x1, v0;
	vm10 =	vne.s32 v22, $0x0;
	vm12 =	vne.s32 v4, $0x0;
	(xrf0) =	vadd.scan.msk.s32 $0xffff, v3  }
0x56: {  	v20 =	vnsel vm13, $0x0, v7;
	v10 =	vsel vm10, $0x1, v0;
	v15 =	vsel vm12, $0x1, v0;
	v2, _, _ =	vpop (xrf0);
	(xrf0) =	vadd.scan.msk.s32 $0xffff, v5  }
0x57: {  	v7 =	vadd.s32 s19, v1;
	v3, _, _ =	vpop (xrf0);
	(xrf0) =	vadd.scan.msk.s32 $0xffff, v10;
	v10 =	vnsel vm0, $0x0, v15;
	vm0 =	vmmov vm1  }
0x58: {  	[tilespmem:s15+$0x6400] =	vst v19;
	v19 =	vnsel vm0, $0x0, v7;
	v7 =	vld [tilespmem:$0x1FFD0]  }
0x59: {  	(v2sf) =	vpush v11, $0xF  }
0x5a: {  	[tilespmem:s15+$0x64B0] =	vst v21;
	(v2sf) =	vpush v26, $0xF  }
0x5b: {  	[tilespmem:s15+$0x6410] =	vst v18;
	(v2sf) =	vpush v2, $0xF  }
0x5c: {  	s16 =	simm.s32 $0x190;
	[tilespmem:s15+$0x64B8] =	vst v17;
	(v2sf) =	vpush v3, $0xF;
	v4, _, _ =	vpop (xrf0)  }
0x5d: {  	v14 =	vadd.s32 s21, v9;
	v18 =	vld [tilespmem:s16+$0xB0];
	[tilespmem:s15+$0x64A0] =	vst v13;
	(v2sf) =	vpush v4, $0xF;
	v5, _, _ =	vpop (xrf0);
	vm0 =	vnez.u8 v7  }
0x5e: {  	v13 =	vld [tilespmem:s16+$0xB8];
	v16 =	vadd.s32 s18, v8;
	(v2sf) =	vpush v5, $0xF;
	v9, _, _ =	vpop (xrf0);
	vm0 =	vmmov vm0  }
0x5f: {  	[tilespmem:s15+$0x6490] =	vst v23;
	(xrf0) =	vadd.scan.msk.s32 $0xffff, v10;
	(v2sf) =	vpush v9, $0xF;
	v10, _, _ =	vpop (xrf0);
	v23 =	vnsel vm0, $0x0, v16;
	v16 =	vld [tilespmem:$0x1FFE0]  }
0x60: {  	(v2sf) =	vpush v10, $0xF;
	v1, _, _ =	vpop (xrf0)  }
0x61: {  	(v2sf) =	vpush v1, $0xF;
	v7, _, _ =	vpop (xrf0)  }
0x62: {  	(v2sf) =	vpush v7, $0xF;
	v8, _, _ =	vpop (xrf0)  }
0x63: {  	vm14 =	vmmov vm14;
	v17 =	vbroadcast v11, $0xF;
	(v2sf) =	vpush v8, $0xF  }
0x64: {  	v21 =	vnsel vm14, $0x0, v14;
	(v2sf) =	vpush v6, $0xF;
	vm0 =	vnez.u8 v16  }
0x65: {  	v14 =	vld [tilespmem:s16+$0xA0];
	[tilespmem:s15+$0x6480] =	vst v25;
	v63, _, _ =	vpop (xrf0);
	v16 =	vadd.s32 s17, v12;
	v12 =	vadd.s32 v17, v26;
	vm0 =	vmmov vm0  }
0x66: {  	v22 =	vld [tilespmem:s16+$0x0];
	[tilespmem:s15+$0x6470] =	vst v24;
	(v2sf) =	vpush v63, $0xF;
	s17 =	simm.s32 $0x960;
	v12 =	vnsel vm2, $0x0, v12;
	v17 =	vnsel vm0, $0x0, v16  }
.LBB2_2:
0x67: {  	v16 =	vnsel vm3, $0x0, v11;
	v11 =	vld [tilespmem:$0x1FFB0];
	_ =	sdelay $0x4  }
0x68: {  	vm1 =	vnez.u8 v11  }
0x69: {  	v11 =	vimm.s32 $0x0;
	vm2 =	vmmov vm1  }
0x6a: {  	v11 =	vsel vm2, $0xFFFFFFFF, v11  }
0x6b: {  	[tilespmem:$0x1FFA0] =	vst v11;
	v11 =	vld [tilespmem:$0x1FFC0];
	_ =	sdelay $0x4  }
0x6c: {  	vm1 =	vnez.u8 v11  }
0x6d: {  	v11 =	vimm.s32 $0x0;
	vm2 =	vmmov vm1  }
0x6e: {  	v11 =	vsel vm2, $0xFFFFFFFF, v11  }
0x6f: {  	vm1 =	vmmov vm5;
	[tilespmem:$0x1FF80] =	vst v11;
	v11 =	vimm.s32 $0x0  }
0x70: {  	v11 =	vsel vm1, $0xFFFFFFFF, v11  }
0x71: {  	vm1 =	vmmov vm6;
	[tilespmem:$0x1FF90] =	vst v11;
	v11 =	vimm.s32 $0x0  }
0x72: {  	v24 =	vld [tilespmem:s16+$0x10];
	[tilespmem:s15+$0x6460] =	vst v21;
	v11 =	vsel vm1, $0xFFFFFFFF, v11  }
0x73: {  	[tilespmem:$0x1FF60] =	vst v11  }
0x74: {  	vm1 =	vmmov vm7;
	v11 =	vld [tilespmem:s16+$0x20];
	[tilespmem:s15+$0x6450] =	vst v20;
	v20 =	vimm.s32 $0x0  }
0x75: {  	v20 =	vsel vm1, $0xFFFFFFFF, v20  }
0x76: {  	vm1 =	vmmov vm8;
	[tilespmem:$0x1FF70] =	vst v20;
	v20 =	vimm.s32 $0x0  }
0x77: {  	v20 =	vsel vm1, $0xFFFFFFFF, v20  }
0x78: {  	vm0 =	vmmov vm4;
	s7 =	spop (v2sf);
	[tilespmem:$0x1FF50] =	vst v20  }
0x79: {  	vm4 =	vne.s32 v18, $0x0;
	(xrf0) =	vadd.scan.msk.s32 $0xffff, v15;
	s8 =	spop (v2sf);
	vm3 =	vne.s32 v22, $0x0;
	v20 =	vld [tilespmem:s16+$0x30];
	[tilespmem:s15+$0x6440] =	vst v23  }
0x7a: {  	s7 =	sadd.s32 s7, s8;
	s9 =	spop (v2sf);
	v15 =	vsel vm3, $0x1, v0;
	vm15 =	vne.s32 v24, $0x0;
	v21 =	vld [tilespmem:s16+$0x40];
	[tilespmem:s15+$0x6430] =	vst v19;
	v19 =	vsel vm4, $0x1, v0  }
0x7b: {  	s10 =	spop (v2sf);
	vm5 =	vne.s32 v11, $0x0;
	v18 =	vld [tilespmem:s16+$0x50];
	[tilespmem:s15+$0x6420] =	vst v17;
	(xrf0) =	vadd.scan.msk.s32 $0xffff, v19;
	v17 =	vadd.s32 s7, v2;
	s7 =	sadd.s32 s7, s9  }
0x7c: {  	v2 =	vsel vm15, $0x1, v0;
	v22 =	vld [tilespmem:s16+$0x60];
	(xrf0) =	vadd.scan.msk.s32 $0xffff, v15;
	v19 =	vadd.s32 s7, v3;
	s7 =	sadd.s32 s7, s10;
	v3 =	vimm.s32 $0x0  }
0x7d: {  	vm14 =	vmmov vm10;
	s15 =	smov.u32 s13;
	s13 =	smov.u32 s16;
	s16 =	spop (v2sf);
	v3 =	vsel vm5, $0xFFFFFFFF, v3;
	(xrf0) =	vadd.scan.msk.s32 $0xffff, v2;
	v23 =	vadd.s32 s7, v4  }
0x7e: {  	s7 =	sadd.s32 s7, s16;
	s18 =	spop (v2sf);
	v2 =	vimm.s32 $0x0;
	[tilespmem:$0x1FFB0] =	vst v3;
	v3 =	vsel vm5, $0x1, v0;
	vm5 =	vne.s32 v20, $0x0  }
0x7f: {  	vm13 =	vmmov vm11;
	v11 =	vld [tilespmem:s13+$0x70];
	v20 =	vadd.s32 s7, v5;
	s7 =	sadd.s32 s7, s18;
	s19 =	spop (v2sf);
	v2 =	vsel vm5, $0xFFFFFFFF, v2  }
0x80: {  	v15 =	vld [tilespmem:s13+$0x80];
	s20 =	spop (v2sf);
	[tilespmem:$0x1FFC0] =	vst v2;
	v2 =	vsel vm5, $0x1, v0;
	vm5 =	vne.s32 v21, $0x0;
	v21 =	vadd.s32 s7, v9;
	s7 =	sadd.s32 s7, s19  }
0x81: {  	vm10 =	vne.s32 v14, $0x0;
	v4 =	vld [tilespmem:s13+$0x90];
	(xrf0) =	vadd.scan.msk.s32 $0xffff, v3;
	s21 =	spop (v2sf);
	vm7 =	vne.s32 v22, $0x0;
	v22 =	vadd.s32 s7, v10;
	s7 =	sadd.s32 s7, s20  }
0x82: {  	vm2 =	vmmov vm12;
	vm6 =	vne.s32 v18, $0x0;
	v3 =	vsel vm5, $0x1, v0;
	(xrf0) =	vadd.scan.msk.s32 $0xffff, v2;
	s9 =	spop (v2sf);
	s8 =	sadd.s32 s7, s21  }
0x83: {  	vm12 =	vne.s32 v13, $0x0;
	vm1 =	vmmov vm9;
	v5, _, _ =	vpop (xrf0);
	v2 =	vsel vm6, $0x1, v0;
	(xrf0) =	vadd.scan.msk.s32 $0xffff, v3;
	s10 =	spop (v2sf);
	s9 =	sadd.s32 s8, s9  }
0x84: {  	[tilespmem:s15+$0x6410] =	vst v12;
	vm8 =	vne.s32 v11, $0x0;
	v58, _, _ =	vpop (xrf0);
	v3 =	vsel vm7, $0x1, v0;
	(xrf0) =	vadd.scan.msk.s32 $0xffff, v2;
	s22 =	spop (v2sf);
	s10 =	sadd.s32 s9, s10  }
0x85: {  	[tilespmem:s15+$0x6400] =	vst v16;
	vm9 =	vne.s32 v15, $0x0;
	v9 =	vsel vm8, $0x1, v0;
	v11, _, _ =	vpop (xrf0);
	(xrf0) =	vadd.scan.msk.s32 $0xffff, v3;
	s18 =	spop (v2sf);
	s16 =	sadd.s32 s10, s22  }
0x86: {  	v10 =	vsel vm9, $0x1, v0;
	vm11 =	vne.s32 v4, $0x0;
	v13, _, _ =	vpop (xrf0);
	(xrf0) =	vadd.scan.msk.s32 $0xffff, v9;
	v6 =	vadd.s32 s10, v6;
	s24 =	ssub.s32 s16, s18  }
0x87: {  	v14 =	vsel vm11, $0x1, v0;
	v2, _, _ =	vpop (xrf0);
	(xrf0) =	vadd.scan.msk.s32 $0xffff, v10;
	v6 =	vnsel vm0, $0x0, v6;
	v18 =	vadd.s32 s24, v5  }
0x88: {  	v16 =	vld [tilespmem:$0x1FF50];
	v3, _, _ =	vpop (xrf0);
	(xrf0) =	vadd.scan.msk.s32 $0xffff, v14;
	[tilespmem:s15+$0x64B0] =	vst v6;
	v14 =	vbroadcast v11, $0xF;
	v6 =	vnsel vm2, $0x0, v18  }
0x89: {  	v8 =	vadd.s32 s9, v8;
	s16 =	sshra.s32 s17, $0x2;
	v5 =	vld [tilespmem:$0x1FFF0];
	[tilespmem:s15+$0x64B8] =	vst v6  }
0x8a: {  	v12 =	vadd.s32 v14, v13;
	v14 =	vnsel vm14, $0x0, v8;
	v18 =	vld [tilespmem:s16+$0xB0]  }
0x8b: {  	[tilespmem:s15+$0x64A0] =	vst v14;
	v14 =	vld [tilespmem:$0x1FF60];
	_ =	sdelay $0x1  }
0x8c: {  	v15 =	vsel vm12, $0x1, v0;
	(v2sf) =	vpush v11, $0xF  }
0x8d: {  	(v2sf) =	vpush v13, $0xF;
	v9 =	vsel vm10, $0x1, v0;
	vm0 =	vnez.u8 v5  }
0x8e: {  	(v2sf) =	vpush v2, $0xF;
	v25 =	vnsel vm0, $0x0, v15;
	vm0 =	vnez.u8 v16  }
0x8f: {  	(v2sf) =	vpush v3, $0xF;
	v4, _, _ =	vpop (xrf0);
	(xrf0) =	vadd.scan.msk.s32 $0xffff, v9;
	v16 =	vnsel vm0, $0x0, v22;
	vm0 =	vnez.u8 v14;
	v14 =	vld [tilespmem:$0x1FF70]  }
0x90: {  	v61 =	vld [tilespmem:$0x1FF80];
	(v2sf) =	vpush v4, $0xF;
	v5, _, _ =	vpop (xrf0)  }
0x91: {  	v62 =	vld [tilespmem:$0x1FF90];
	(v2sf) =	vpush v5, $0xF;
	v9, _, _ =	vpop (xrf0);
	(xrf0) =	vadd.scan.msk.s32 $0xffff, v25  }
0x92: {  	v63 =	vld [tilespmem:$0x1FFA0];
	v6 =	vadd.s32 s8, v7;
	v13 =	vadd.s32 s7, v1;
	(v2sf) =	vpush v9, $0xF;
	v10, _, _ =	vpop (xrf0)  }
0x93: {  	p0 =	sne.s32 s17, $0x18CE0;
	v59 =	vnsel vm13, $0x0, v6;
	v22 =	vnsel vm1, $0x0, v13;
	(v2sf) =	vpush v10, $0xF;
	v1, _, _ =	vpop (xrf0)  }
.Ltmp2:
0x94: {  	(v2sf) =	vpush v1, $0xF;
	v7, _, _ =	vpop (xrf0);
	v20 =	vnsel vm0, $0x0, v20;
	vm0 =	vnez.u8 v14;
	(pc) =	sbr.rel @p0 .LBB2_2-.Ltmp2, $4  }
0x95: {  	(v2sf) =	vpush v7, $0xF;
	v8, _, _ =	vpop (xrf0);
	v21 =	vnsel vm0, $0x0, v21;
	vm0 =	vnez.u8 v61  }
0x96: {  	v6 =	vmovc v58;
	v13 =	vld [tilespmem:s16+$0xB8];
	[tilespmem:s15+$0x6490] =	vst v59;
	(v2sf) =	vpush v8, $0xF;
	v19 =	vnsel vm0, $0x0, v19;
	vm0 =	vnez.u8 v62  }
0x97: {  	(v2sf) =	vpush v6, $0xF;
	v14 =	vld [tilespmem:s16+$0xA0];
	v60, _, _ =	vpop (xrf0);
	[tilespmem:s15+$0x6480] =	vst v22;
	v23 =	vnsel vm0, $0x0, v23;
	vm0 =	vnez.u8 v63  }
0x98: {  	s17 =	sadd.s32 $0x320, s17;
	v12 =	vnsel vm15, $0x0, v12;
	v22 =	vld [tilespmem:s16+$0x0];
	(v2sf) =	vpush v60, $0xF;
	[tilespmem:s15+$0x6470] =	vst v16;
	v17 =	vnsel vm0, $0x0, v17  }
0x99: {  	v16 =	vld [tilespmem:s16+$0x10];
	[tilespmem:s15+$0x6460] =	vst v21  }
0x9a: {  	vm1 =	vne.s32 v18, $0x0;
	v57 =	vimm.s32 $0x0;
	v21 =	vld [tilespmem:s16+$0x20];
	[tilespmem:s15+$0x6450] =	vst v20  }
0x9b: {  	v59 =	vimm.s32 $0x0;
	(xrf0) =	vadd.scan.msk.s32 $0xffff, v15;
	v62 =	vimm.s32 $0x0;
	v20 =	vld [tilespmem:s16+$0x30];
	[tilespmem:s15+$0x6440] =	vst v23  }
0x9c: {  	v25 =	vimm.s32 $0x0;
	v29 =	vimm.s32 $0x0;
	v32 =	vimm.s32 $0x0;
	v23 =	vld [tilespmem:s16+$0x40];
	[tilespmem:s15+$0x6430] =	vst v19  }
0x9d: {  	v34 =	vimm.s32 $0x0;
	v60 =	vsel vm1, $0x1, v0;
	v58 =	vld [tilespmem:s16+$0x50];
	vm0 =	vne.s32 v22, $0x0;
	[tilespmem:s15+$0x6420] =	vst v17  }
0x9e: {  	(xrf0) =	vadd.scan.msk.s32 $0xffff, v60;
	v19 =	vsel vm0, $0xFFFFFFFF, v59;
	v61 =	vsel vm0, $0x1, v0;
	vm0 =	vne.s32 v16, $0x0;
	v63 =	vld [tilespmem:s16+$0x60]  }
0x9f: {  	v26 =	vld [tilespmem:s16+$0x70];
	[tilespmem:$0x1FEF0] =	vst v19;
	v16 =	vsel vm0, $0xFFFFFFFF, v62;
	v24 =	vsel vm0, $0x1, v0;
	vm0 =	vne.s32 v21, $0x0  }
0xa0: {  	v28 =	vld [tilespmem:s16+$0x80];
	(xrf0) =	vadd.scan.msk.s32 $0xffff, v61;
	v19 =	vsel vm0, $0xFFFFFFFF, v25;
	v27 =	vsel vm0, $0x1, v0;
	vm0 =	vne.s32 v20, $0x0  }
0xa1: {  	v37 =	vimm.s32 $0x0;
	v18 =	vsel vm1, $0xFFFFFFFF, v57;
	v31 =	vld [tilespmem:s16+$0x90];
	(xrf0) =	vadd.scan.msk.s32 $0xffff, v24;
	v17 =	vsel vm0, $0xFFFFFFFF, v29  }
0xa2: {  	v30 =	vsel vm0, $0x1, v0;
	(xrf0) =	vadd.scan.msk.s32 $0xffff, v27;
	vm0 =	vne.s32 v23, $0x0;
	[tilespmem:$0x1FF30] =	vst v17  }
0xa3: {  	v15 =	vsel vm0, $0xFFFFFFFF, v32;
	v33 =	vsel vm0, $0x1, v0;
	(xrf0) =	vadd.scan.msk.s32 $0xffff, v30;
	vm0 =	vne.s32 v58, $0x0  }
0xa4: {  	v36, _, _ =	vpop (xrf0);
	v17 =	vsel vm0, $0xFFFFFFFF, v34;
	v35 =	vsel vm0, $0x1, v0;
	(xrf0) =	vadd.scan.msk.s32 $0xffff, v33;
	vm0 =	vne.s32 v63, $0x0  }
0xa5: {  	v50 =	vld [tilespmem:$0x1FFF0];
	v39, _, _ =	vpop (xrf0);
	[tilespmem:$0x1FF20] =	vst v15;
	vm15 =	vne.s32 v26, $0x0;
	v38 =	vsel vm0, $0x1, v0;
	(xrf0) =	vadd.scan.msk.s32 $0xffff, v35  }
0xa6: {  	vm14 =	vne.s32 v28, $0x0;
	vm1 =	vne.s32 v31, $0x0;
	v40 =	vsel vm15, $0x1, v0;
	v41, _, _ =	vpop (xrf0);
	(xrf0) =	vadd.scan.msk.s32 $0xffff, v38  }
0xa7: {  	v15 =	vsel vm0, $0xFFFFFFFF, v37;
	v42 =	vsel vm14, $0x1, v0;
	(v2sf) =	vpush v41, $0xF;
	v43, _, _ =	vpop (xrf0);
	(xrf0) =	vadd.scan.msk.s32 $0xffff, v40  }
0xa8: {  	v44 =	vsel vm1, $0x1, v0;
	vm0 =	vne.s32 v14, $0x0;
	(v2sf) =	vpush v43, $0xF;
	v45, _, _ =	vpop (xrf0);
	(xrf0) =	vadd.scan.msk.s32 $0xffff, v42  }
0xa9: {  	s7 =	spop (v2sf);
	vm13 =	vne.s32 v13, $0x0;
	v46 =	vsel vm0, $0x1, v0;
	(v2sf) =	vpush v45, $0xF;
	v47, _, _ =	vpop (xrf0);
	(xrf0) =	vadd.scan.msk.s32 $0xffff, v44  }
0xaa: {  	s8 =	spop (v2sf);
	v48 =	vsel vm13, $0x1, v0;
	vm2 =	vnez.u8 v50;
	(v2sf) =	vpush v47, $0xF;
	v49, _, _ =	vpop (xrf0);
	(xrf0) =	vadd.scan.msk.s32 $0xffff, v46  }
0xab: {  	s9 =	spop (v2sf);
	v51 =	vnsel vm2, $0x0, v48;
	(v2sf) =	vpush v49, $0xF;
	v52, _, _ =	vpop (xrf0)  }
0xac: {  	s7 =	sadd.s32 s7, s8;
	s10 =	spop (v2sf);
	(xrf0) =	vadd.scan.msk.s32 $0xffff, v51;
	(v2sf) =	vpush v52, $0xF;
	v53, _, _ =	vpop (xrf0)  }
0xad: {  	s18 =	sadd.s32 s7, s9;
	s15 =	spop (v2sf);
	(v2sf) =	vpush v53, $0xF;
	v54, _, _ =	vpop (xrf0)  }
0xae: {  	s21 =	sadd.s32 s18, s10;
	s17 =	spop (v2sf);
	(v2sf) =	vpush v54, $0xF;
	v24, _, _ =	vpop (xrf0)  }
0xaf: {  	s22 =	sadd.s32 s21, s15;
	s9 =	spop (v2sf);
	(v2sf) =	vpush v24, $0xF;
	v25, _, _ =	vpop (xrf0)  }
0xb0: {  	s8 =	sadd.s32 s22, s17;
	s10 =	spop (v2sf);
	(v2sf) =	vpush v25, $0xF;
	v26, _, _ =	vpop (xrf0)  }
0xb1: {  	s9 =	sadd.s32 s8, s9;
	s19 =	spop (v2sf);
	(v2sf) =	vpush v26, $0xF  }
0xb2: {  	s10 =	sadd.s32 s9, s10;
	s20 =	spop (v2sf);
	v27, _, _ =	vpop (xrf0);
	(v2sf) =	vpush v39, $0xF  }
0xb3: {  	s17 =	sadd.s32 s10, s19;
	s19 =	spop (v2sf);
	(v2sf) =	vpush v27, $0xF  }
0xb4: {  	s20 =	sadd.s32 s17, s20;
	s15 =	spop (v2sf)  }
0xb5: {  	v55 =	vnsel vm3, $0x0, v11;
	vm3 =	vmmov vm8;
	[tilespmem:$0x1FED0] =	vst v18;
	vm2 =	vmmov vm4;
	s19 =	sadd.s32 s20, s19;
	s24 =	spop (v2sf)  }
0xb6: {  	[tilespmem:s13+$0x6410] =	vst v12;
	v3 =	vadd.s32 s18, v3;
	v57 =	vadd.s32 s9, v10;
	s15 =	sadd.s32 s19, s15;
	v6 =	vadd.s32 s19, v6;
	s19 =	spop (v2sf)  }
0xb7: {  	[tilespmem:s13+$0x6400] =	vst v55;
	v59 =	vadd.s32 s22, v5;
	v56 =	vadd.s32 s8, v9;
	v58 =	vnsel vm3, $0x0, v57;
	s15 =	ssub.s32 s15, s24;
	s24 =	spop (v2sf)  }
0xb8: {  	[tilespmem:$0x1FEE0] =	vst v16;
	v6 =	vnsel vm2, $0x0, v6;
	vm2 =	vmmov vm12;
	v23 =	vadd.s32 s15, v36;
	s15 =	sadd.s32 s19, s24;
	s24 =	spop (v2sf)  }
0xb9: {  	v61 =	vld [tilespmem:$0x1FFC0];
	v7 =	vadd.s32 s17, v7;
	[tilespmem:s13+$0x6470] =	vst v58;
	v23 =	vnsel vm2, $0x0, v23;
	vm2 =	vmmov vm11;
	s17 =	sadd.s32 s15, s24;
	s24 =	spop (v2sf)  }
0xba: {  	v60 =	vld [tilespmem:$0x1FFB0];
	v8 =	vadd.s32 s20, v8;
	[tilespmem:s13+$0x64B0] =	vst v6;
	v7 =	vnsel vm2, $0x0, v7;
	vm2 =	vmmov vm10;
	s19 =	sadd.s32 s17, s24;
	s24 =	spop (v2sf)  }
0xbb: {  	v1 =	vadd.s32 s10, v1;
	[tilespmem:s13+$0x64B8] =	vst v23;
	v8 =	vnsel vm2, $0x0, v8;
	vm2 =	vmmov vm9;
	s20 =	sadd.s32 s19, s24;
	s24 =	spop (v2sf)  }
0xbc: {  	v63 =	vld [tilespmem:$0x1FED0];
	vm3 =	vmmov vm6;
	[tilespmem:s13+$0x6490] =	vst v7;
	v1 =	vnsel vm2, $0x0, v1;
	vm2 =	vmmov vm7;
	s24 =	sadd.s32 s20, s24;
	s10 =	spop (v2sf)  }
0xbd: {  	[tilespmem:s13+$0x64A0] =	vst v8;
	v6 =	vnsel vm2, $0x0, v56;
	vm2 =	vmmov vm5;
	(xrf0) =	vadd.scan.msk.s32 $0xffff, v48;
	s8 =	sadd.s32 s24, s10;
	s10 =	spop (v2sf)  }
0xbe: {  	[tilespmem:s13+$0x6480] =	vst v1;
	v1 =	vadd.s32 s21, v4;
	v4 =	vnsel vm3, $0x0, v59;
	vm3 =	vnez.u8 v61;
	s9 =	sadd.s32 s8, s10;
	s10 =	spop (v2sf)  }
0xbf: {  	v1 =	vnsel vm2, $0x0, v1;
	vm2 =	vnez.u8 v60;
	[tilespmem:s13+$0x6460] =	vst v6;
	vm3 =	vmmov vm3;
	s10 =	sadd.s32 s9, s10;
	s22 =	spop (v2sf)  }
0xc0: {  	v2 =	vadd.s32 s7, v2;
	[tilespmem:s13+$0x6450] =	vst v4;
	vm2 =	vmmov vm2;
	v3 =	vnsel vm3, $0x0, v3;
	s21 =	sadd.s32 s10, s22;
	s22 =	spop (v2sf)  }
0xc1: {  	[tilespmem:s13+$0x6440] =	vst v1;
	v2 =	vnsel vm2, $0x0, v2;
	vm2 =	vnez.u8 v63;
	s7 =	sadd.s32 s21, s22;
	s22 =	spop (v2sf)  }
0xc2: {  	[tilespmem:s13+$0x6430] =	vst v3;
	vm2 =	vmmov vm2;
	s18 =	sadd.s32 s7, s22;
	s22 =	spop (v2sf);
	v1 =	vadd.s32 s7, v39  }
0xc3: {  	[tilespmem:s13+$0x6420] =	vst v2;
	v3, _, _ =	vpop (xrf0);
	s18 =	ssub.s32 s18, s22;
	v1 =	vnsel vm2, $0x0, v1  }
0xc4: {  	vm2 =	vmmov vm13;
	v2 =	vadd.s32 s18, v3;
	[tilespmem:s16+$0x64B0] =	vst v1;
	v1 =	vld [tilespmem:$0x1FEE0]  }
0xc5: {  	v2 =	vnsel vm2, $0x0, v2  }
0xc6: {  	[tilespmem:s16+$0x64B8] =	vst v2;
	v2 =	vld [tilespmem:$0x1FEF0]  }
0xc7: {  	v62 =	vbroadcast v41, $0xF;
	_ =	sdelay $0x1  }
0xc8: {  	v3 =	vadd.s32 v62, v43;
	vm2 =	vnez.u8 v1  }
0xc9: {  	vm0 =	vmmov vm0;
	v1 =	vnsel vm2, $0x0, v3;
	v3 =	vadd.s32 s21, v26  }
0xca: {  	vm2 =	vnez.u8 v2;
	[tilespmem:s16+$0x6410] =	vst v1;
	v1 =	vnsel vm0, $0x0, v3  }
0xcb: {  	[tilespmem:$0x1FF00] =	vst v15;
	v3 =	vadd.s32 s10, v25;
	vm0 =	vmmov vm1;
	v2 =	vnsel vm2, $0x0, v41  }
0xcc: {  	[tilespmem:s16+$0x6400] =	vst v2;
	v2 =	vnsel vm0, $0x0, v3;
	vm0 =	vmmov vm14;
	v3 =	vadd.s32 s9, v24  }
0xcd: {  	[tilespmem:s16+$0x64A0] =	vst v1;
	v1 =	vnsel vm0, $0x0, v3;
	vm0 =	vmmov vm15;
	v3 =	vadd.s32 s8, v54  }
0xce: {  	[tilespmem:s16+$0x6490] =	vst v2;
	v2 =	vnsel vm0, $0x0, v3;
	v3 =	vld [tilespmem:$0x1FF00];
	_ =	sdelay $0x4  }
0xcf: {  	vm0 =	vnez.u8 v3  }
0xd0: {  	[tilespmem:$0x1FF10] =	vst v17;
	v3 =	vadd.s32 s24, v53;
	vm0 =	vmmov vm0  }
0xd1: {  	[tilespmem:s16+$0x6480] =	vst v1;
	v1 =	vnsel vm0, $0x0, v3;
	v3 =	vld [tilespmem:$0x1FF10];
	_ =	sdelay $0x4  }
0xd2: {  	vm0 =	vnez.u8 v3  }
0xd3: {  	v3 =	vadd.s32 s20, v52;
	vm0 =	vmmov vm0  }
0xd4: {  	[tilespmem:s16+$0x6470] =	vst v2;
	v2 =	vnsel vm0, $0x0, v3;
	v3 =	vld [tilespmem:$0x1FF20];
	_ =	sdelay $0x4  }
0xd5: {  	vm0 =	vnez.u8 v3  }
0xd6: {  	v3 =	vadd.s32 s19, v49;
	vm0 =	vmmov vm0  }
0xd7: {  	[tilespmem:s16+$0x6460] =	vst v1;
	v1 =	vnsel vm0, $0x0, v3;
	v3 =	vld [tilespmem:$0x1FF30];
	_ =	sdelay $0x4  }
0xd8: {  	vm0 =	vnez.u8 v3  }
0xd9: {  	[tilespmem:$0x1FF40] =	vst v19;
	v3 =	vadd.s32 s17, v47;
	vm0 =	vmmov vm0  }
0xda: {  	[tilespmem:s16+$0x6450] =	vst v2;
	v2 =	vnsel vm0, $0x0, v3;
	v3 =	vld [tilespmem:$0x1FF40];
	_ =	sdelay $0x4  }
0xdb: {  	vm0 =	vnez.u8 v3  }
0xdc: {  	[tilespmem:s16+$0x6440] =	vst v1;
	v3 =	vadd.s32 s15, v45;
	vm0 =	vmmov vm0  }
0xdd: {  	[tilespmem:s16+$0x6430] =	vst v2;
	v1 =	vnsel vm0, $0x0, v3  }
0xde: {  	s13 =	simm.s32 $0x0;
	s22 =	simm.s32 $0x60;
	s24 =	simm.s32 $0xC800;
	[tilespmem:s16+$0x6420] =	vst v1  }
0xdf: {  	[tilespmem:s24], [sflag:$0x1] =	stream.indirect.gather [hbm4b:s6+s22], $0x40, s13, s22, $0xb8;
	[tilespmem:$0x1CC00] =	vst v63  }
0xe0: {  	s10 =	simm.s32 $0x13000;
	s9 =	simm.s32 $0x6400  }
0xe1: {  	[tilespmem:s10], [sflag:$0x1] =	stream.indirect.gather [hbm4b:s2+s22], $0x40, s9, s22, $0xb8;
	[tilespmem:$0x1CC00] =	vst v63  }
0xe2: {  	s15 =	simm.s32 $0xE200  }
0xe3: {  	[tilespmem:s15], [sflag:$0x2] =	stream.indirect.gather [hbm4b:s6+s14], $0x40, s22, s14, $0xb8;
	[tilespmem:$0x1CC00] =	vst v63  }
0xe4: {  	s17 =	simm.s32 $0x14A00;
	s16 =	simm.s32 $0x6460  }
0xe5: {  	[tilespmem:s17], [sflag:$0x2] =	stream.indirect.gather [hbm4b:s2+s14], $0x40, s16, s14, $0xb8;
	[tilespmem:$0x1CC00] =	vst v63  }
0xe6: {  	s18 =	simm.s32 $0xC8;
	s19 =	simm.s32 $0xFC00  }
0xe7: {  	[tilespmem:s19], [sflag:$0x3] =	stream.indirect.gather [hbm4b:s6+s22], $0x40, s18, s22, $0xb8;
	[tilespmem:$0x1CC00] =	vst v63  }
0xe8: {  	s21 =	simm.s32 $0x16400;
	s20 =	simm.s32 $0x64C8;
	v1 =	vld [tilespmem:$0x1FFF0]  }
0xe9: {  	[tilespmem:s21], [sflag:$0x3] =	stream.indirect.gather [hbm4b:s2+s22], $0x40, s20, s22, $0xb8;
	[tilespmem:$0x1CC00] =	vst v63  }
0xea: {  	s22 =	simm.s32 $0x128  }
0xeb: {  	[tilespmem:s23], [sflag:$0x4] =	stream.indirect.gather [hbm4b:s6+s14], $0x40, s22, s14, $0xb8;
	[tilespmem:$0x1CC00] =	vst v63  }
0xec: {  	s24 =	simm.s32 $0x6528  }
0xed: {  	vm0 =	vnez.u8 v1;
	[tilespmem:s25], [sflag:$0x4] =	stream.indirect.gather [hbm4b:s2+s14], $0x40, s24, s14, $0xb8;
	[tilespmem:$0x1CC00] =	vst v63  }
.LBB2_4:
0xee: {  	_ =	swait.ge [sflag:s26], $0x1800  }
0xef: {  	[sflag:s26] =	ssyncset.done $0x0  }
0xf0: {  	[sflag:s26] =	ssyncadd.s32 $0xFFFFE800  }
0xf1: {  	_ =	swait.ge [sflag:s26], $0x1800  }
0xf2: {  	p1 =	seq.s32 s13, $0x0;
	[sflag:s26] =	ssyncset.done $0x0  }
0xf3: {  	s7 =	simm.s32 @!p1 $0x5;
	[sflag:s26] =	ssyncadd.s32 $0xFFFFE800  }
0xf4: {  	_ =	swait.ge @!p1 [sflag:s7], $0x1800  }
0xf5: {  	[sflag:s7] =	ssyncset.done @!p1 $0x0  }
0xf6: {  	s16 =	simm.s32 $0xC880;
	[sflag:s7] =	ssyncadd.s32 @!p1 $0xFFFFE800  }
0xf7: {  	s18 =	simm.s32 $0x13080;
	v1 =	vld [tilespmem:s16+$0x40]  }
0xf8: {  	v2 =	vld [tilespmem:s18+$0x40]  }
0xf9: {  	v3 =	vld [tilespmem:s18+$0xFFFFFF80]  }
0xfa: {  	v4 =	vld [tilespmem:s16+$0xFFFFFFC0]  }
0xfb: {  	v5 =	vld [tilespmem:s18+$0xFFFFFFC0]  }
0xfc: {  	v6 =	vld [tilespmem:s16+$0x0]  }
0xfd: {  	v7 =	vld [tilespmem:s18+$0x0];
	v1 =	vadd.f32 v2, v1  }
0xfe: {  	s17 =	simm.s32 $0x19880;
	v2 =	vld [tilespmem:s16+$0xFFFFFF80]  }
0xff: {  	[tilespmem:s17+$0x40] =	vst v1  }
0x100: {  	v1 =	vadd.f32 v5, v4;
	v4 =	vld [tilespmem:s16+$0x50]  }
0x101: {  	v5 =	vld [tilespmem:s18+$0x50]  }
0x102: {  	[tilespmem:s17+$0xFFFFFFC0] =	vst v1;
	v1 =	vadd.f32 v7, v6  }
0x103: {  	v2 =	vadd.f32 v3, v2;
	v3 =	vld [tilespmem:s16+$0xFFFFFFD0]  }
0x104: {  	v6 =	vld [tilespmem:s18+$0xFFFFFFD0];
	[tilespmem:s17+$0x0] =	vst v1  }
0x105: {  	[tilespmem:s17+$0xFFFFFF80] =	vst v2;
	v1 =	vld [tilespmem:s16+$0x10]  }
0x106: {  	v2 =	vld [tilespmem:s16+$0xFFFFFF90];
	v4 =	vadd.f32 v5, v4  }
0x107: {  	v5 =	vld [tilespmem:s18+$0xFFFFFF90]  }
0x108: {  	v7 =	vld [tilespmem:s18+$0x10];
	[tilespmem:s17+$0x50] =	vst v4  }
0x109: {  	v3 =	vadd.f32 v6, v3;
	v4 =	vld [tilespmem:s16+$0x60]  }
0x10a: {  	v6 =	vld [tilespmem:s18+$0x60]  }
0x10b: {  	[tilespmem:s17+$0xFFFFFFD0] =	vst v3  }
0x10c: {  	v2 =	vadd.f32 v5, v2;
	v3 =	vld [tilespmem:s16+$0xFFFFFFE0]  }
0x10d: {  	v5 =	vld [tilespmem:s18+$0xFFFFFFE0]  }
0x10e: {  	v1 =	vadd.f32 v7, v1;
	[tilespmem:s17+$0xFFFFFF90] =	vst v2  }
0x10f: {  	v7 =	vld [tilespmem:s16+$0xFFFFFFA0];
	v2 =	vadd.f32 v6, v4  }
0x110: {  	[tilespmem:s17+$0x10] =	vst v1;
	v8 =	vld [tilespmem:s18+$0xFFFFFFA0]  }
0x111: {  	v1 =	vld [tilespmem:s16+$0x20];
	[tilespmem:s17+$0x60] =	vst v2  }
0x112: {  	v4 =	vadd.f32 v5, v3;
	v2 =	vld [tilespmem:s16+$0x70]  }
0x113: {  	v3 =	vld [tilespmem:s18+$0x70]  }
0x114: {  	v6 =	vld [tilespmem:s18+$0x20];
	[tilespmem:s17+$0xFFFFFFE0] =	vst v4  }
0x115: {  	s15 =	sshll.u32 s13, $0x2;
	s21 =	simm.s32 $0x0;
	v4 =	vld [tilespmem:s16+$0xFFFFFFF0];
	v7 =	vadd.f32 v8, v7  }
0x116: {  	s22 =	simm.s32 $0xC980;
	s20 =	simm.s32 $0x13080;
	s19 =	simm.s32 $0x19880;
	v5 =	vld [tilespmem:s18+$0xFFFFFFF0]  }
.LBB2_5:
0x117: {  	v8 =	vld [tilespmem:s22+$0x40];
	[tilespmem:s17+$0xFFFFFFA0] =	vst v7;
	s18 =	sadd.s32 $0x100, s18  }
0x118: {  	v7 =	vld [tilespmem:s18+$0x40];
	v2 =	vadd.f32 v3, v2  }
0x119: {  	v3 =	vld [tilespmem:s18+$0xFFFFFF80];
	v1 =	vadd.f32 v6, v1  }
0x11a: {  	v6 =	vld [tilespmem:s22+$0xFFFFFFC0];
	[tilespmem:s17+$0x70] =	vst v2  }
0x11b: {  	s21 =	sadd.s32 $0x4, s21;
	v2 =	vld [tilespmem:s18+$0xFFFFFFC0];
	v4 =	vadd.f32 v5, v4;
	[tilespmem:s17+$0x20] =	vst v1  }
0x11c: {  	p0 =	slt.u32 s21, $0x5C;
	v1 =	vld [tilespmem:s22+$0x0]  }
0x11d: {  	v5 =	vld [tilespmem:s18+$0x0];
	v7 =	vadd.f32 v7, v8;
	[tilespmem:s17+$0xFFFFFFF0] =	vst v4  }
0x11e: {  	s17 =	sadd.s32 $0x100, s17;
	v4 =	vld [tilespmem:s22+$0xFFFFFF80]  }
0x11f: {  	[tilespmem:s17+$0x40] =	vst v7;
	v7 =	vld [tilespmem:s16+$0xFFFFFFB0]  }
0x120: {  	v2 =	vadd.f32 v2, v6;
	v6 =	vld [tilespmem:s22+$0x50]  }
0x121: {  	v8 =	vld [tilespmem:s18+$0x50]  }
0x122: {  	[tilespmem:s17+$0xFFFFFFC0] =	vst v2;
	v1 =	vadd.f32 v5, v1;
	v2 =	vld [tilespmem:s20+$0xFFFFFFB0]  }
0x123: {  	v3 =	vadd.f32 v3, v4;
	v4 =	vld [tilespmem:s22+$0xFFFFFFD0]  }
0x124: {  	v5 =	vld [tilespmem:s18+$0xFFFFFFD0];
	[tilespmem:s17+$0x0] =	vst v1  }
0x125: {  	[tilespmem:s17+$0xFFFFFF80] =	vst v3;
	v1 =	vld [tilespmem:s22+$0x10]  }
0x126: {  	v3 =	vld [tilespmem:s22+$0xFFFFFF90];
	v6 =	vadd.f32 v8, v6  }
0x127: {  	v8 =	vld [tilespmem:s18+$0xFFFFFF90];
	v2 =	vadd.f32 v2, v7  }
0x128: {  	v7 =	vld [tilespmem:s18+$0x10];
	[tilespmem:s17+$0x50] =	vst v6  }
0x129: {  	v4 =	vadd.f32 v5, v4;
	v5 =	vld [tilespmem:s22+$0x60];
	[tilespmem:s19+$0xFFFFFFB0] =	vst v2  }
0x12a: {  	v2 =	vld [tilespmem:s18+$0x60]  }
0x12b: {  	[tilespmem:s17+$0xFFFFFFD0] =	vst v4;
	v4 =	vld [tilespmem:s16+$0x30];
	s16 =	smov.u32 s22  }
0x12c: {  	v3 =	vadd.f32 v8, v3;
	v6 =	vld [tilespmem:s22+$0xFFFFFFE0]  }
0x12d: {  	v8 =	vld [tilespmem:s18+$0xFFFFFFE0];
	v1 =	vadd.f32 v7, v1  }
0x12e: {  	[tilespmem:s17+$0xFFFFFF90] =	vst v3;
	v7 =	vld [tilespmem:s20+$0x30];
	s20 =	smov.u32 s18  }
0x12f: {  	v9 =	vld [tilespmem:s22+$0xFFFFFFA0];
	[tilespmem:s17+$0x10] =	vst v1;
	v2 =	vadd.f32 v2, v5  }
0x130: {  	v5 =	vld [tilespmem:s18+$0xFFFFFFA0]  }
0x131: {  	v1 =	vld [tilespmem:s22+$0x20];
	[tilespmem:s17+$0x60] =	vst v2  }
.Ltmp3:
0x132: {  	v6 =	vadd.f32 v8, v6;
	v2 =	vld [tilespmem:s22+$0x70];
	(pc) =	sbr.rel @p0 .LBB2_5-.Ltmp3, $4  }
0x133: {  	v3 =	vld [tilespmem:s18+$0x70];
	v8 =	vadd.f32 v7, v4  }
0x134: {  	[tilespmem:s17+$0xFFFFFFE0] =	vst v6;
	v6 =	vld [tilespmem:s18+$0x20]  }
0x135: {  	v7 =	vadd.f32 v5, v9;
	v4 =	vld [tilespmem:s22+$0xFFFFFFF0];
	[tilespmem:s19+$0x30] =	vst v8;
	s19 =	smov.u32 s17  }
0x136: {  	s22 =	sadd.s32 $0x100, s22;
	v5 =	vld [tilespmem:s18+$0xFFFFFFF0]  }
0x137: {  	_ =	sdelay $0x1  }
0x138: {  	[tilespmem:s17+$0xFFFFFFA0] =	vst v7;
	v1 =	vadd.f32 v6, v1  }
0x139: {  	v6 =	vld [tilespmem:s16+$0xFFFFFFB0]  }
0x13a: {  	[tilespmem:s17+$0x20] =	vst v1;
	v1 =	vld [tilespmem:s20+$0xFFFFFFB0]  }
0x13b: {  	v7 =	vld [tilespmem:s16+$0x30]  }
0x13c: {  	v8 =	vld [tilespmem:s20+$0x30];
	_ =	sdelay $0x1  }
0x13d: {  	v2 =	vadd.f32 v3, v2  }
0x13e: {  	s7 =	sshll.u32 s13, $0x1;
	v3 =	vadd.f32 v5, v4  }
0x13f: {  	[tilespmem:s17+$0x70] =	vst v2;
	s16 =	sor.u32 s4, s7;
	v1 =	vadd.f32 v1, v6  }
0x140: {  	p0 =	seq.s32 s13, $0x3F;
	[tilespmem:s17+$0xFFFFFFF0] =	vst v3;
	s7 =	smul.u32 $0x640, s16;
	v2 =	vadd.f32 v8, v7  }
0x141: {  	s8 =	sshrl.u32 @!p0 s15, $0x1;
	[tilespmem:s19+$0xFFFFFFB0] =	vst v1  }
0x142: {  	s17 =	smul.u32 @!p0 $0xC8, s8;
	s7 =	sadd.s32 s3, s7;
	[tilespmem:s19+$0x30] =	vst v2  }
0x143: {  	[hbm4b:s7+s5] =	stream.linear.scatter [tilespmem:s28], [sflag:$0x5], $0x1800, $0x38;
	[tilespmem:$0x1CC00] =	vst v63  }
0x144: {  	s9 =	simm.s32 @!p0 $0xC800;
	s8 =	simm.s32 @!p0 $0x60;
	s7 =	sadd.s32 @!p0 $0x190, s17  }
0x145: {  	[tilespmem:s9], [sflag:$0x1] =	stream.indirect.gather @!p0 [hbm4b:s6+s8], $0x40, s7, s8, $0xb8;
	[tilespmem:$0x1CC00] =	vst v63  }
0x146: {  	s7 =	sadd.s32 @!p0 $0x6590, s17;
	s9 =	simm.s32 @!p0 $0x13000  }
0x147: {  	[tilespmem:s9], [sflag:$0x1] =	stream.indirect.gather @!p0 [hbm4b:s2+s8], $0x40, s7, s8, $0xb8;
	[tilespmem:$0x1CC00] =	vst v63  }
0x148: {  	_ =	swait.ge [sflag:s29], $0x1A00  }
0x149: {  	[sflag:s29] =	ssyncset.done $0x0  }
0x14a: {  	[sflag:s29] =	ssyncadd.s32 $0xFFFFE600  }
0x14b: {  	_ =	swait.ge [sflag:s29], $0x1A00  }
0x14c: {  	[sflag:s29] =	ssyncset.done $0x0  }
0x14d: {  	s7 =	simm.s32 @!p1 $0x6;
	[sflag:s29] =	ssyncadd.s32 $0xFFFFE600  }
0x14e: {  	_ =	swait.ge @!p1 [sflag:s7], $0x1A00  }
0x14f: {  	[sflag:s7] =	ssyncset.done @!p1 $0x0  }
0x150: {  	s18 =	simm.s32 $0xE2F0;
	[sflag:s7] =	ssyncadd.s32 @!p1 $0xFFFFE600  }
0x151: {  	s20 =	simm.s32 $0x14AF0;
	v1 =	vld [tilespmem:s18+$0xFFFFFFD0]  }
0x152: {  	v2 =	vld [tilespmem:s20+$0xFFFFFFD0]  }
0x153: {  	v3 =	vld [tilespmem:s20+$0xFFFFFF10]  }
0x154: {  	v4 =	vld [tilespmem:s18+$0xFFFFFF50]  }
0x155: {  	v5 =	vld [tilespmem:s20+$0xFFFFFF50]  }
0x156: {  	v6 =	vld [tilespmem:s18+$0xFFFFFF90]  }
0x157: {  	v7 =	vld [tilespmem:s20+$0xFFFFFF90];
	v1 =	vadd.f32 v2, v1  }
0x158: {  	s19 =	simm.s32 $0x1B2F0;
	v2 =	vld [tilespmem:s18+$0xFFFFFF10]  }
0x159: {  	[tilespmem:s19+$0xFFFFFFD0] =	vst v1  }
0x15a: {  	v1 =	vadd.f32 v5, v4;
	v4 =	vld [tilespmem:s18+$0xFFFFFFE0]  }
0x15b: {  	v5 =	vld [tilespmem:s20+$0xFFFFFFE0]  }
0x15c: {  	[tilespmem:s19+$0xFFFFFF50] =	vst v1;
	v1 =	vadd.f32 v7, v6  }
0x15d: {  	v2 =	vadd.f32 v3, v2;
	v3 =	vld [tilespmem:s18+$0xFFFFFF60]  }
0x15e: {  	v6 =	vld [tilespmem:s20+$0xFFFFFF60];
	[tilespmem:s19+$0xFFFFFF90] =	vst v1  }
0x15f: {  	[tilespmem:s19+$0xFFFFFF10] =	vst v2;
	v1 =	vld [tilespmem:s18+$0xFFFFFFA0]  }
0x160: {  	v2 =	vld [tilespmem:s18+$0xFFFFFF20];
	v4 =	vadd.f32 v5, v4  }
0x161: {  	v5 =	vld [tilespmem:s20+$0xFFFFFF20]  }
0x162: {  	v7 =	vld [tilespmem:s20+$0xFFFFFFA0];
	[tilespmem:s19+$0xFFFFFFE0] =	vst v4  }
0x163: {  	v3 =	vadd.f32 v6, v3;
	v4 =	vld [tilespmem:s18+$0xFFFFFFF0]  }
0x164: {  	v6 =	vld [tilespmem:s20+$0xFFFFFFF0]  }
0x165: {  	[tilespmem:s19+$0xFFFFFF60] =	vst v3  }
0x166: {  	v2 =	vadd.f32 v5, v2;
	v3 =	vld [tilespmem:s18+$0xFFFFFF70]  }
0x167: {  	v5 =	vld [tilespmem:s20+$0xFFFFFF70]  }
0x168: {  	v1 =	vadd.f32 v7, v1;
	[tilespmem:s19+$0xFFFFFF20] =	vst v2  }
0x169: {  	v7 =	vld [tilespmem:s18+$0xFFFFFF30];
	v2 =	vadd.f32 v6, v4  }
0x16a: {  	[tilespmem:s19+$0xFFFFFFA0] =	vst v1;
	v8 =	vld [tilespmem:s20+$0xFFFFFF30]  }
0x16b: {  	v1 =	vld [tilespmem:s18+$0xFFFFFFB0];
	[tilespmem:s19+$0xFFFFFFF0] =	vst v2  }
0x16c: {  	v4 =	vadd.f32 v5, v3;
	v2 =	vld [tilespmem:s18+$0x0]  }
0x16d: {  	v3 =	vld [tilespmem:s20+$0x0]  }
0x16e: {  	v6 =	vld [tilespmem:s20+$0xFFFFFFB0];
	[tilespmem:s19+$0xFFFFFF70] =	vst v4  }
0x16f: {  	s24 =	simm.s32 $0x0;
	v4 =	vld [tilespmem:s18+$0xFFFFFF80];
	v7 =	vadd.f32 v8, v7  }
0x170: {  	s22 =	simm.s32 $0x14AF0;
	s21 =	simm.s32 $0x1B2F0;
	s7 =	simm.s32 $0xE3F0;
	v5 =	vld [tilespmem:s20+$0xFFFFFF80]  }
.LBB2_7:
0x171: {  	v8 =	vld [tilespmem:s7+$0xFFFFFFD0];
	[tilespmem:s19+$0xFFFFFF30] =	vst v7;
	s20 =	sadd.s32 $0x100, s20  }
0x172: {  	v7 =	vld [tilespmem:s20+$0xFFFFFFD0];
	v2 =	vadd.f32 v3, v2  }
0x173: {  	v3 =	vld [tilespmem:s20+$0xFFFFFF10];
	v1 =	vadd.f32 v6, v1  }
0x174: {  	v6 =	vld [tilespmem:s7+$0xFFFFFF50];
	[tilespmem:s19+$0x0] =	vst v2  }
0x175: {  	s24 =	sadd.s32 $0x4, s24;
	v2 =	vld [tilespmem:s20+$0xFFFFFF50];
	v4 =	vadd.f32 v5, v4;
	[tilespmem:s19+$0xFFFFFFB0] =	vst v1  }
0x176: {  	p1 =	slt.u32 s24, $0x64;
	v1 =	vld [tilespmem:s7+$0xFFFFFF90]  }
0x177: {  	v5 =	vld [tilespmem:s20+$0xFFFFFF90];
	v7 =	vadd.f32 v7, v8;
	[tilespmem:s19+$0xFFFFFF80] =	vst v4  }
0x178: {  	s19 =	sadd.s32 $0x100, s19;
	v4 =	vld [tilespmem:s7+$0xFFFFFF10]  }
0x179: {  	[tilespmem:s19+$0xFFFFFFD0] =	vst v7;
	v7 =	vld [tilespmem:s18+$0xFFFFFF40]  }
0x17a: {  	v2 =	vadd.f32 v2, v6;
	v6 =	vld [tilespmem:s7+$0xFFFFFFE0]  }
0x17b: {  	v8 =	vld [tilespmem:s20+$0xFFFFFFE0]  }
0x17c: {  	[tilespmem:s19+$0xFFFFFF50] =	vst v2;
	v1 =	vadd.f32 v5, v1;
	v2 =	vld [tilespmem:s22+$0xFFFFFF40]  }
0x17d: {  	v3 =	vadd.f32 v3, v4;
	v4 =	vld [tilespmem:s7+$0xFFFFFF60]  }
0x17e: {  	v5 =	vld [tilespmem:s20+$0xFFFFFF60];
	[tilespmem:s19+$0xFFFFFF90] =	vst v1  }
0x17f: {  	[tilespmem:s19+$0xFFFFFF10] =	vst v3;
	v1 =	vld [tilespmem:s7+$0xFFFFFFA0]  }
0x180: {  	v3 =	vld [tilespmem:s7+$0xFFFFFF20];
	v6 =	vadd.f32 v8, v6  }
0x181: {  	v8 =	vld [tilespmem:s20+$0xFFFFFF20];
	v2 =	vadd.f32 v2, v7  }
0x182: {  	v7 =	vld [tilespmem:s20+$0xFFFFFFA0];
	[tilespmem:s19+$0xFFFFFFE0] =	vst v6  }
0x183: {  	v4 =	vadd.f32 v5, v4;
	v5 =	vld [tilespmem:s7+$0xFFFFFFF0];
	[tilespmem:s21+$0xFFFFFF40] =	vst v2  }
0x184: {  	v2 =	vld [tilespmem:s20+$0xFFFFFFF0]  }
0x185: {  	[tilespmem:s19+$0xFFFFFF60] =	vst v4;
	v4 =	vld [tilespmem:s18+$0xFFFFFFC0];
	s18 =	smov.u32 s7  }
0x186: {  	v3 =	vadd.f32 v8, v3;
	v6 =	vld [tilespmem:s7+$0xFFFFFF70]  }
0x187: {  	v8 =	vld [tilespmem:s20+$0xFFFFFF70];
	v1 =	vadd.f32 v7, v1  }
0x188: {  	[tilespmem:s19+$0xFFFFFF20] =	vst v3;
	v7 =	vld [tilespmem:s22+$0xFFFFFFC0];
	s22 =	smov.u32 s20  }
0x189: {  	v9 =	vld [tilespmem:s7+$0xFFFFFF30];
	[tilespmem:s19+$0xFFFFFFA0] =	vst v1;
	v2 =	vadd.f32 v2, v5  }
0x18a: {  	v5 =	vld [tilespmem:s20+$0xFFFFFF30]  }
0x18b: {  	v1 =	vld [tilespmem:s7+$0xFFFFFFB0];
	[tilespmem:s19+$0xFFFFFFF0] =	vst v2  }
.Ltmp4:
0x18c: {  	v6 =	vadd.f32 v8, v6;
	v2 =	vld [tilespmem:s7+$0x0];
	(pc) =	sbr.rel @p1 .LBB2_7-.Ltmp4, $4  }
0x18d: {  	v3 =	vld [tilespmem:s20+$0x0];
	v8 =	vadd.f32 v7, v4  }
0x18e: {  	[tilespmem:s19+$0xFFFFFF70] =	vst v6;
	v6 =	vld [tilespmem:s20+$0xFFFFFFB0]  }
0x18f: {  	v7 =	vadd.f32 v5, v9;
	v4 =	vld [tilespmem:s7+$0xFFFFFF80];
	[tilespmem:s21+$0xFFFFFFC0] =	vst v8;
	s21 =	smov.u32 s19  }
0x190: {  	s7 =	sadd.s32 $0x100, s7;
	v5 =	vld [tilespmem:s20+$0xFFFFFF80]  }
0x191: {  	_ =	sdelay $0x1  }
0x192: {  	[tilespmem:s19+$0xFFFFFF30] =	vst v7;
	v1 =	vadd.f32 v6, v1  }
0x193: {  	v6 =	vld [tilespmem:s18+$0xFFFFFF40]  }
0x194: {  	[tilespmem:s19+$0xFFFFFFB0] =	vst v1;
	v1 =	vld [tilespmem:s22+$0xFFFFFF40]  }
0x195: {  	v7 =	vld [tilespmem:s18+$0xFFFFFFC0]  }
0x196: {  	v8 =	vld [tilespmem:s22+$0xFFFFFFC0];
	_ =	sdelay $0x1  }
0x197: {  	v2 =	vadd.f32 v3, v2  }
0x198: {  	s7 =	smul.u32 $0x3200, s16;
	v3 =	vadd.f32 v5, v4  }
0x199: {  	[tilespmem:s19+$0x0] =	vst v2;
	v1 =	vadd.f32 v1, v6  }
0x19a: {  	s7 =	sshrl.u32 s7, $0x3;
	[tilespmem:s19+$0xFFFFFF80] =	vst v3;
	v2 =	vadd.f32 v8, v7  }
0x19b: {  	s7 =	sadd.s32 s3, s7;
	[tilespmem:s21+$0xFFFFFF40] =	vst v1  }
0x19c: {  	s7 =	sadd.s32 $0x300, s7;
	[tilespmem:s21+$0xFFFFFFC0] =	vst v2  }
0x19d: {  	[hbm4b:s7+s5] =	stream.linear.scatter [tilespmem:s30], [sflag:$0x6], $0x1A00, $0x38;
	[tilespmem:$0x1CC00] =	vst v63  }
0x19e: {  	s8 =	simm.s32 @!p0 $0x68;
	s9 =	simm.s32 @!p0 $0xE200;
	s7 =	sadd.s32 @!p0 $0x1F0, s17  }
0x19f: {  	[tilespmem:s9], [sflag:$0x2] =	stream.indirect.gather @!p0 [hbm4b:s6+s8], $0x40, s7, s8, $0xb8;
	[tilespmem:$0x1CC00] =	vst v63  }
0x1a0: {  	s7 =	sadd.s32 @!p0 $0x65F0, s17;
	s9 =	simm.s32 @!p0 $0x14A00  }
0x1a1: {  	[tilespmem:s9], [sflag:$0x2] =	stream.indirect.gather @!p0 [hbm4b:s2+s8], $0x40, s7, s8, $0xb8;
	[tilespmem:$0x1CC00] =	vst v63  }
0x1a2: {  	_ =	swait.ge [sflag:s31], $0x1800  }
0x1a3: {  	[sflag:s31] =	ssyncset.done $0x0  }
0x1a4: {  	[sflag:s31] =	ssyncadd.s32 $0xFFFFE800  }
0x1a5: {  	_ =	swait.ge [sflag:s31], $0x1800  }
0x1a6: {  	[sflag:s31] =	ssyncset.done $0x0  }
0x1a7: {  	[sflag:s31] =	ssyncadd.s32 $0xFFFFE800  }
0x1a8: {  	_ =	swait.ge [sflag:s1], $0x1800  }
0x1a9: {  	[sflag:s1] =	ssyncset.done $0x0  }
0x1aa: {  	s17 =	simm.s32 $0xFCF0;
	[sflag:s1] =	ssyncadd.s32 $0xFFFFE800  }
0x1ab: {  	s19 =	simm.s32 $0x164F0;
	v1 =	vld [tilespmem:s17+$0xFFFFFFD0]  }
0x1ac: {  	v2 =	vld [tilespmem:s19+$0xFFFFFFD0]  }
0x1ad: {  	v3 =	vld [tilespmem:s19+$0xFFFFFF10]  }
0x1ae: {  	v4 =	vld [tilespmem:s17+$0xFFFFFF50]  }
0x1af: {  	v5 =	vld [tilespmem:s19+$0xFFFFFF50]  }
0x1b0: {  	v6 =	vld [tilespmem:s17+$0xFFFFFF90]  }
0x1b1: {  	v7 =	vld [tilespmem:s19+$0xFFFFFF90];
	v1 =	vadd.f32 v2, v1  }
0x1b2: {  	s18 =	simm.s32 $0x19880;
	v2 =	vld [tilespmem:s17+$0xFFFFFF10]  }
0x1b3: {  	[tilespmem:s18+$0x40] =	vst v1  }
0x1b4: {  	v1 =	vadd.f32 v5, v4;
	v4 =	vld [tilespmem:s17+$0xFFFFFFE0]  }
0x1b5: {  	v5 =	vld [tilespmem:s19+$0xFFFFFFE0]  }
0x1b6: {  	[tilespmem:s18+$0xFFFFFFC0] =	vst v1;
	v1 =	vadd.f32 v7, v6  }
0x1b7: {  	v2 =	vadd.f32 v3, v2;
	v3 =	vld [tilespmem:s17+$0xFFFFFF60]  }
0x1b8: {  	v6 =	vld [tilespmem:s19+$0xFFFFFF60];
	[tilespmem:s18+$0x0] =	vst v1  }
0x1b9: {  	[tilespmem:s18+$0xFFFFFF80] =	vst v2;
	v1 =	vld [tilespmem:s17+$0xFFFFFFA0]  }
0x1ba: {  	v2 =	vld [tilespmem:s17+$0xFFFFFF20];
	v4 =	vadd.f32 v5, v4  }
0x1bb: {  	v5 =	vld [tilespmem:s19+$0xFFFFFF20]  }
0x1bc: {  	v7 =	vld [tilespmem:s19+$0xFFFFFFA0];
	[tilespmem:s18+$0x50] =	vst v4  }
0x1bd: {  	v3 =	vadd.f32 v6, v3;
	v4 =	vld [tilespmem:s17+$0xFFFFFFF0]  }
0x1be: {  	v6 =	vld [tilespmem:s19+$0xFFFFFFF0]  }
0x1bf: {  	[tilespmem:s18+$0xFFFFFFD0] =	vst v3  }
0x1c0: {  	v2 =	vadd.f32 v5, v2;
	v3 =	vld [tilespmem:s17+$0xFFFFFF70]  }
0x1c1: {  	v5 =	vld [tilespmem:s19+$0xFFFFFF70]  }
0x1c2: {  	v1 =	vadd.f32 v7, v1;
	[tilespmem:s18+$0xFFFFFF90] =	vst v2  }
0x1c3: {  	v7 =	vld [tilespmem:s17+$0xFFFFFF30];
	v2 =	vadd.f32 v6, v4  }
0x1c4: {  	[tilespmem:s18+$0x10] =	vst v1;
	v8 =	vld [tilespmem:s19+$0xFFFFFF30]  }
0x1c5: {  	v1 =	vld [tilespmem:s17+$0xFFFFFFB0];
	[tilespmem:s18+$0x60] =	vst v2  }
0x1c6: {  	v4 =	vadd.f32 v5, v3;
	v2 =	vld [tilespmem:s17+$0x0]  }
0x1c7: {  	v3 =	vld [tilespmem:s19+$0x0]  }
0x1c8: {  	v6 =	vld [tilespmem:s19+$0xFFFFFFB0];
	[tilespmem:s18+$0xFFFFFFE0] =	vst v4  }
0x1c9: {  	s20 =	simm.s32 $0x19880;
	v4 =	vld [tilespmem:s17+$0xFFFFFF80];
	v7 =	vadd.f32 v8, v7  }
0x1ca: {  	s22 =	simm.s32 $0x0;
	s21 =	simm.s32 $0x164F0;
	s7 =	simm.s32 $0xFDF0;
	v5 =	vld [tilespmem:s19+$0xFFFFFF80]  }
.LBB2_9:
0x1cb: {  	v8 =	vld [tilespmem:s7+$0xFFFFFFD0];
	[tilespmem:s18+$0xFFFFFFA0] =	vst v7;
	s19 =	sadd.s32 $0x100, s19  }
0x1cc: {  	v7 =	vld [tilespmem:s19+$0xFFFFFFD0];
	v2 =	vadd.f32 v3, v2  }
0x1cd: {  	v3 =	vld [tilespmem:s19+$0xFFFFFF10];
	v1 =	vadd.f32 v6, v1  }
0x1ce: {  	v6 =	vld [tilespmem:s7+$0xFFFFFF50];
	[tilespmem:s18+$0x70] =	vst v2  }
0x1cf: {  	s22 =	sadd.s32 $0x4, s22;
	v2 =	vld [tilespmem:s19+$0xFFFFFF50];
	v4 =	vadd.f32 v5, v4;
	[tilespmem:s18+$0x20] =	vst v1  }
0x1d0: {  	p1 =	slt.u32 s22, $0x5C;
	v1 =	vld [tilespmem:s7+$0xFFFFFF90]  }
0x1d1: {  	v5 =	vld [tilespmem:s19+$0xFFFFFF90];
	v7 =	vadd.f32 v7, v8;
	[tilespmem:s18+$0xFFFFFFF0] =	vst v4  }
0x1d2: {  	s18 =	sadd.s32 $0x100, s18;
	v4 =	vld [tilespmem:s7+$0xFFFFFF10]  }
0x1d3: {  	[tilespmem:s18+$0x40] =	vst v7;
	v7 =	vld [tilespmem:s17+$0xFFFFFF40]  }
0x1d4: {  	v2 =	vadd.f32 v2, v6;
	v6 =	vld [tilespmem:s7+$0xFFFFFFE0]  }
0x1d5: {  	v8 =	vld [tilespmem:s19+$0xFFFFFFE0]  }
0x1d6: {  	[tilespmem:s18+$0xFFFFFFC0] =	vst v2;
	v1 =	vadd.f32 v5, v1;
	v2 =	vld [tilespmem:s21+$0xFFFFFF40]  }
0x1d7: {  	v3 =	vadd.f32 v3, v4;
	v4 =	vld [tilespmem:s7+$0xFFFFFF60]  }
0x1d8: {  	v5 =	vld [tilespmem:s19+$0xFFFFFF60];
	[tilespmem:s18+$0x0] =	vst v1  }
0x1d9: {  	[tilespmem:s18+$0xFFFFFF80] =	vst v3;
	v1 =	vld [tilespmem:s7+$0xFFFFFFA0]  }
0x1da: {  	v3 =	vld [tilespmem:s7+$0xFFFFFF20];
	v6 =	vadd.f32 v8, v6  }
0x1db: {  	v8 =	vld [tilespmem:s19+$0xFFFFFF20];
	v2 =	vadd.f32 v2, v7  }
0x1dc: {  	v7 =	vld [tilespmem:s19+$0xFFFFFFA0];
	[tilespmem:s18+$0x50] =	vst v6  }
0x1dd: {  	v4 =	vadd.f32 v5, v4;
	v5 =	vld [tilespmem:s7+$0xFFFFFFF0];
	[tilespmem:s20+$0xFFFFFFB0] =	vst v2  }
0x1de: {  	v2 =	vld [tilespmem:s19+$0xFFFFFFF0]  }
0x1df: {  	[tilespmem:s18+$0xFFFFFFD0] =	vst v4;
	v4 =	vld [tilespmem:s17+$0xFFFFFFC0];
	s17 =	smov.u32 s7  }
0x1e0: {  	v3 =	vadd.f32 v8, v3;
	v6 =	vld [tilespmem:s7+$0xFFFFFF70]  }
0x1e1: {  	v8 =	vld [tilespmem:s19+$0xFFFFFF70];
	v1 =	vadd.f32 v7, v1  }
0x1e2: {  	[tilespmem:s18+$0xFFFFFF90] =	vst v3;
	v7 =	vld [tilespmem:s21+$0xFFFFFFC0];
	s21 =	smov.u32 s19  }
0x1e3: {  	v9 =	vld [tilespmem:s7+$0xFFFFFF30];
	[tilespmem:s18+$0x10] =	vst v1;
	v2 =	vadd.f32 v2, v5  }
0x1e4: {  	v5 =	vld [tilespmem:s19+$0xFFFFFF30]  }
0x1e5: {  	v1 =	vld [tilespmem:s7+$0xFFFFFFB0];
	[tilespmem:s18+$0x60] =	vst v2  }
.Ltmp5:
0x1e6: {  	v6 =	vadd.f32 v8, v6;
	v2 =	vld [tilespmem:s7+$0x0];
	(pc) =	sbr.rel @p1 .LBB2_9-.Ltmp5, $4  }
0x1e7: {  	v3 =	vld [tilespmem:s19+$0x0];
	v8 =	vadd.f32 v7, v4  }
0x1e8: {  	[tilespmem:s18+$0xFFFFFFE0] =	vst v6;
	v6 =	vld [tilespmem:s19+$0xFFFFFFB0]  }
0x1e9: {  	v7 =	vadd.f32 v5, v9;
	v4 =	vld [tilespmem:s7+$0xFFFFFF80];
	[tilespmem:s20+$0x30] =	vst v8;
	s20 =	smov.u32 s18  }
0x1ea: {  	s7 =	sadd.s32 $0x100, s7;
	v5 =	vld [tilespmem:s19+$0xFFFFFF80]  }
0x1eb: {  	_ =	sdelay $0x1  }
0x1ec: {  	[tilespmem:s18+$0xFFFFFFA0] =	vst v7;
	v1 =	vadd.f32 v6, v1  }
0x1ed: {  	v6 =	vld [tilespmem:s17+$0xFFFFFF40]  }
0x1ee: {  	[tilespmem:s18+$0x20] =	vst v1;
	v1 =	vld [tilespmem:s21+$0xFFFFFF40]  }
0x1ef: {  	v7 =	vld [tilespmem:s17+$0xFFFFFFC0]  }
0x1f0: {  	v8 =	vld [tilespmem:s21+$0xFFFFFFC0];
	_ =	sdelay $0x1  }
0x1f1: {  	v2 =	vadd.f32 v3, v2  }
0x1f2: {  	v3 =	vadd.f32 v5, v4  }
0x1f3: {  	s16 =	sor.u32 $0x1, s16;
	[tilespmem:s18+$0x70] =	vst v2;
	v1 =	vadd.f32 v1, v6  }
0x1f4: {  	s7 =	smul.u32 $0x640, s16;
	[tilespmem:s18+$0xFFFFFFF0] =	vst v3;
	v2 =	vadd.f32 v8, v7  }
0x1f5: {  	[tilespmem:s20+$0xFFFFFFB0] =	vst v1  }
0x1f6: {  	s7 =	sadd.s32 s3, s7;
	[tilespmem:s20+$0x30] =	vst v2  }
0x1f7: {  	[hbm4b:s7+s5] =	stream.linear.scatter [tilespmem:s28], [sflag:$0x5], $0x1800, $0x38;
	[tilespmem:$0x1CC00] =	vst v63  }
0x1f8: {  	s7 =	sadd.s32 @!p0 $0x6, s15  }
0x1f9: {  	s7 =	sshrl.u32 @!p0 s7, $0x1  }
0x1fa: {  	s7 =	smul.u32 @!p0 $0xC8, s7  }
0x1fb: {  	s8 =	simm.s32 @!p0 $0x60;
	s9 =	simm.s32 @!p0 $0xFC00  }
0x1fc: {  	[tilespmem:s9], [sflag:$0x3] =	stream.indirect.gather @!p0 [hbm4b:s6+s8], $0x40, s7, s8, $0xb8;
	[tilespmem:$0x1CC00] =	vst v63  }
0x1fd: {  	s7 =	sadd.s32 @!p0 $0x6400, s7;
	s9 =	simm.s32 @!p0 $0x16400  }
0x1fe: {  	[tilespmem:s9], [sflag:$0x3] =	stream.indirect.gather @!p0 [hbm4b:s2+s8], $0x40, s7, s8, $0xb8;
	[tilespmem:$0x1CC00] =	vst v63  }
0x1ff: {  	_ =	swait.ge [sflag:s0], $0x1A00  }
0x200: {  	[sflag:s0] =	ssyncset.done $0x0  }
0x201: {  	[sflag:s0] =	ssyncadd.s32 $0xFFFFE600  }
0x202: {  	_ =	swait.ge [sflag:s0], $0x1A00  }
0x203: {  	[sflag:s0] =	ssyncset.done $0x0  }
0x204: {  	[sflag:s0] =	ssyncadd.s32 $0xFFFFE600  }
0x205: {  	_ =	swait.ge [sflag:s11], $0x1A00  }
0x206: {  	[sflag:s11] =	ssyncset.done $0x0  }
0x207: {  	s17 =	simm.s32 $0x0;
	[sflag:s11] =	ssyncadd.s32 $0xFFFFE600  }
0x208: {  	v1 =	vld [tilespmem:s17+$0x116F0]  }
0x209: {  	v2 =	vld [tilespmem:s17+$0x17EF0]  }
0x20a: {  	v3 =	vld [tilespmem:s17+$0x11600]  }
0x20b: {  	v4 =	vld [tilespmem:s17+$0x17E00]  }
0x20c: {  	v5 =	vld [tilespmem:s17+$0x11610]  }
0x20d: {  	v6 =	vld [tilespmem:s17+$0x17E10]  }
0x20e: {  	v7 =	vld [tilespmem:s17+$0x11620]  }
0x20f: {  	v8 =	vld [tilespmem:s17+$0x17E20]  }
0x210: {  	v9 =	vld [tilespmem:s17+$0x11630]  }
0x211: {  	v10 =	vld [tilespmem:s17+$0x17E30]  }
0x212: {  	v11 =	vld [tilespmem:s17+$0x11640]  }
0x213: {  	v12 =	vld [tilespmem:s17+$0x17E40]  }
0x214: {  	v13 =	vld [tilespmem:s17+$0x11650]  }
0x215: {  	v14 =	vld [tilespmem:s17+$0x17E50]  }
0x216: {  	v15 =	vld [tilespmem:s17+$0x11660]  }
0x217: {  	v16 =	vld [tilespmem:s17+$0x17E60]  }
0x218: {  	v17 =	vld [tilespmem:s17+$0x11670]  }
0x219: {  	v61 =	vld [tilespmem:s17+$0x17EA0];
	v1 =	vadd.f32 v2, v1  }
0x21a: {  	v2 =	vld [tilespmem:s17+$0x17E70];
	v3 =	vadd.f32 v4, v3  }
0x21b: {  	v4 =	vld [tilespmem:s17+$0x11680];
	[tilespmem:s17+$0x1B2F0] =	vst v1;
	v1 =	vadd.f32 v6, v5  }
0x21c: {  	v5 =	vld [tilespmem:s17+$0x17E80];
	[tilespmem:s17+$0x1B200] =	vst v3;
	v3 =	vadd.f32 v8, v7  }
0x21d: {  	v6 =	vld [tilespmem:s17+$0x11690];
	[tilespmem:s17+$0x1B210] =	vst v1;
	v1 =	vadd.f32 v10, v9  }
0x21e: {  	v7 =	vld [tilespmem:s17+$0x17E90];
	[tilespmem:s17+$0x1B220] =	vst v3;
	v3 =	vadd.f32 v12, v11  }
0x21f: {  	v8 =	vld [tilespmem:s17+$0x116A0];
	v2 =	vadd.f32 v2, v17;
	[tilespmem:s17+$0x1B230] =	vst v1  }
0x220: {  	v62 =	vld [tilespmem:s17+$0x116B0];
	v1 =	vadd.f32 v14, v13;
	[tilespmem:s17+$0x1B240] =	vst v3  }
0x221: {  	v63 =	vld [tilespmem:s17+$0x17EB0];
	v3 =	vadd.f32 v16, v15;
	[tilespmem:s17+$0x1B270] =	vst v2  }
0x222: {  	v4 =	vadd.f32 v5, v4;
	[tilespmem:s17+$0x1B250] =	vst v1;
	v1 =	vld [tilespmem:s17+$0x116C0]  }
0x223: {  	v5 =	vadd.f32 v7, v6;
	[tilespmem:s17+$0x1B260] =	vst v3;
	v3 =	vld [tilespmem:s17+$0x17EC0]  }
0x224: {  	v6 =	vadd.f32 v61, v8;
	v2 =	vld [tilespmem:s17+$0x116D0];
	[tilespmem:s17+$0x1B280] =	vst v4  }
0x225: {  	[tilespmem:s17+$0x1B290] =	vst v5;
	v4 =	vld [tilespmem:s17+$0x17ED0]  }
0x226: {  	s18 =	simm.s32 $0x400;
	s7 =	simm.s32 $0x0;
	[tilespmem:s17+$0x1B2A0] =	vst v6;
	v6 =	vadd.f32 v63, v62;
	v5 =	vld [tilespmem:s17+$0x116E0]  }
.LBB2_11:
0x227: {  	s8 =	sshra.s32 s18, $0x2;
	v7 =	vld [tilespmem:s17+$0x17EE0]  }
0x228: {  	s7 =	sadd.s32 $0x4, s7;
	v8 =	vld [tilespmem:s8+$0x116F0];
	[tilespmem:s17+$0x1B2B0] =	vst v6;
	v1 =	vadd.f32 v3, v1  }
0x229: {  	p1 =	slt.u32 s7, $0x64;
	v3 =	vld [tilespmem:s8+$0x17EF0]  }
0x22a: {  	v6 =	vld [tilespmem:s8+$0x11600];
	[tilespmem:s17+$0x1B2C0] =	vst v1;
	v1 =	vadd.f32 v4, v2  }
0x22b: {  	v2 =	vld [tilespmem:s8+$0x17E00]  }
0x22c: {  	v4 =	vld [tilespmem:s8+$0x11610];
	[tilespmem:s17+$0x1B2D0] =	vst v1;
	v1 =	vadd.f32 v7, v5  }
0x22d: {  	v5 =	vld [tilespmem:s8+$0x17E10]  }
0x22e: {  	v7 =	vld [tilespmem:s8+$0x11620];
	v3 =	vadd.f32 v3, v8;
	[tilespmem:s17+$0x1B2E0] =	vst v1;
	s17 =	smov.u32 s8  }
0x22f: {  	v1 =	vld [tilespmem:s17+$0x17E20]  }
0x230: {  	v2 =	vadd.f32 v2, v6;
	v6 =	vld [tilespmem:s17+$0x11630];
	[tilespmem:s17+$0x1B2F0] =	vst v3  }
0x231: {  	v3 =	vld [tilespmem:s17+$0x17E30]  }
0x232: {  	[tilespmem:s17+$0x1B200] =	vst v2;
	v2 =	vadd.f32 v5, v4;
	v4 =	vld [tilespmem:s17+$0x11640]  }
0x233: {  	v5 =	vld [tilespmem:s17+$0x17E40]  }
0x234: {  	[tilespmem:s17+$0x1B210] =	vst v2;
	v1 =	vadd.f32 v1, v7;
	v2 =	vld [tilespmem:s17+$0x11650]  }
0x235: {  	v7 =	vld [tilespmem:s17+$0x17E50]  }
0x236: {  	[tilespmem:s17+$0x1B220] =	vst v1;
	v1 =	vadd.f32 v3, v6;
	v3 =	vld [tilespmem:s17+$0x11660]  }
0x237: {  	v6 =	vld [tilespmem:s17+$0x17E60]  }
0x238: {  	[tilespmem:s17+$0x1B230] =	vst v1;
	v1 =	vadd.f32 v5, v4;
	v4 =	vld [tilespmem:s17+$0x11670]  }
0x239: {  	v5 =	vld [tilespmem:s17+$0x17E70]  }
0x23a: {  	[tilespmem:s17+$0x1B240] =	vst v1;
	v1 =	vadd.f32 v7, v2;
	v2 =	vld [tilespmem:s17+$0x11680]  }
0x23b: {  	v7 =	vld [tilespmem:s17+$0x17E80]  }
0x23c: {  	[tilespmem:s17+$0x1B250] =	vst v1;
	v1 =	vadd.f32 v6, v3;
	v3 =	vld [tilespmem:s17+$0x11690]  }
0x23d: {  	v6 =	vld [tilespmem:s17+$0x17E90]  }
0x23e: {  	[tilespmem:s17+$0x1B260] =	vst v1;
	v1 =	vadd.f32 v5, v4;
	v4 =	vld [tilespmem:s17+$0x116A0]  }
0x23f: {  	v5 =	vld [tilespmem:s17+$0x17EA0]  }
0x240: {  	[tilespmem:s17+$0x1B270] =	vst v1;
	v1 =	vadd.f32 v7, v2;
	v7 =	vld [tilespmem:s17+$0x116B0]  }
0x241: {  	v8 =	vld [tilespmem:s17+$0x17EB0]  }
.Ltmp6:
0x242: {  	[tilespmem:s17+$0x1B280] =	vst v1;
	v2 =	vadd.f32 v6, v3;
	v1 =	vld [tilespmem:s17+$0x116C0];
	(pc) =	sbr.rel @p1 .LBB2_11-.Ltmp6, $4  }
0x243: {  	v3 =	vld [tilespmem:s17+$0x17EC0]  }
0x244: {  	[tilespmem:s17+$0x1B290] =	vst v2;
	v5 =	vadd.f32 v5, v4;
	v2 =	vld [tilespmem:s17+$0x116D0]  }
0x245: {  	v4 =	vld [tilespmem:s17+$0x17ED0]  }
0x246: {  	s18 =	sadd.s32 $0x400, s18;
	[tilespmem:s17+$0x1B2A0] =	vst v5;
	v6 =	vadd.f32 v8, v7;
	v5 =	vld [tilespmem:s17+$0x116E0]  }
0x247: {  	v7 =	vld [tilespmem:s17+$0x17EE0];
	_ =	sdelay $0x2  }
0x248: {  	s7 =	smul.u32 $0x3200, s16;
	v1 =	vadd.f32 v3, v1  }
.Ltmp7:
0x249: {  	[tilespmem:s17+$0x1B2B0] =	vst v6;
	v2 =	vadd.f32 v4, v2;
	(pc) =	sbr.rel @p0 .LBB2_14-.Ltmp7, $4  }
0x24a: {  	s7 =	sshrl.u32 s7, $0x3;
	[tilespmem:s17+$0x1B2C0] =	vst v1;
	v1 =	vadd.f32 v7, v5  }
0x24b: {  	s7 =	sadd.s32 s3, s7;
	[tilespmem:s17+$0x1B2D0] =	vst v2  }
0x24c: {  	s7 =	sadd.s32 $0x300, s7;
	[tilespmem:s17+$0x1B2E0] =	vst v1  }
0x24d: {  	[hbm4b:s7+s5] =	stream.linear.scatter [tilespmem:s30], [sflag:$0x6], $0x1A00, $0x38;
	[tilespmem:$0x1CC00] =	vst v63  }
0x24e: {  	s7 =	sadd.s32 $0x6, s15  }
0x24f: {  	s7 =	sshrl.u32 s7, $0x1  }
0x250: {  	s7 =	smul.u32 $0xC8, s7  }
.Ltmp8:
0x251: {  	_ = 	snop;
	(pc) =	sbr.rel .LBB2_4-.Ltmp8, $4  }
0x252: {  	s8 =	sadd.s32 $0x60, s7  }
0x253: {  	[tilespmem:s23], [sflag:$0x4] =	stream.indirect.gather [hbm4b:s6+s14], $0x40, s8, s14, $0xb8;
	[tilespmem:$0x1CC00] =	vst v63  }
0x254: {  	s13 =	sadd.s32 $0x1, s13;
	s7 =	sadd.s32 $0x6460, s7  }
0x255: {  	[tilespmem:s25], [sflag:$0x4] =	stream.indirect.gather [hbm4b:s2+s14], $0x40, s7, s14, $0xb8;
	[tilespmem:$0x1CC00] =	vst v63  }
.LBB2_15:
0x256: {  	_ =	sfence.sel $0x180000  }
0x257: {  	[bflag:$0x0] =	sbarrier.arrive $0xFFFF  }
0x258: {  	_ =	strace $0x90000047  }
0x259: {  	s0 =	stileid.u32;
	[bflag:$0x2] =	sbarrier.arrive $0xFFFF  }
0x25a: {  	p0 =	sne.s32 s0, $0x0;
	s0 =	rddreg [dreg:$0x3]  }
0x25b: {  	s0 =	sadd.s32 @!p0 $0x100000, s0  }
0x25c: {  	[sflag:s0] =	ssyncadd.tile.s32 @!p0 $0x1;
	_ =	shalt  }
.Lfunc_end2:
_tile_overlayer_lowered:
.L_overlay_start_2:
0x25d: {  	(tag) =	ssettag $0x2  }
0x25e: {  	s0 =	rddreg [dreg:$0x0];
	s2 =	stileid.u32  }
0x25f: {  	s1 =	rddreg [dreg:$0x1];
	p0 =	sne.s32 s2, $0x0  }
0x260: {  	s3 =	rddreg [dreg:$0x2];
	[bflag:$0x3] =	sbarrier.arrive $0xFFFF;
	s2 =	simm.s32 @!p0 $0x1C07  }
0x261: {  	[timem:s3], [sflag:s2] =	dma.local @!p0 [hbm:s0], s1  }
0x262: {  	s0 =	simm.s32 @!p0 $0x7  }
0x263: {  	_ =	swait.ge @!p0 [sflag:s0], s1  }
0x264: {  	s1 =	ssub.s32 @!p0 $0x0, s1;
	[sflag:s0] =	ssyncset.done @!p0 $0x0  }
0x265: {  	[sflag:s0] =	ssyncadd.s32 @!p0 s1  }
0x266: {  	[bflag:$0x3] =	sbarrier.arrive $0xFFFF  }
0x267: {  	_ =	shalt  }

// kernel: sparse-core-data-format-call.cloned.1.call-start
scs
called_computation_lowered:
.L_overlay_start_0:
0x0: {  	s2 =	sld [smem:$0x3FD9]  }
0x1: {  	s3 =	sld [smem:$0x3FFE];
	_ =	sdelay $0x1  }
0x2: {  	s1 =	srdreg.scid  }
0x3: {  	s0 =	sand.u32 $0x1, s1  }
0x4: {  	s15 =	sshll.u32 s0, $0xA;
	s2 =	sadd.s32 s3, s2  }
0x5: {  	s2 =	sadd.s32 s2, s15  }
0x6: {  	[smem:$0x3FC5] =	sst s2  }
0x7: {  	_ = 	snop  }
0x8: {  	s2 =	sld [smem:$0x3FD0];
	_ =	sdelay $0x2  }
0x9: {  	s16 =	simm.s32 $0xA;
	s4 =	simm.s32 $0x10  }
0xa: {  	[smem:s4], [sflag:s16] =	dma.local [hbm:s2], $0x1  }
0xb: {  	_ =	swait.eq [sflag:s16], $0x1  }
0xc: {  	[sflag:s16] =	ssyncset.done $0x0  }
0xd: {  	[sflag:s16] =	ssyncadd.s32 $0xFFFFFFFF  }
0xe: {  	s17 =	sld [smem:$0x10];
	(tm) =	ssettm $0x1  }
0xf: {  	s18 =	sld [smem:$0x3FFB];
	_ =	sdelay $0x3  }
0x10: {  	_ =	strace s18  }
0x11: {  	s3 =	sld [smem:$0x3FFC];
	_ =	sdelay $0x3  }
0x12: {  	_ =	strace s3  }
0x13: {  	s3 =	sld [smem:$0x3FFD];
	_ =	sdelay $0x3  }
0x14: {  	_ =	strace s3  }
0x15: {  	_ =	strace $0x8FFFFFFF  }
0x16: {  	s19 =	sld [smem:$0x3FDB];
	_ =	sdelay $0x1  }
0x17: {  	s20 =	simm.s32 $_scs_section_size  }
0x18: {  	s5 =	simm.s32 $_size__tile_overlayer_lowered;
	s6 =	simm.s32 $_tile_overlayer_lowered  }
0x19: {  	s23 =	simm.s32 $0x1BFF;
	s22 =	sshll.u32 s6, $0x1;
	s3 =	sadd.s32 s20, s19  }
0x1a: {  	s7 =	simm.s32 $0x0;
	s21 =	sshll.u32 s5, $0x1;
	s5 =	sadd.s32 s22, s3  }
0x1b: {  	[timem:s7], [sflag:s23] =	dma.local [hbm:s5], s21  }
0x1c: {  	_ =	swait.ge [sflag:s23], s21  }
0x1d: {  	s4 =	ssub.s32 $0x0, s21;
	[sflag:s23] =	ssyncset.done $0x0  }
0x1e: {  	[sflag:s23] =	ssyncadd.s32 s4;
	_ =	sdelay $0x1  }
0x1f: {  	s24 =	simm.s32 $0x1B8B  }
0x20: {  	_ =	swait.ge [sflag:s24], $0x1  }
0x21: {  	[sflag:s24] =	ssyncset.done $0x0  }
0x22: {  	s26 =	simm.s32 $0x1B8E;
	s25 =	sld [smem:$0x3FFE];
	[sflag:s24] =	ssyncadd.s32 $0xFFFFFFFF  }
0x23: {  	s27 =	simm.s32 $execute0_lowered;
	[smem:$0x3FD2] =	sst s26  }
0x24: {  	s5 =	sshll.u32 s27, $0x1;
	_ =	strace $0x80000049;
	[dreg:$0x1] =	wrdreg $0xFFFFFFFF  }
0x25: {  	s28 =	simm.s32 $_size_execute0_lowered;
	s3 =	sadd.s32 s3, s5;
	[dreg:$0x0] =	wrdreg $0x0  }
0x26: {  	s5 =	sshll.u32 s28, $0x1;
	[dreg:$0x2] =	wrdreg s3  }
0x27: {  	[dreg:$0x3] =	wrdreg s5  }
0x28: {  	[dreg:$0x4] =	wrdreg $0xC0  }
0x29: {  	_ =	task [dreg:s7], $0x5FFFF  }
0x2a: {  	[dreg:$0x1] =	wrdreg $0xFFFFFFFF  }
0x2b: {  	[dreg:$0x0] =	wrdreg $0x60  }
0x2c: {  	[dreg:$0x2] =	wrdreg s25  }
0x2d: {  	[dreg:$0x3] =	wrdreg s17  }
0x2e: {  	[dreg:$0x4] =	wrdreg $0x9  }
0x2f: {  	_ =	task.clear_ibuf [dreg:s7], $0x5FFFF;
	_ =	strace $0x90000049  }
0x30: {  	s29 =	simm.s32 $0x9;
	_ =	strace $0x8000004B  }
0x31: {  	_ =	swait.ge [sflag:s29], $0x1  }
0x32: {  	[sflag:s29] =	ssyncadd.s32 $0xFFFFFFFF  }
0x33: {  	_ =	strace $0x9000004B  }
0x34: {  	_ =	sfence  }
0x35: {  	s30 =	sld [smem:$0x0];
	_ =	sdelay $0x2  }
0x36: {  	s31 =	sshll.u32 s1, $0xD;
	s1 =	sshrl.u32 s1, $0x2  }
0x37: {  	s3 =	sand.u32 $0x4000, s31;
	s1 =	sadd.s32 s1, s30  }
0x38: {  	s0 =	sor.u32 s3, s0;
	s1 =	sshll.u32 s1, $0x11  }
0x39: {  	s0 =	sor.u32 s1, s0  }
0x3a: {  	s0 =	sadd.s32 $0x8F2B, s0  }
0x3b: {  	[sflag:s0] =	ssyncadd.remote.s32 $0x1  }
0x3c: {  	_ =	sfence.sel $0xFFFF  }
0x3d: {  	[dreg:$0x0] =	wrdreg $0xFFFFFFFF;
	(pc) =	sbr.abs _section_cstart, $3  }
0x3e: {  	[dreg:$0x1] =	wrdreg $0xFFFFFFFF  }
0x3f: {  	_ =	task.clear_ibuf [dreg:s7], $0x2FFFF;
	_ =	strace $0x9FFFFFFF  }
0x40: {  	(tm) =	ssettm $0x7FFFFFFF  }
0x41: {  	_ =	shalt  }
tec
execute0_lowered:
.L_overlay_start_1:
0x0: {  	(tag) =	ssettag $0x1  }
0x1: {  	s0 =	srdreg.scid  }
0x2: {  	s1 =	sshll.u32 s0, $0x4  }
0x3: {  	s0 =	stileid.u32;
	s1 =	sand.u32 $0x10, s1  }
0x4: {  	s1 =	sor.u32 s0, s1  }
0x5: {  	s6 =	rddreg [dreg:$0x0];
	s4 =	simm.s32 $0x1;
	s2 =	sshll.u32 s1, $0x7  }
0x6: {  	s7 =	simm.s32 $0x2;
	s12 =	simm.s32 $0x0;
	s1 =	ssub.s32 $0x1000, s2  }
0x7: {  	s8 =	simm.s32 $0x8000;
	s13 =	simm.s32 $0x0;
	s3 =	sand.u32 $0xF80, s1  }
0x8: {  	s9 =	simm.s32 $0x0;
	s5 =	sshrl.u32 s1, $0xC;
	p0 =	sne.s32 s3, $0x0  }
.Ltmp0:
0x9: {  	s1 =	rddreg [dreg:$0x2];
	s4 =	simm.s32 @!p0 $0x0;
	(pc) =	sbr.rel .LBB1_1-.Ltmp0, $4  }
0xa: {  	s11 =	simm.s32 $0x0;
	s3 =	rddreg [dreg:$0x1];
	s5 =	sadd.s32 s4, s5  }
0xb: {  	_ =	strace $0x8000004A;
	s4 =	simm.s32 $0x1;
	s5 =	smul.u32 $0xC8, s5  }
0xc: {  	s6 =	sadd.s32 $0x20C00, s6;
	s10 =	smov.u32 s2;
	[sflag:s4] =	ssyncpa.u1 $0x0  }
0xd: {  	p0 =	por $0x0, $0x0;
	[sflag:s7] =	ssyncpa.u1 $0x0;
	s7 =	sor.u32 $0x1, s5  }
.LBB1_4:
0xe: {  	s16 =	sshll.u32 s13, $0x3;
	s17 =	sand.u32 $0x78, s13  }
0xf: {  	s30 =	sand.u32 $0x7E00, s13;
	s12 =	sshll.u32 s12, $0xF;
	s16 =	sand.u32 $0xC00, s16  }
0x10: {  	[tilespmem:s15+$0x810 ss:$0x81] =	vst.msk $0xffff, v2;
	s31 =	sand.u32 $0x7, s13;
	s16 =	sor.u32 s17, s16;
	s17 =	sadd.s32 s3, s30  }
0x11: {  	[tilespmem:s15+$0x1020 ss:$0x81] =	vst.msk $0xffff, v0;
	s13 =	sshll.u32 s31, $0x12;
	s12 =	sadd.s32 s12, s17;
	s16 =	sshrl.u32 s16, $0x3  }
0x12: {  	[tilespmem:s15+$0x0 ss:$0x81] =	vst.msk $0xffff, v1;
	s13 =	sor.u32 $0x400, s13;
	s12 =	sadd.s32 s16, s12  }
0x13: {  	[hbm4b:s12+s13] =	stream.strided.scatter [tilespmem:s14], [sflag:$0x2], $0x2000, s8, s13, $0x20;
	[tilespmem:$0x8080] =	vst v63  }
.LBB1_5:
0x14: {  	s14 =	sadd.s32 $0x1, s9  }
0x15: {  	s12 =	sadd.s32 $0x1000, s10;
	s16 =	smov.u32 s10;
	p2 =	sgt.s32 s14, $0xC7  }
0x16: {  	s16 =	smov.u32 @p2 s12  }
0x17: {  	s14 =	simm.s32 @p2 $0x0;
	p2 =	sgt.s32 s16, $0xFFF  }
0x18: {  	s16 =	smov.u32 @p2 s2;
	p2 =	sne.s32 s11, s7  }
.Ltmp1:
0x19: {  	p1 =	slt.u32 s11, $0x2;
	(pc) =	sbr.rel @!p2 .LBB1_6-.Ltmp1, $4  }
0x1a: {  	s15 =	simm.s32 @!p1 $0x2  }
0x1b: {  	s13 =	smov.u32 s10;
	p0 =	por !p0, !p0;
	_ =	swait.ge @!p1 [sflag:s15], $0x2000  }
0x1c: {  	s12 =	smov.u32 s9;
	[sflag:s15] =	ssyncset.done @!p1 $0x0;
	s9 =	smov.u32 s14  }
0x1d: {  	s11 =	sadd.s32 $0x1, s11;
	[sflag:s15] =	ssyncadd.s32 @!p1 $0xFFFFE000;
	s10 =	smov.u32 s16  }
.LBB1_1:
0x1e: {  	p1 =	sge.u32 s11, s5  }
0x1f: {  	s14 =	sand.u32 @!p1 $0x1FFFFFF, s9  }
0x20: {  	s15 =	smulhi.u32 @!p1 $0x147AE15, s14;
	_ =	sdelay $0x1  }
0x21: {  	s15 =	smul.u32 @!p1 $0xC8, s15  }
0x22: {  	s16 =	sxor.u32 @!p1 $0xFFFFFFFF, s11;
	s17 =	smul.u32 @!p1 $0xC80, s10  }
0x23: {  	s31 =	sadd.s32 $0xFFFFFFFF, s11;
	s16 =	sshll.u32 @!p1 s16, $0xD;
	s14 =	ssub.s32 @!p1 s14, s15  }
0x24: {  	s15 =	sand.u32 @!p1 $0x2000, s16;
	s16 =	sadd.s32 @!p1 s6, s17;
	s14 =	sshll.u32 @!p1 s14, $0x4  }
0x25: {  	s17 =	simm.s32 @!p1 $0x6400;
	s14 =	sadd.s32 @!p1 s14, s16;
	s16 =	simm.s32 @!p1 $0x40  }
0x26: {  	[tilespmem:s15], [sflag:$0x1] =	stream.strided.gather @!p1 [hbm4b:s14+s16], $0x2000, s17, s16, $0x38;
	[tilespmem:$0x8080] =	vst v63  }
0x27: {  	p1 =	sge.u32 s31, s5  }
.Ltmp2:
0x28: {  	_ = 	snop;
	(pc) =	sbr.rel @p1 .LBB1_5-.Ltmp2, $1  }
0x29: {  	_ =	sdelay $0x3  }
0x2a: {  	s14 =	simm.s32 $0x1  }
0x2b: {  	_ =	swait.ge [sflag:s4], $0x2000;
	s14 =	simm.s32 @!p0 $0x0  }
0x2c: {  	[sflag:s4] =	ssyncset.done $0x0;
	s15 =	sshll.u32 s14, $0xD  }
0x2d: {  	[sflag:s4] =	ssyncadd.s32 $0xFFFFE000;
	s18 =	sor.u32 $0x20, s15  }
0x2e: {  	s14 =	smul.u32 $0x8100, s14;
	v3 =	vld [tilespmem:s18+$0x10]  }
0x2f: {  	s30 =	sand.u32 $0x1, s11;
	v2 =	vld [tilespmem:s18+$0xFFFFFFF0]  }
0x30: {  	s15 =	smul.u32 $0x8100, s30;
	s14 =	sshrl.u32 s14, $0x2;
	v0 =	vld [tilespmem:s18+$0x0]  }
0x31: {  	v1 =	vld [tilespmem:s18+$0xFFFFFFE0];
	s16 =	sor.u32 $0x4000, s14  }
0x32: {  	s31 =	sshrl.u32 s15, $0x2;
	s15 =	sadd.s32 $0x0, s16  }
0x33: {  	s17 =	simm.s32 $0x4;
	s18 =	sadd.s32 $0x40, s18;
	s14 =	sor.u32 $0x4000, s31;
	[tilespmem:s15+$0x1830 ss:$0x81] =	vst.msk $0xffff, v3  }
.LBB1_3:
0x34: {  	v3 =	vld [tilespmem:s18+$0x10];
	p1 =	sne.s32 s17, $0x1FC;
	[tilespmem:s15+$0x810 ss:$0x81] =	vst.msk $0xffff, v2;
	s19 =	smov.u32 s17;
	s17 =	sadd.s32 $0x4, s17  }
.Ltmp3:
0x35: {  	v2 =	vld [tilespmem:s18+$0xFFFFFFF0];
	[tilespmem:s15+$0x1020 ss:$0x81] =	vst.msk $0xffff, v0;
	(pc) =	sbr.rel @p1 .LBB1_3-.Ltmp3, $4  }
0x36: {  	v0 =	vld [tilespmem:s18+$0x0];
	[tilespmem:s15+$0x0 ss:$0x81] =	vst.msk $0xffff, v1  }
0x37: {  	s15 =	sshra.s32 s19, $0x2;
	v1 =	vld [tilespmem:s18+$0xFFFFFFE0]  }
0x38: {  	s15 =	sadd.s32 s15, s16  }
0x39: {  	s18 =	sadd.s32 $0x40, s18;
	[tilespmem:s15+$0x1830 ss:$0x81] =	vst.msk $0xffff, v3  }
.Ltmp4:
0x3a: {  	_ = 	snop;
	(pc) =	sbr.rel .LBB1_4-.Ltmp4, $1  }
0x3b: {  	_ =	sdelay $0x3  }
.LBB1_6:
0x3c: {  	_ =	sfence.sel $0x180000  }
0x3d: {  	s2 =	simm.s32 $0x1;
	[bflag:$0x0] =	sbarrier.arrive $0xFFFF  }
0x3e: {  	s31 =	simm.s32 $0x2;
	[sflag:s2] =	ssyncpa.u1 $0x1  }
0x3f: {  	[sflag:s31] =	ssyncpa.u1 $0x1  }
0x40: {  	p0 =	sne.s32 s0, $0x0;
	_ =	strace $0x9000004A  }
0x41: {  	s0 =	sadd.s32 @!p0 $0x100000, s1;
	[bflag:$0x2] =	sbarrier.arrive $0xFFFF  }
0x42: {  	[sflag:s0] =	ssyncadd.tile.s32 @!p0 $0x1;
	_ =	shalt  }
.Lfunc_end1:
_tile_overlayer_lowered:
.L_overlay_start_2:
0x43: {  	(tag) =	ssettag $0x2  }
0x44: {  	s0 =	rddreg [dreg:$0x0];
	s2 =	stileid.u32  }
0x45: {  	s1 =	rddreg [dreg:$0x1];
	p0 =	sne.s32 s2, $0x0  }
0x46: {  	s3 =	rddreg [dreg:$0x2];
	[bflag:$0x3] =	sbarrier.arrive $0xFFFF;
	s2 =	simm.s32 @!p0 $0x1C01  }
0x47: {  	[timem:s3], [sflag:s2] =	dma.local @!p0 [hbm:s0], s1  }
0x48: {  	s0 =	simm.s32 @!p0 $0x1  }
0x49: {  	_ =	swait.ge @!p0 [sflag:s0], s1  }
0x4a: {  	s1 =	ssub.s32 @!p0 $0x0, s1;
	[sflag:s0] =	ssyncset.done @!p0 $0x0  }
0x4b: {  	[sflag:s0] =	ssyncadd.s32 @!p0 s1  }
0x4c: {  	[bflag:$0x3] =	sbarrier.arrive $0xFFFF  }
0x4d: {  	_ =	shalt  }

</sc_bundles>
